<compile_context>
chip_gen: v7x
topology: tpu7x:2x2x1
jax: 0.10.2.dev20260603
libtpu: 0.0.44.dev20260713+nightly
codegen_flags: <defaults>
</compile_context>

<pallas_src>
import functools

import jax
import jax.numpy as jnp
from jax import lax
from jax.experimental import pallas as pl
from jax.experimental.pallas import tpu as pltpu
from jax.experimental.pallas import tpu_sc as plsc

N = 10000
D = 128
HID = 8
HEADS = 8
NCLS = 7

NP = 10240
RB = 128
NBLK = NP // RB

CH = 128
NSC = 2
NTIL = 16
EP = 331776
EPW = EP // (NSC * NTIL)
NCHUNK = EPW // CH
RPT = NP // NTIL
NST = RPT // 64
EB = 512
NEBLK = EP // EB

_MESH = dict(core_axis_name="c", subcore_axis_name="s")


def _lrelu(v):
    return jnp.maximum(v, 0.2 * v)


def _sc_scatter(W):
    mesh = plsc.VectorSubcoreMesh(**_MESH)

    @functools.partial(
        pl.kernel,
        mesh=mesh,
        out_type=jax.ShapeDtypeStruct((NSC, NP, W), jnp.float32),
        scratch_types=[
            pltpu.VMEM((CH,), jnp.int32),
            pltpu.VMEM((CH, W), jnp.float32),
            pltpu.VMEM((64, W), jnp.float32),
            pltpu.VMEM_SHARED((NP, W), jnp.float32),
        ],
    )
    def kern(rows_hbm, dst_hbm, out_hbm, didx, erows, zbuf, acc):
        cid = lax.axis_index("c")
        sid = lax.axis_index("s")
        rbase = sid * RPT
        z16 = jnp.zeros((16,), jnp.float32)

        def zrow(r, carry):
            for c in range(W // 16):
                zbuf[r, pl.ds(16 * c, 16)] = z16
            return carry

        lax.fori_loop(0, 64, zrow, 0)
        for t in range(NST):
            pltpu.sync_copy(zbuf, acc.at[pl.ds(rbase + t * 64, 64)])
        plsc.subcore_barrier()

        ebase = (cid * NTIL + sid) * EPW

        def chunk(i, carry):
            g = ebase + i * CH
            pltpu.sync_copy(dst_hbm.at[pl.ds(g, CH)], didx)
            pltpu.sync_copy(rows_hbm.at[pl.ds(g, CH)], erows)
            pltpu.sync_copy(erows, acc.at[didx], add=True)
            return carry

        lax.fori_loop(0, NCHUNK, chunk, 0)
        plsc.subcore_barrier()
        for t in range(NST):
            r0 = rbase + t * 64
            pltpu.sync_copy(acc.at[pl.ds(r0, 64)], zbuf)
            pltpu.sync_copy(zbuf, out_hbm.at[cid, pl.ds(r0, 64)])

    return kern


def _tc_layer1_pre(xp, W1, As1, Ad1):
    def body(x_ref, w_ref, as_ref, ad_ref, h_ref, as_o, ad_o, m_ref,
             smax, dmax):
        i = pl.program_id(0)
        h = jnp.dot(x_ref[...], w_ref[...], preferred_element_type=jnp.float32)
        asb = jnp.dot(h, as_ref[...], preferred_element_type=jnp.float32)
        adb = jnp.dot(h, ad_ref[...], preferred_element_type=jnp.float32)
        h_ref[...] = h
        as_o[...] = asb
        ad_o[...] = adb

        @pl.when(i == 0)
        def _():
            smax[...] = jnp.full((1, 16), -1e30, jnp.float32)
            dmax[...] = jnp.full((1, 16), -1e30, jnp.float32)

        smax[...] = jnp.maximum(smax[...], jnp.max(asb, axis=0, keepdims=True))
        dmax[...] = jnp.maximum(dmax[...], jnp.max(adb, axis=0, keepdims=True))

        @pl.when(i == NBLK - 1)
        def _():
            m_ref[...] = _lrelu(smax[...] + dmax[...])

    return pl.pallas_call(
        body,
        grid=(NBLK,),
        in_specs=[
            pl.BlockSpec((RB, D), lambda i: (i, 0)),
            pl.BlockSpec((D, HEADS * HID), lambda i: (0, 0)),
            pl.BlockSpec((HEADS * HID, 16), lambda i: (0, 0)),
            pl.BlockSpec((HEADS * HID, 16), lambda i: (0, 0)),
        ],
        out_specs=[
            pl.BlockSpec((RB, 64), lambda i: (i, 0)),
            pl.BlockSpec((RB, 16), lambda i: (i, 0)),
            pl.BlockSpec((RB, 16), lambda i: (i, 0)),
            pl.BlockSpec((1, 16), lambda i: (0, 0)),
        ],
        out_shape=[
            jax.ShapeDtypeStruct((NP, 64), jnp.float32),
            jax.ShapeDtypeStruct((NP, 16), jnp.float32),
            jax.ShapeDtypeStruct((NP, 16), jnp.float32),
            jax.ShapeDtypeStruct((1, 16), jnp.float32),
        ],
        scratch_shapes=[
            pltpu.VMEM((1, 16), jnp.float32),
            pltpu.VMEM((1, 16), jnp.float32),
        ],
    )(xp, W1, As1, Ad1)


def _tc_edge1(asg, adg, hg, m1, RR):
    def body(as_ref, ad_ref, h_ref, m_ref, rr_ref, o_ref):
        w = jnp.exp(_lrelu(as_ref[...] + ad_ref[...]) - m_ref[...])
        wrep = jnp.dot(w, rr_ref[...], preferred_element_type=jnp.float32)
        o_ref[...] = jnp.concatenate([h_ref[...] * wrep, w], axis=1)

    return pl.pallas_call(
        body,
        grid=(NEBLK,),
        in_specs=[
            pl.BlockSpec((EB, 16), lambda i: (i, 0)),
            pl.BlockSpec((EB, 16), lambda i: (i, 0)),
            pl.BlockSpec((EB, 64), lambda i: (i, 0)),
            pl.BlockSpec((1, 16), lambda i: (0, 0)),
            pl.BlockSpec((16, 64), lambda i: (0, 0)),
        ],
        out_specs=pl.BlockSpec((EB, 80), lambda i: (i, 0)),
        out_shape=jax.ShapeDtypeStruct((EP, 80), jnp.float32),
    )(asg, adg, hg, m1, RR)


def _tc_edge2(gg, adg, m2, P7):
    def body(g_ref, ad_ref, m_ref, p7_ref, o_ref):
        wfull = jnp.exp(_lrelu(g_ref[...] + ad_ref[...]) - m_ref[...])
        wrep = jnp.dot(wfull, p7_ref[...], preferred_element_type=jnp.float32)
        o_ref[...] = g_ref[...] * wrep

    return pl.pallas_call(
        body,
        grid=(NEBLK,),
        in_specs=[
            pl.BlockSpec((EB, 16), lambda i: (i, 0)),
            pl.BlockSpec((EB, 16), lambda i: (i, 0)),
            pl.BlockSpec((1, 16), lambda i: (0, 0)),
            pl.BlockSpec((16, 16), lambda i: (0, 0)),
        ],
        out_specs=pl.BlockSpec((EB, 16), lambda i: (i, 0)),
        out_shape=jax.ShapeDtypeStruct((EP, 16), jnp.float32),
    )(gg, adg, m2, P7)


def _tc_mid(a0, a1, b1r, W2big, Wad2, Rrep):
    def body(a0_ref, a1_ref, b1_ref, w2_ref, wad_ref, rr_ref,
             g_ref, adt_ref, mm_ref, smax, dmax):
        i = pl.program_id(0)
        acc = a0_ref[...] + a1_ref[...]
        s = acc[:, 64:72]
        s64 = jnp.dot(s, rr_ref[...], preferred_element_type=jnp.float32)
        z = acc[:, 0:64] / jnp.maximum(s64, 1e-30) + b1_ref[...]
        h1 = jnp.where(z > 0, z, jnp.exp(jnp.minimum(z, 0.0)) - 1.0)
        g = jnp.dot(h1, w2_ref[...], preferred_element_type=jnp.float32)
        lane = lax.broadcasted_iota(jnp.int32, (RB, 16), 1)
        g = g + jnp.where(lane == 8, 1.0, 0.0)
        adt = jnp.dot(h1, wad_ref[...], preferred_element_type=jnp.float32)
        g_ref[...] = g
        adt_ref[...] = adt

        rows = i * RB + lax.broadcasted_iota(jnp.int32, (RB, 16), 0)
        valid = rows < N

        @pl.when(i == 0)
        def _():
            smax[...] = jnp.full((1, 16), -1e30, jnp.float32)
            dmax[...] = jnp.full((1, 16), -1e30, jnp.float32)

        smax[...] = jnp.maximum(
            smax[...], jnp.max(jnp.where(valid, g, -1e30), axis=0, keepdims=True))
        dmax[...] = jnp.maximum(
            dmax[...], jnp.max(jnp.where(valid, adt, -1e30), axis=0, keepdims=True))

        @pl.when(i == NBLK - 1)
        def _():
            lane1 = lax.broadcasted_iota(jnp.int32, (1, 16), 1)
            a7 = jnp.max(jnp.where(lane1 == 7, smax[...], -1e30))
            d0 = jnp.max(jnp.where(lane1 == 0, dmax[...], -1e30))
            mm_ref[...] = jnp.full((1, 16), _lrelu(a7 + d0), jnp.float32)

    return pl.pallas_call(
        body,
        grid=(NBLK,),
        in_specs=[
            pl.BlockSpec((RB, 80), lambda i: (i, 0)),
            pl.BlockSpec((RB, 80), lambda i: (i, 0)),
            pl.BlockSpec((1, 64), lambda i: (0, 0)),
            pl.BlockSpec((64, 16), lambda i: (0, 0)),
            pl.BlockSpec((64, 16), lambda i: (0, 0)),
            pl.BlockSpec((8, 64), lambda i: (0, 0)),
        ],
        out_specs=[
            pl.BlockSpec((RB, 16), lambda i: (i, 0)),
            pl.BlockSpec((RB, 16), lambda i: (i, 0)),
            pl.BlockSpec((1, 16), lambda i: (0, 0)),
        ],
        out_shape=[
            jax.ShapeDtypeStruct((NP, 16), jnp.float32),
            jax.ShapeDtypeStruct((NP, 16), jnp.float32),
            jax.ShapeDtypeStruct((1, 16), jnp.float32),
        ],
        scratch_shapes=[
            pltpu.VMEM((1, 16), jnp.float32),
            pltpu.VMEM((1, 16), jnp.float32),
        ],
    )(a0, a1, b1r, W2big, Wad2, Rrep)


def _tc_post(a0, a1, b2r):
    def body(a0_ref, a1_ref, b2_ref, o_ref):
        t = a0_ref[...] + a1_ref[...]
        iota2 = lax.broadcasted_iota(jnp.int32, (16, 16), 0)
        P = jnp.where(iota2 == 8, 1.0, 0.0)
        s2 = jnp.dot(t, P, preferred_element_type=jnp.float32)
        logits = t / jnp.maximum(s2, 1e-30) + b2_ref[...]
        lane = lax.broadcasted_iota(jnp.int32, (RB, 16), 1)
        ok = lane < NCLS
        lm = jnp.max(jnp.where(ok, logits, -1e30), axis=1, keepdims=True)
        ex = jnp.where(ok, jnp.exp(logits - lm), 0.0)
        ss = jnp.sum(ex, axis=1, keepdims=True)
        o_ref[...] = logits - lm - jnp.log(ss)

    return pl.pallas_call(
        body,
        grid=(NBLK,),
        in_specs=[
            pl.BlockSpec((RB, 16), lambda i: (i, 0)),
            pl.BlockSpec((RB, 16), lambda i: (i, 0)),
            pl.BlockSpec((1, 16), lambda i: (0, 0)),
        ],
        out_specs=pl.BlockSpec((RB, 16), lambda i: (i, 0)),
        out_shape=jax.ShapeDtypeStruct((NP, 16), jnp.float32),
    )(a0, a1, b2r)


def kernel(x, edge_index, W1, att_src1, att_dst1, b1, W2, att_src2, att_dst2, b2):
    f32 = jnp.float32
    xp = jnp.pad(x, ((0, NP - N), (0, 0)))
    onehot = (jnp.arange(64)[:, None] // HID == jnp.arange(16)[None, :]).astype(f32)
    As1 = att_src1.reshape(64, 1) * onehot
    Ad1 = att_dst1.reshape(64, 1) * onehot

    loop = jnp.arange(N, dtype=edge_index.dtype)
    padi = jnp.full((EP - N - edge_index.shape[1],), N, edge_index.dtype)
    srcp = jnp.concatenate([edge_index[0], loop, padi])
    dstp = jnp.concatenate([edge_index[1], loop, padi])

    as2v = att_src2.reshape(NCLS, 1)
    ad2v = att_dst2.reshape(NCLS, 1)
    W2big = jnp.concatenate([W2, W2 @ as2v, jnp.zeros((64, 8), f32)], axis=1)
    Wad2 = jnp.concatenate(
        [jnp.tile(W2 @ ad2v, (1, 8)), jnp.zeros((64, 8), f32)], axis=1)
    Rrep = (jnp.arange(8)[:, None] == jnp.arange(64)[None, :] // HID).astype(f32)
    RR = (jnp.arange(16)[:, None] == jnp.arange(64)[None, :] // HID).astype(f32)
    P7 = (jnp.arange(16)[:, None] == 7).astype(f32) * jnp.ones((16, 16), f32)
    b1r = b1.reshape(1, 64)
    b2r = jnp.concatenate([b2, jnp.zeros((9,), f32)]).reshape(1, 16)

    H1, AS1, AD1, M1 = _tc_layer1_pre(xp, W1, As1, Ad1)
    asg = jnp.take(AS1, srcp, axis=0)
    adg = jnp.take(AD1, dstp, axis=0)
    hg = jnp.take(H1, srcp, axis=0)
    rows1 = _tc_edge1(asg, adg, hg, M1, RR)
    acc1 = _sc_scatter(80)(rows1, dstp)

    G2, ad2t, M2 = _tc_mid(acc1[0], acc1[1], b1r, W2big, Wad2, Rrep)
    gg = jnp.take(G2, srcp, axis=0)
    ad2g = jnp.take(ad2t, dstp, axis=0)
    rows2 = _tc_edge2(gg, ad2g, M2, P7)
    acc2 = _sc_scatter(16)(rows2, dstp)

    out = _tc_post(acc2[0], acc2[1], b2r)
    return out[:N, :NCLS]

# --- scband reference (transcript-rebuilt; emitter-appended) ---
"""Pipeline reference for scband-net-22539988369803 (READ-ONLY COPY).

The authoritative reference and input builder live on the scoring server;
editing this copy changes nothing except your own understanding.
"""

import jax, jax.numpy as jnp
import numpy as np

N = 10000
E = 320000
D = 128
HID = 8
HEADS = 8
NCLS = 7


def setup_inputs(seed: int = 0) -> dict:
    key = jax.random.key(seed)
    ks = jax.random.split(key, 12)
    x = jax.random.normal(ks[0], (N, D), dtype=jnp.float32)
    edge_index = jax.random.randint(ks[1], (2, E), 0, N, dtype=jnp.int32)
    W1 = jax.random.normal(ks[2], (D, HEADS * HID), dtype=jnp.float32) * (1.0 / np.sqrt(D))
    att_src1 = jax.random.normal(ks[3], (1, HEADS, HID), dtype=jnp.float32) * 0.1
    att_dst1 = jax.random.normal(ks[4], (1, HEADS, HID), dtype=jnp.float32) * 0.1
    b1 = jnp.zeros((HEADS * HID,), dtype=jnp.float32)
    W2 = jax.random.normal(ks[5], (HEADS * HID, 1 * NCLS), dtype=jnp.float32) * (1.0 / np.sqrt(HEADS * HID))
    att_src2 = jax.random.normal(ks[6], (1, 1, NCLS), dtype=jnp.float32) * 0.1
    att_dst2 = jax.random.normal(ks[7], (1, 1, NCLS), dtype=jnp.float32) * 0.1
    b2 = jnp.zeros((NCLS,), dtype=jnp.float32)
    return {"x": x, "edge_index": edge_index, "W1": W1, "att_src1": att_src1, "att_dst1": att_dst1, "b1": b1, "W2": W2, "att_src2": att_src2, "att_dst2": att_dst2, "b2": b2}


def _gat_conv(x, src, dst, W, att_src, att_dst, bias, heads, out_ch, concat):
    n = x.shape[0]
    h = (x @ W).reshape(n, heads, out_ch)
    a_src = jnp.sum(h * att_src, axis=-1)  # [N, H]
    a_dst = jnp.sum(h * att_dst, axis=-1)  # [N, H]
    e = a_src[src] + a_dst[dst]            # [E, H]
    e = jax.nn.leaky_relu(e, negative_slope=0.2)
    m = jax.ops.segment_max(e, dst, num_segments=n)
    e = jnp.exp(e - m[dst])
    s = jax.ops.segment_sum(e, dst, num_segments=n)
    alpha = e / s[dst]
    msg = h[src] * alpha[..., None]        # [E, H, C]
    out = jax.ops.segment_sum(msg, dst, num_segments=n)
    if concat:
        out = out.reshape(n, heads * out_ch)
    else:
        out = out.mean(axis=1)
    return out + bias


def reference(x, edge_index, W1, att_src1, att_dst1, b1, W2, att_src2, att_dst2, b2):
    # add self-loops (PyG GATConv default add_self_loops=True)
    loop = jnp.arange(N, dtype=edge_index.dtype)
    src = jnp.concatenate([edge_index[0], loop])
    dst = jnp.concatenate([edge_index[1], loop])
    # dropout is identity in eval / p=0.0
    h1 = _gat_conv(x, src, dst, W1, att_src1, att_dst1, b1, HEADS, HID, True)
    h1 = jax.nn.elu(h1)
    h2 = _gat_conv(h1, src, dst, W2, att_src2, att_dst2, b2, 1, NCLS, False)
    return jax.nn.log_softmax(h2, axis=1)

if __name__ == "__main__":
    import jax
    _d = setup_inputs()
    print(jax.jit(kernel)(*tuple(_d.values())))

</pallas_src>

<mosaic_0001>
#map = affine_map<(d0, d1) -> (0, 0)>
#map1 = affine_map<(d0, d1) -> (0)>
#map2 = affine_map<(d0, d1) -> (0, 0, 0)>
module attributes {stable_mosaic.version = 14 : i64} {
  func.func @kern(%arg0: i32, %arg1: i32, %arg2: memref<331776x80xf32, #tpu.memory_space<hbm>>, %arg3: memref<331776xi32, #tpu.memory_space<hbm>>, %arg4: memref<2x10240x80xf32, #tpu.memory_space<hbm>>, %arg5: memref<128xi32, #tpu.memory_space<vmem>>, %arg6: memref<128x80xf32, #tpu.memory_space<vmem>>, %arg7: memref<64x80xf32, #tpu.memory_space<vmem>>, %arg8: memref<10240x80xf32, #tpu.memory_space<vmem_shared>>) attributes {dimension_semantics = [#tpu.dimension_semantics<core_parallel>, #tpu.dimension_semantics<subcore_parallel>], iteration_bounds = array<i64: 2, 16>, scalar_prefetch = 0 : i64, scratch_operands = 4 : i64, tpu.core_type = #tpu.core_type<sc_vector_subcore>, window_params = [{transform_indices = #map}, {transform_indices = #map1}, {transform_indices = #map2}]} {
    %mul3A = arith.constant 640 : i32
    %mul3A_0 = arith.muli %arg1, %mul3A : i32
    %broadcast_in_dim3A = arith.constant 0.000000e+00 : f32
    %broadcast_in_dim3A_1 = vector.broadcast %broadcast_in_dim3A : f32 to vector<16xf32>
    %scan3A = arith.constant 0 : i32
    %scan3A_2 = arith.constant 0 : i32
    %scan3A_3 = arith.constant 64 : i32
    %scan3A_4 = arith.addi %scan3A_2, %scan3A_3 : i32
    %scan3A_5 = arith.constant 1 : i32
    scf.for %scan3A_58 = %scan3A_2 to %scan3A_4 step %scan3A_5  : i32 {
      %swap3A = arith.index_cast %scan3A_58 : i32 to index
      %swap3A_59 = arith.constant 0 : index
      %swap3A_60 = tpu.vector_load %arg7[%swap3A, %swap3A_59] {strides = array<i32>} : memref<64x80xf32, #tpu.memory_space<vmem>>, vector<1x16xf32>,
      %swap3A_61 = vector.shape_cast %swap3A_60 : vector<1x16xf32> to vector<16xf32>
      %swap3A_62 = vector.shape_cast %broadcast_in_dim3A_1 : vector<16xf32> to vector<1x16xf32>
      tpu.vector_store %arg7[%swap3A, %swap3A_59], %swap3A_62 {strides = array<i32>} : memref<64x80xf32, #tpu.memory_space<vmem>>, vector<1x16xf32>,
      %swap3A_63 = arith.index_cast %scan3A_58 : i32 to index
      %swap3A_64 = arith.constant 16 : index
      %swap3A_65 = tpu.vector_load %arg7[%swap3A_63, %swap3A_64] {strides = array<i32>} : memref<64x80xf32, #tpu.memory_space<vmem>>, vector<1x16xf32>,
      %swap3A_66 = vector.shape_cast %swap3A_65 : vector<1x16xf32> to vector<16xf32>
      %swap3A_67 = vector.shape_cast %broadcast_in_dim3A_1 : vector<16xf32> to vector<1x16xf32>
      tpu.vector_store %arg7[%swap3A_63, %swap3A_64], %swap3A_67 {strides = array<i32>} : memref<64x80xf32, #tpu.memory_space<vmem>>, vector<1x16xf32>,
      %swap3A_68 = arith.index_cast %scan3A_58 : i32 to index
      %swap3A_69 = arith.constant 32 : index
      %swap3A_70 = tpu.vector_load %arg7[%swap3A_68, %swap3A_69] {strides = array<i32>} : memref<64x80xf32, #tpu.memory_space<vmem>>, vector<1x16xf32>,
      %swap3A_71 = vector.shape_cast %swap3A_70 : vector<1x16xf32> to vector<16xf32>
      %swap3A_72 = vector.shape_cast %broadcast_in_dim3A_1 : vector<16xf32> to vector<1x16xf32>
      tpu.vector_store %arg7[%swap3A_68, %swap3A_69], %swap3A_72 {strides = array<i32>} : memref<64x80xf32, #tpu.memory_space<vmem>>, vector<1x16xf32>,
      %swap3A_73 = arith.index_cast %scan3A_58 : i32 to index
      %swap3A_74 = arith.constant 48 : index
      %swap3A_75 = tpu.vector_load %arg7[%swap3A_73, %swap3A_74] {strides = array<i32>} : memref<64x80xf32, #tpu.memory_space<vmem>>, vector<1x16xf32>,
      %swap3A_76 = vector.shape_cast %swap3A_75 : vector<1x16xf32> to vector<16xf32>
      %swap3A_77 = vector.shape_cast %broadcast_in_dim3A_1 : vector<16xf32> to vector<1x16xf32>
      tpu.vector_store %arg7[%swap3A_73, %swap3A_74], %swap3A_77 {strides = array<i32>} : memref<64x80xf32, #tpu.memory_space<vmem>>, vector<1x16xf32>,
      %swap3A_78 = arith.index_cast %scan3A_58 : i32 to index
      %swap3A_79 = arith.constant 64 : index
      %swap3A_80 = tpu.vector_load %arg7[%swap3A_78, %swap3A_79] {strides = array<i32>} : memref<64x80xf32, #tpu.memory_space<vmem>>, vector<1x16xf32>,
      %swap3A_81 = vector.shape_cast %swap3A_80 : vector<1x16xf32> to vector<16xf32>
      %swap3A_82 = vector.shape_cast %broadcast_in_dim3A_1 : vector<16xf32> to vector<1x16xf32>
      tpu.vector_store %arg7[%swap3A_78, %swap3A_79], %swap3A_82 {strides = array<i32>} : memref<64x80xf32, #tpu.memory_space<vmem>>, vector<1x16xf32>,
    }
    %scan3A_6 = arith.constant 64 : i32
    %add3A = arith.constant 0 : i32
    %add3A_7 = arith.addi %mul3A_0, %add3A : i32
    "tpu.region"() ({
      %run_scoped3A = tpu.sem_alloc : memref<!tpu.dma_semaphore, #tpu.memory_space<semaphore_mem>>
      %dma_start3A = arith.constant 0 : i32
      %dma_start3A_58 = tpu.memref_slice %arg8[%add3A_7, %dma_start3A] : memref<10240x80xf32, #tpu.memory_space<vmem_shared>> -> memref<64x80xf32, #tpu.memory_space<vmem_shared>>
      %dma_start3A_59 = arith.constant 0 : i32
      %dma_start3A_60 = tpu.memref_slice %arg8[%add3A_7, %dma_start3A_59] : memref<10240x80xf32, #tpu.memory_space<vmem_shared>> -> memref<64x80xf32, #tpu.memory_space<vmem_shared>>
      tpu.enqueue_dma source(%arg7 : memref<64x80xf32, #tpu.memory_space<vmem>>) target(%dma_start3A_60 : memref<64x80xf32, #tpu.memory_space<vmem_shared>>) target_semaphore(%run_scoped3A : memref<!tpu.dma_semaphore, #tpu.memory_space<semaphore_mem>>)
      %dma_wait3A = arith.constant 0 : i32
      %dma_wait3A_61 = tpu.memref_slice %arg8[%add3A_7, %dma_wait3A] : memref<10240x80xf32, #tpu.memory_space<vmem_shared>> -> memref<64x80xf32, #tpu.memory_space<vmem_shared>>
      %dma_wait3A_62 = arith.constant 0 : i32
      %dma_wait3A_63 = tpu.memref_slice %arg8[%add3A_7, %dma_wait3A_62] : memref<10240x80xf32, #tpu.memory_space<vmem_shared>> -> memref<64x80xf32, #tpu.memory_space<vmem_shared>>
      tpu.wait_dma2 semaphore(%run_scoped3A : memref<!tpu.dma_semaphore, #tpu.memory_space<semaphore_mem>>) src(%arg7 : memref<64x80xf32, #tpu.memory_space<vmem>>) dst(%dma_wait3A_63 : memref<64x80xf32, #tpu.memory_space<vmem_shared>>)
      tpu.yield
    }) : () -> ()
    %add3A_8 = arith.constant 64 : i32
    %add3A_9 = arith.addi %mul3A_0, %add3A_8 : i32
    "tpu.region"() ({
      %run_scoped3A = tpu.sem_alloc : memref<!tpu.dma_semaphore, #tpu.memory_space<semaphore_mem>>
      %dma_start3A = arith.constant 0 : i32
      %dma_start3A_58 = tpu.memref_slice %arg8[%add3A_9, %dma_start3A] : memref<10240x80xf32, #tpu.memory_space<vmem_shared>> -> memref<64x80xf32, #tpu.memory_space<vmem_shared>>
      %dma_start3A_59 = arith.constant 0 : i32
      %dma_start3A_60 = tpu.memref_slice %arg8[%add3A_9, %dma_start3A_59] : memref<10240x80xf32, #tpu.memory_space<vmem_shared>> -> memref<64x80xf32, #tpu.memory_space<vmem_shared>>
      tpu.enqueue_dma source(%arg7 : memref<64x80xf32, #tpu.memory_space<vmem>>) target(%dma_start3A_60 : memref<64x80xf32, #tpu.memory_space<vmem_shared>>) target_semaphore(%run_scoped3A : memref<!tpu.dma_semaphore, #tpu.memory_space<semaphore_mem>>)
      %dma_wait3A = arith.constant 0 : i32
      %dma_wait3A_61 = tpu.memref_slice %arg8[%add3A_9, %dma_wait3A] : memref<10240x80xf32, #tpu.memory_space<vmem_shared>> -> memref<64x80xf32, #tpu.memory_space<vmem_shared>>
      %dma_wait3A_62 = arith.constant 0 : i32
      %dma_wait3A_63 = tpu.memref_slice %arg8[%add3A_9, %dma_wait3A_62] : memref<10240x80xf32, #tpu.memory_space<vmem_shared>> -> memref<64x80xf32, #tpu.memory_space<vmem_shared>>
      tpu.wait_dma2 semaphore(%run_scoped3A : memref<!tpu.dma_semaphore, #tpu.memory_space<semaphore_mem>>) src(%arg7 : memref<64x80xf32, #tpu.memory_space<vmem>>) dst(%dma_wait3A_63 : memref<64x80xf32, #tpu.memory_space<vmem_shared>>)
      tpu.yield
    }) : () -> ()
    %add3A_10 = arith.constant 128 : i32
    %add3A_11 = arith.addi %mul3A_0, %add3A_10 : i32
    "tpu.region"() ({
      %run_scoped3A = tpu.sem_alloc : memref<!tpu.dma_semaphore, #tpu.memory_space<semaphore_mem>>
      %dma_start3A = arith.constant 0 : i32
      %dma_start3A_58 = tpu.memref_slice %arg8[%add3A_11, %dma_start3A] : memref<10240x80xf32, #tpu.memory_space<vmem_shared>> -> memref<64x80xf32, #tpu.memory_space<vmem_shared>>
      %dma_start3A_59 = arith.constant 0 : i32
      %dma_start3A_60 = tpu.memref_slice %arg8[%add3A_11, %dma_start3A_59] : memref<10240x80xf32, #tpu.memory_space<vmem_shared>> -> memref<64x80xf32, #tpu.memory_space<vmem_shared>>
      tpu.enqueue_dma source(%arg7 : memref<64x80xf32, #tpu.memory_space<vmem>>) target(%dma_start3A_60 : memref<64x80xf32, #tpu.memory_space<vmem_shared>>) target_semaphore(%run_scoped3A : memref<!tpu.dma_semaphore, #tpu.memory_space<semaphore_mem>>)
      %dma_wait3A = arith.constant 0 : i32
      %dma_wait3A_61 = tpu.memref_slice %arg8[%add3A_11, %dma_wait3A] : memref<10240x80xf32, #tpu.memory_space<vmem_shared>> -> memref<64x80xf32, #tpu.memory_space<vmem_shared>>
      %dma_wait3A_62 = arith.constant 0 : i32
      %dma_wait3A_63 = tpu.memref_slice %arg8[%add3A_11, %dma_wait3A_62] : memref<10240x80xf32, #tpu.memory_space<vmem_shared>> -> memref<64x80xf32, #tpu.memory_space<vmem_shared>>
      tpu.wait_dma2 semaphore(%run_scoped3A : memref<!tpu.dma_semaphore, #tpu.memory_space<semaphore_mem>>) src(%arg7 : memref<64x80xf32, #tpu.memory_space<vmem>>) dst(%dma_wait3A_63 : memref<64x80xf32, #tpu.memory_space<vmem_shared>>)
      tpu.yield
    }) : () -> ()
    %add3A_12 = arith.constant 192 : i32
    %add3A_13 = arith.addi %mul3A_0, %add3A_12 : i32
    "tpu.region"() ({
      %run_scoped3A = tpu.sem_alloc : memref<!tpu.dma_semaphore, #tpu.memory_space<semaphore_mem>>
      %dma_start3A = arith.constant 0 : i32
      %dma_start3A_58 = tpu.memref_slice %arg8[%add3A_13, %dma_start3A] : memref<10240x80xf32, #tpu.memory_space<vmem_shared>> -> memref<64x80xf32, #tpu.memory_space<vmem_shared>>
      %dma_start3A_59 = arith.constant 0 : i32
      %dma_start3A_60 = tpu.memref_slice %arg8[%add3A_13, %dma_start3A_59] : memref<10240x80xf32, #tpu.memory_space<vmem_shared>> -> memref<64x80xf32, #tpu.memory_space<vmem_shared>>
      tpu.enqueue_dma source(%arg7 : memref<64x80xf32, #tpu.memory_space<vmem>>) target(%dma_start3A_60 : memref<64x80xf32, #tpu.memory_space<vmem_shared>>) target_semaphore(%run_scoped3A : memref<!tpu.dma_semaphore, #tpu.memory_space<semaphore_mem>>)
      %dma_wait3A = arith.constant 0 : i32
      %dma_wait3A_61 = tpu.memref_slice %arg8[%add3A_13, %dma_wait3A] : memref<10240x80xf32, #tpu.memory_space<vmem_shared>> -> memref<64x80xf32, #tpu.memory_space<vmem_shared>>
      %dma_wait3A_62 = arith.constant 0 : i32
      %dma_wait3A_63 = tpu.memref_slice %arg8[%add3A_13, %dma_wait3A_62] : memref<10240x80xf32, #tpu.memory_space<vmem_shared>> -> memref<64x80xf32, #tpu.memory_space<vmem_shared>>
      tpu.wait_dma2 semaphore(%run_scoped3A : memref<!tpu.dma_semaphore, #tpu.memory_space<semaphore_mem>>) src(%arg7 : memref<64x80xf32, #tpu.memory_space<vmem>>) dst(%dma_wait3A_63 : memref<64x80xf32, #tpu.memory_space<vmem_shared>>)
      tpu.yield
    }) : () -> ()
    %add3A_14 = arith.constant 256 : i32
    %add3A_15 = arith.addi %mul3A_0, %add3A_14 : i32
    "tpu.region"() ({
      %run_scoped3A = tpu.sem_alloc : memref<!tpu.dma_semaphore, #tpu.memory_space<semaphore_mem>>
      %dma_start3A = arith.constant 0 : i32
      %dma_start3A_58 = tpu.memref_slice %arg8[%add3A_15, %dma_start3A] : memref<10240x80xf32, #tpu.memory_space<vmem_shared>> -> memref<64x80xf32, #tpu.memory_space<vmem_shared>>
      %dma_start3A_59 = arith.constant 0 : i32
      %dma_start3A_60 = tpu.memref_slice %arg8[%add3A_15, %dma_start3A_59] : memref<10240x80xf32, #tpu.memory_space<vmem_shared>> -> memref<64x80xf32, #tpu.memory_space<vmem_shared>>
      tpu.enqueue_dma source(%arg7 : memref<64x80xf32, #tpu.memory_space<vmem>>) target(%dma_start3A_60 : memref<64x80xf32, #tpu.memory_space<vmem_shared>>) target_semaphore(%run_scoped3A : memref<!tpu.dma_semaphore, #tpu.memory_space<semaphore_mem>>)
      %dma_wait3A = arith.constant 0 : i32
      %dma_wait3A_61 = tpu.memref_slice %arg8[%add3A_15, %dma_wait3A] : memref<10240x80xf32, #tpu.memory_space<vmem_shared>> -> memref<64x80xf32, #tpu.memory_space<vmem_shared>>
      %dma_wait3A_62 = arith.constant 0 : i32
      %dma_wait3A_63 = tpu.memref_slice %arg8[%add3A_15, %dma_wait3A_62] : memref<10240x80xf32, #tpu.memory_space<vmem_shared>> -> memref<64x80xf32, #tpu.memory_space<vmem_shared>>
      tpu.wait_dma2 semaphore(%run_scoped3A : memref<!tpu.dma_semaphore, #tpu.memory_space<semaphore_mem>>) src(%arg7 : memref<64x80xf32, #tpu.memory_space<vmem>>) dst(%dma_wait3A_63 : memref<64x80xf32, #tpu.memory_space<vmem_shared>>)
      tpu.yield
    }) : () -> ()
    %add3A_16 = arith.constant 320 : i32
    %add3A_17 = arith.addi %mul3A_0, %add3A_16 : i32
    "tpu.region"() ({
      %run_scoped3A = tpu.sem_alloc : memref<!tpu.dma_semaphore, #tpu.memory_space<semaphore_mem>>
      %dma_start3A = arith.constant 0 : i32
      %dma_start3A_58 = tpu.memref_slice %arg8[%add3A_17, %dma_start3A] : memref<10240x80xf32, #tpu.memory_space<vmem_shared>> -> memref<64x80xf32, #tpu.memory_space<vmem_shared>>
      %dma_start3A_59 = arith.constant 0 : i32
      %dma_start3A_60 = tpu.memref_slice %arg8[%add3A_17, %dma_start3A_59] : memref<10240x80xf32, #tpu.memory_space<vmem_shared>> -> memref<64x80xf32, #tpu.memory_space<vmem_shared>>
      tpu.enqueue_dma source(%arg7 : memref<64x80xf32, #tpu.memory_space<vmem>>) target(%dma_start3A_60 : memref<64x80xf32, #tpu.memory_space<vmem_shared>>) target_semaphore(%run_scoped3A : memref<!tpu.dma_semaphore, #tpu.memory_space<semaphore_mem>>)
      %dma_wait3A = arith.constant 0 : i32
      %dma_wait3A_61 = tpu.memref_slice %arg8[%add3A_17, %dma_wait3A] : memref<10240x80xf32, #tpu.memory_space<vmem_shared>> -> memref<64x80xf32, #tpu.memory_space<vmem_shared>>
      %dma_wait3A_62 = arith.constant 0 : i32
      %dma_wait3A_63 = tpu.memref_slice %arg8[%add3A_17, %dma_wait3A_62] : memref<10240x80xf32, #tpu.memory_space<vmem_shared>> -> memref<64x80xf32, #tpu.memory_space<vmem_shared>>
      tpu.wait_dma2 semaphore(%run_scoped3A : memref<!tpu.dma_semaphore, #tpu.memory_space<semaphore_mem>>) src(%arg7 : memref<64x80xf32, #tpu.memory_space<vmem>>) dst(%dma_wait3A_63 : memref<64x80xf32, #tpu.memory_space<vmem_shared>>)
      tpu.yield
    }) : () -> ()
    %add3A_18 = arith.constant 384 : i32
    %add3A_19 = arith.addi %mul3A_0, %add3A_18 : i32
    "tpu.region"() ({
      %run_scoped3A = tpu.sem_alloc : memref<!tpu.dma_semaphore, #tpu.memory_space<semaphore_mem>>
      %dma_start3A = arith.constant 0 : i32
      %dma_start3A_58 = tpu.memref_slice %arg8[%add3A_19, %dma_start3A] : memref<10240x80xf32, #tpu.memory_space<vmem_shared>> -> memref<64x80xf32, #tpu.memory_space<vmem_shared>>
      %dma_start3A_59 = arith.constant 0 : i32
      %dma_start3A_60 = tpu.memref_slice %arg8[%add3A_19, %dma_start3A_59] : memref<10240x80xf32, #tpu.memory_space<vmem_shared>> -> memref<64x80xf32, #tpu.memory_space<vmem_shared>>
      tpu.enqueue_dma source(%arg7 : memref<64x80xf32, #tpu.memory_space<vmem>>) target(%dma_start3A_60 : memref<64x80xf32, #tpu.memory_space<vmem_shared>>) target_semaphore(%run_scoped3A : memref<!tpu.dma_semaphore, #tpu.memory_space<semaphore_mem>>)
      %dma_wait3A = arith.constant 0 : i32
      %dma_wait3A_61 = tpu.memref_slice %arg8[%add3A_19, %dma_wait3A] : memref<10240x80xf32, #tpu.memory_space<vmem_shared>> -> memref<64x80xf32, #tpu.memory_space<vmem_shared>>
      %dma_wait3A_62 = arith.constant 0 : i32
      %dma_wait3A_63 = tpu.memref_slice %arg8[%add3A_19, %dma_wait3A_62] : memref<10240x80xf32, #tpu.memory_space<vmem_shared>> -> memref<64x80xf32, #tpu.memory_space<vmem_shared>>
      tpu.wait_dma2 semaphore(%run_scoped3A : memref<!tpu.dma_semaphore, #tpu.memory_space<semaphore_mem>>) src(%arg7 : memref<64x80xf32, #tpu.memory_space<vmem>>) dst(%dma_wait3A_63 : memref<64x80xf32, #tpu.memory_space<vmem_shared>>)
      tpu.yield
    }) : () -> ()
    %add3A_20 = arith.constant 448 : i32
    %add3A_21 = arith.addi %mul3A_0, %add3A_20 : i32
    "tpu.region"() ({
      %run_scoped3A = tpu.sem_alloc : memref<!tpu.dma_semaphore, #tpu.memory_space<semaphore_mem>>
      %dma_start3A = arith.constant 0 : i32
      %dma_start3A_58 = tpu.memref_slice %arg8[%add3A_21, %dma_start3A] : memref<10240x80xf32, #tpu.memory_space<vmem_shared>> -> memref<64x80xf32, #tpu.memory_space<vmem_shared>>
      %dma_start3A_59 = arith.constant 0 : i32
      %dma_start3A_60 = tpu.memref_slice %arg8[%add3A_21, %dma_start3A_59] : memref<10240x80xf32, #tpu.memory_space<vmem_shared>> -> memref<64x80xf32, #tpu.memory_space<vmem_shared>>
      tpu.enqueue_dma source(%arg7 : memref<64x80xf32, #tpu.memory_space<vmem>>) target(%dma_start3A_60 : memref<64x80xf32, #tpu.memory_space<vmem_shared>>) target_semaphore(%run_scoped3A : memref<!tpu.dma_semaphore, #tpu.memory_space<semaphore_mem>>)
      %dma_wait3A = arith.constant 0 : i32
      %dma_wait3A_61 = tpu.memref_slice %arg8[%add3A_21, %dma_wait3A] : memref<10240x80xf32, #tpu.memory_space<vmem_shared>> -> memref<64x80xf32, #tpu.memory_space<vmem_shared>>
      %dma_wait3A_62 = arith.constant 0 : i32
      %dma_wait3A_63 = tpu.memref_slice %arg8[%add3A_21, %dma_wait3A_62] : memref<10240x80xf32, #tpu.memory_space<vmem_shared>> -> memref<64x80xf32, #tpu.memory_space<vmem_shared>>
      tpu.wait_dma2 semaphore(%run_scoped3A : memref<!tpu.dma_semaphore, #tpu.memory_space<semaphore_mem>>) src(%arg7 : memref<64x80xf32, #tpu.memory_space<vmem>>) dst(%dma_wait3A_63 : memref<64x80xf32, #tpu.memory_space<vmem_shared>>)
      tpu.yield
    }) : () -> ()
    %add3A_22 = arith.constant 512 : i32
    %add3A_23 = arith.addi %mul3A_0, %add3A_22 : i32
    "tpu.region"() ({
      %run_scoped3A = tpu.sem_alloc : memref<!tpu.dma_semaphore, #tpu.memory_space<semaphore_mem>>
      %dma_start3A = arith.constant 0 : i32
      %dma_start3A_58 = tpu.memref_slice %arg8[%add3A_23, %dma_start3A] : memref<10240x80xf32, #tpu.memory_space<vmem_shared>> -> memref<64x80xf32, #tpu.memory_space<vmem_shared>>
      %dma_start3A_59 = arith.constant 0 : i32
      %dma_start3A_60 = tpu.memref_slice %arg8[%add3A_23, %dma_start3A_59] : memref<10240x80xf32, #tpu.memory_space<vmem_shared>> -> memref<64x80xf32, #tpu.memory_space<vmem_shared>>
      tpu.enqueue_dma source(%arg7 : memref<64x80xf32, #tpu.memory_space<vmem>>) target(%dma_start3A_60 : memref<64x80xf32, #tpu.memory_space<vmem_shared>>) target_semaphore(%run_scoped3A : memref<!tpu.dma_semaphore, #tpu.memory_space<semaphore_mem>>)
      %dma_wait3A = arith.constant 0 : i32
      %dma_wait3A_61 = tpu.memref_slice %arg8[%add3A_23, %dma_wait3A] : memref<10240x80xf32, #tpu.memory_space<vmem_shared>> -> memref<64x80xf32, #tpu.memory_space<vmem_shared>>
      %dma_wait3A_62 = arith.constant 0 : i32
      %dma_wait3A_63 = tpu.memref_slice %arg8[%add3A_23, %dma_wait3A_62] : memref<10240x80xf32, #tpu.memory_space<vmem_shared>> -> memref<64x80xf32, #tpu.memory_space<vmem_shared>>
      tpu.wait_dma2 semaphore(%run_scoped3A : memref<!tpu.dma_semaphore, #tpu.memory_space<semaphore_mem>>) src(%arg7 : memref<64x80xf32, #tpu.memory_space<vmem>>) dst(%dma_wait3A_63 : memref<64x80xf32, #tpu.memory_space<vmem_shared>>)
      tpu.yield
    }) : () -> ()
    %add3A_24 = arith.constant 576 : i32
    %add3A_25 = arith.addi %mul3A_0, %add3A_24 : i32
    "tpu.region"() ({
      %run_scoped3A = tpu.sem_alloc : memref<!tpu.dma_semaphore, #tpu.memory_space<semaphore_mem>>
      %dma_start3A = arith.constant 0 : i32
      %dma_start3A_58 = tpu.memref_slice %arg8[%add3A_25, %dma_start3A] : memref<10240x80xf32, #tpu.memory_space<vmem_shared>> -> memref<64x80xf32, #tpu.memory_space<vmem_shared>>
      %dma_start3A_59 = arith.constant 0 : i32
      %dma_start3A_60 = tpu.memref_slice %arg8[%add3A_25, %dma_start3A_59] : memref<10240x80xf32, #tpu.memory_space<vmem_shared>> -> memref<64x80xf32, #tpu.memory_space<vmem_shared>>
      tpu.enqueue_dma source(%arg7 : memref<64x80xf32, #tpu.memory_space<vmem>>) target(%dma_start3A_60 : memref<64x80xf32, #tpu.memory_space<vmem_shared>>) target_semaphore(%run_scoped3A : memref<!tpu.dma_semaphore, #tpu.memory_space<semaphore_mem>>)
      %dma_wait3A = arith.constant 0 : i32
      %dma_wait3A_61 = tpu.memref_slice %arg8[%add3A_25, %dma_wait3A] : memref<10240x80xf32, #tpu.memory_space<vmem_shared>> -> memref<64x80xf32, #tpu.memory_space<vmem_shared>>
      %dma_wait3A_62 = arith.constant 0 : i32
      %dma_wait3A_63 = tpu.memref_slice %arg8[%add3A_25, %dma_wait3A_62] : memref<10240x80xf32, #tpu.memory_space<vmem_shared>> -> memref<64x80xf32, #tpu.memory_space<vmem_shared>>
      tpu.wait_dma2 semaphore(%run_scoped3A : memref<!tpu.dma_semaphore, #tpu.memory_space<semaphore_mem>>) src(%arg7 : memref<64x80xf32, #tpu.memory_space<vmem>>) dst(%dma_wait3A_63 : memref<64x80xf32, #tpu.memory_space<vmem_shared>>)
      tpu.yield
    }) : () -> ()
    %barrier3A = arith.constant 0 : index
    tpu.barrier barrier_id(%barrier3A)
    %mul3A_26 = arith.constant 16 : i32
    %mul3A_27 = arith.muli %arg0, %mul3A_26 : i32
    %add3A_28 = arith.addi %mul3A_27, %arg1 : i32
    %mul3A_29 = arith.constant 10368 : i32
    %mul3A_30 = arith.muli %add3A_28, %mul3A_29 : i32
    %scan3A_31 = arith.constant 0 : i32
    %scan3A_32 = arith.constant 0 : i32
    %scan3A_33 = arith.constant 81 : i32
    %scan3A_34 = arith.addi %scan3A_32, %scan3A_33 : i32
    %scan3A_35 = arith.constant 1 : i32
    scf.for %scan3A_58 = %scan3A_32 to %scan3A_34 step %scan3A_35  : i32 {
      %mul3A_59 = arith.constant 128 : i32
      %mul3A_60 = arith.muli %scan3A_58, %mul3A_59 : i32
      %add3A_61 = arith.addi %mul3A_30, %mul3A_60 : i32
      "tpu.region"() ({
        %run_scoped3A = tpu.sem_alloc : memref<!tpu.dma_semaphore, #tpu.memory_space<semaphore_mem>>
        %dma_start3A = tpu.memref_slice %arg3[%add3A_61] : memref<331776xi32, #tpu.memory_space<hbm>> -> memref<128xi32, #tpu.memory_space<hbm>>
        %dma_start3A_62 = tpu.memref_slice %arg3[%add3A_61] : memref<331776xi32, #tpu.memory_space<hbm>> -> memref<128xi32, #tpu.memory_space<hbm>>
        tpu.enqueue_dma source(%dma_start3A_62 : memref<128xi32, #tpu.memory_space<hbm>>) target(%arg5 : memref<128xi32, #tpu.memory_space<vmem>>) target_semaphore(%run_scoped3A : memref<!tpu.dma_semaphore, #tpu.memory_space<semaphore_mem>>)
        %dma_wait3A = tpu.memref_slice %arg3[%add3A_61] : memref<331776xi32, #tpu.memory_space<hbm>> -> memref<128xi32, #tpu.memory_space<hbm>>
        %dma_wait3A_63 = tpu.memref_slice %arg3[%add3A_61] : memref<331776xi32, #tpu.memory_space<hbm>> -> memref<128xi32, #tpu.memory_space<hbm>>
        tpu.wait_dma2 semaphore(%run_scoped3A : memref<!tpu.dma_semaphore, #tpu.memory_space<semaphore_mem>>) src(%dma_wait3A_63 : memref<128xi32, #tpu.memory_space<hbm>>) dst(%arg5 : memref<128xi32, #tpu.memory_space<vmem>>)
        tpu.yield
      }) : () -> ()
      "tpu.region"() ({
        %run_scoped3A = tpu.sem_alloc : memref<!tpu.dma_semaphore, #tpu.memory_space<semaphore_mem>>
        %dma_start3A = arith.constant 0 : i32
        %dma_start3A_62 = tpu.memref_slice %arg2[%add3A_61, %dma_start3A] : memref<331776x80xf32, #tpu.memory_space<hbm>> -> memref<128x80xf32, #tpu.memory_space<hbm>>
        %dma_start3A_63 = arith.constant 0 : i32
        %dma_start3A_64 = tpu.memref_slice %arg2[%add3A_61, %dma_start3A_63] : memref<331776x80xf32, #tpu.memory_space<hbm>> -> memref<128x80xf32, #tpu.memory_space<hbm>>
        tpu.enqueue_dma source(%dma_start3A_64 : memref<128x80xf32, #tpu.memory_space<hbm>>) target(%arg6 : memref<128x80xf32, #tpu.memory_space<vmem>>) target_semaphore(%run_scoped3A : memref<!tpu.dma_semaphore, #tpu.memory_space<semaphore_mem>>)
        %dma_wait3A = arith.constant 0 : i32
        %dma_wait3A_65 = tpu.memref_slice %arg2[%add3A_61, %dma_wait3A] : memref<331776x80xf32, #tpu.memory_space<hbm>> -> memref<128x80xf32, #tpu.memory_space<hbm>>
        %dma_wait3A_66 = arith.constant 0 : i32
        %dma_wait3A_67 = tpu.memref_slice %arg2[%add3A_61, %dma_wait3A_66] : memref<331776x80xf32, #tpu.memory_space<hbm>> -> memref<128x80xf32, #tpu.memory_space<hbm>>
        tpu.wait_dma2 semaphore(%run_scoped3A : memref<!tpu.dma_semaphore, #tpu.memory_space<semaphore_mem>>) src(%dma_wait3A_67 : memref<128x80xf32, #tpu.memory_space<hbm>>) dst(%arg6 : memref<128x80xf32, #tpu.memory_space<vmem>>)
        tpu.yield
      }) : () -> ()
      "tpu.region"() ({
        %run_scoped3A = tpu.sem_alloc : memref<!tpu.dma_semaphore, #tpu.memory_space<semaphore_mem>>
        %dma_start3A = arith.constant 0 : i32
        %dma_start3A_62 = arith.constant 0 : i32
        %dma_start3A_63 = tpu.memref_slice %arg8[%dma_start3A, %dma_start3A_62] : memref<10240x80xf32, #tpu.memory_space<vmem_shared>> -> memref<10240x80xf32, #tpu.memory_space<vmem_shared>>
        tpu.enqueue_indirect_dma source(%arg6 : memref<128x80xf32, #tpu.memory_space<vmem>>) target(%dma_start3A_63 : memref<10240x80xf32, #tpu.memory_space<vmem_shared>>) offsets(%arg5 : memref<128xi32, #tpu.memory_space<vmem>>) semaphore(%run_scoped3A : memref<!tpu.dma_semaphore, #tpu.memory_space<semaphore_mem>>) {add = true}
        %dma_wait3A = arith.constant 0 : i32
        %dma_wait3A_64 = arith.constant 0 : i32
        %dma_wait3A_65 = tpu.memref_slice %arg8[%dma_wait3A, %dma_wait3A_64] : memref<10240x80xf32, #tpu.memory_space<vmem_shared>> -> memref<10240x80xf32, #tpu.memory_space<vmem_shared>>
        tpu.wait_indirect_dma semaphore(%run_scoped3A : memref<!tpu.dma_semaphore, #tpu.memory_space<semaphore_mem>>) src(%arg6 : memref<128x80xf32, #tpu.memory_space<vmem>>) dst(%dma_wait3A_65 : memref<10240x80xf32, #tpu.memory_space<vmem_shared>>)
        tpu.yield
      }) : () -> ()
    }
    %scan3A_36 = arith.constant 81 : i32
    %barrier3A_37 = arith.constant 0 : index
    tpu.barrier barrier_id(%barrier3A_37)
    %add3A_38 = arith.constant 0 : i32
    %add3A_39 = arith.addi %mul3A_0, %add3A_38 : i32
    "tpu.region"() ({
      %run_scoped3A = tpu.sem_alloc : memref<!tpu.dma_semaphore, #tpu.memory_space<semaphore_mem>>
      %dma_start3A = arith.constant 0 : i32
      %dma_start3A_58 = tpu.memref_slice %arg8[%add3A_39, %dma_start3A] : memref<10240x80xf32, #tpu.memory_space<vmem_shared>> -> memref<64x80xf32, #tpu.memory_space<vmem_shared>>
      %dma_start3A_59 = arith.constant 0 : i32
      %dma_start3A_60 = tpu.memref_slice %arg8[%add3A_39, %dma_start3A_59] : memref<10240x80xf32, #tpu.memory_space<vmem_shared>> -> memref<64x80xf32, #tpu.memory_space<vmem_shared>>
      tpu.enqueue_dma source(%dma_start3A_60 : memref<64x80xf32, #tpu.memory_space<vmem_shared>>) target(%arg7 : memref<64x80xf32, #tpu.memory_space<vmem>>) target_semaphore(%run_scoped3A : memref<!tpu.dma_semaphore, #tpu.memory_space<semaphore_mem>>)
      %dma_wait3A = arith.constant 0 : i32
      %dma_wait3A_61 = tpu.memref_slice %arg8[%add3A_39, %dma_wait3A] : memref<10240x80xf32, #tpu.memory_space<vmem_shared>> -> memref<64x80xf32, #tpu.memory_space<vmem_shared>>
      %dma_wait3A_62 = arith.constant 0 : i32
      %dma_wait3A_63 = tpu.memref_slice %arg8[%add3A_39, %dma_wait3A_62] : memref<10240x80xf32, #tpu.memory_space<vmem_shared>> -> memref<64x80xf32, #tpu.memory_space<vmem_shared>>
      tpu.wait_dma2 semaphore(%run_scoped3A : memref<!tpu.dma_semaphore, #tpu.memory_space<semaphore_mem>>) src(%dma_wait3A_63 : memref<64x80xf32, #tpu.memory_space<vmem_shared>>) dst(%arg7 : memref<64x80xf32, #tpu.memory_space<vmem>>)
      tpu.yield
    }) : () -> ()
    "tpu.region"() ({
      %run_scoped3A = tpu.sem_alloc : memref<!tpu.dma_semaphore, #tpu.memory_space<semaphore_mem>>
      %dma_start3A = arith.constant 0 : i32
      %dma_start3A_58 = tpu.memref_slice %arg4[%arg0, %add3A_39, %dma_start3A] : memref<2x10240x80xf32, #tpu.memory_space<hbm>> -> memref<1x64x80xf32, #tpu.memory_space<hbm>>
      %dma_start3A_59 = tpu.memref_squeeze %dma_start3A_58 : memref<1x64x80xf32, #tpu.memory_space<hbm>> -> memref<64x80xf32, #tpu.memory_space<hbm>>
      %dma_start3A_60 = arith.constant 0 : i32
      %dma_start3A_61 = tpu.memref_slice %arg4[%arg0, %add3A_39, %dma_start3A_60] : memref<2x10240x80xf32, #tpu.memory_space<hbm>> -> memref<1x64x80xf32, #tpu.memory_space<hbm>>
      %dma_start3A_62 = tpu.memref_squeeze %dma_start3A_61 : memref<1x64x80xf32, #tpu.memory_space<hbm>> -> memref<64x80xf32, #tpu.memory_space<hbm>>
      tpu.enqueue_dma source(%arg7 : memref<64x80xf32, #tpu.memory_space<vmem>>) target(%dma_start3A_62 : memref<64x80xf32, #tpu.memory_space<hbm>>) target_semaphore(%run_scoped3A : memref<!tpu.dma_semaphore, #tpu.memory_space<semaphore_mem>>)
      %dma_wait3A = arith.constant 0 : i32
      %dma_wait3A_63 = tpu.memref_slice %arg4[%arg0, %add3A_39, %dma_wait3A] : memref<2x10240x80xf32, #tpu.memory_space<hbm>> -> memref<1x64x80xf32, #tpu.memory_space<hbm>>
      %dma_wait3A_64 = tpu.memref_squeeze %dma_wait3A_63 : memref<1x64x80xf32, #tpu.memory_space<hbm>> -> memref<64x80xf32, #tpu.memory_space<hbm>>
      %dma_wait3A_65 = arith.constant 0 : i32
      %dma_wait3A_66 = tpu.memref_slice %arg4[%arg0, %add3A_39, %dma_wait3A_65] : memref<2x10240x80xf32, #tpu.memory_space<hbm>> -> memref<1x64x80xf32, #tpu.memory_space<hbm>>
      %dma_wait3A_67 = tpu.memref_squeeze %dma_wait3A_66 : memref<1x64x80xf32, #tpu.memory_space<hbm>> -> memref<64x80xf32, #tpu.memory_space<hbm>>
      tpu.wait_dma2 semaphore(%run_scoped3A : memref<!tpu.dma_semaphore, #tpu.memory_space<semaphore_mem>>) src(%arg7 : memref<64x80xf32, #tpu.memory_space<vmem>>) dst(%dma_wait3A_67 : memref<64x80xf32, #tpu.memory_space<hbm>>)
      tpu.yield
    }) : () -> ()
    %add3A_40 = arith.constant 64 : i32
    %add3A_41 = arith.addi %mul3A_0, %add3A_40 : i32
    "tpu.region"() ({
      %run_scoped3A = tpu.sem_alloc : memref<!tpu.dma_semaphore, #tpu.memory_space<semaphore_mem>>
      %dma_start3A = arith.constant 0 : i32
      %dma_start3A_58 = tpu.memref_slice %arg8[%add3A_41, %dma_start3A] : memref<10240x80xf32, #tpu.memory_space<vmem_shared>> -> memref<64x80xf32, #tpu.memory_space<vmem_shared>>
      %dma_start3A_59 = arith.constant 0 : i32
      %dma_start3A_60 = tpu.memref_slice %arg8[%add3A_41, %dma_start3A_59] : memref<10240x80xf32, #tpu.memory_space<vmem_shared>> -> memref<64x80xf32, #tpu.memory_space<vmem_shared>>
      tpu.enqueue_dma source(%dma_start3A_60 : memref<64x80xf32, #tpu.memory_space<vmem_shared>>) target(%arg7 : memref<64x80xf32, #tpu.memory_space<vmem>>) target_semaphore(%run_scoped3A : memref<!tpu.dma_semaphore, #tpu.memory_space<semaphore_mem>>)
      %dma_wait3A = arith.constant 0 : i32
      %dma_wait3A_61 = tpu.memref_slice %arg8[%add3A_41, %dma_wait3A] : memref<10240x80xf32, #tpu.memory_space<vmem_shared>> -> memref<64x80xf32, #tpu.memory_space<vmem_shared>>
      %dma_wait3A_62 = arith.constant 0 : i32
      %dma_wait3A_63 = tpu.memref_slice %arg8[%add3A_41, %dma_wait3A_62] : memref<10240x80xf32, #tpu.memory_space<vmem_shared>> -> memref<64x80xf32, #tpu.memory_space<vmem_shared>>
      tpu.wait_dma2 semaphore(%run_scoped3A : memref<!tpu.dma_semaphore, #tpu.memory_space<semaphore_mem>>) src(%dma_wait3A_63 : memref<64x80xf32, #tpu.memory_space<vmem_shared>>) dst(%arg7 : memref<64x80xf32, #tpu.memory_space<vmem>>)
      tpu.yield
    }) : () -> ()
    "tpu.region"() ({
      %run_scoped3A = tpu.sem_alloc : memref<!tpu.dma_semaphore, #tpu.memory_space<semaphore_mem>>
      %dma_start3A = arith.constant 0 : i32
      %dma_start3A_58 = tpu.memref_slice %arg4[%arg0, %add3A_41, %dma_start3A] : memref<2x10240x80xf32, #tpu.memory_space<hbm>> -> memref<1x64x80xf32, #tpu.memory_space<hbm>>
      %dma_start3A_59 = tpu.memref_squeeze %dma_start3A_58 : memref<1x64x80xf32, #tpu.memory_space<hbm>> -> memref<64x80xf32, #tpu.memory_space<hbm>>
      %dma_start3A_60 = arith.constant 0 : i32
      %dma_start3A_61 = tpu.memref_slice %arg4[%arg0, %add3A_41, %dma_start3A_60] : memref<2x10240x80xf32, #tpu.memory_space<hbm>> -> memref<1x64x80xf32, #tpu.memory_space<hbm>>
      %dma_start3A_62 = tpu.memref_squeeze %dma_start3A_61 : memref<1x64x80xf32, #tpu.memory_space<hbm>> -> memref<64x80xf32, #tpu.memory_space<hbm>>
      tpu.enqueue_dma source(%arg7 : memref<64x80xf32, #tpu.memory_space<vmem>>) target(%dma_start3A_62 : memref<64x80xf32, #tpu.memory_space<hbm>>) target_semaphore(%run_scoped3A : memref<!tpu.dma_semaphore, #tpu.memory_space<semaphore_mem>>)
      %dma_wait3A = arith.constant 0 : i32
      %dma_wait3A_63 = tpu.memref_slice %arg4[%arg0, %add3A_41, %dma_wait3A] : memref<2x10240x80xf32, #tpu.memory_space<hbm>> -> memref<1x64x80xf32, #tpu.memory_space<hbm>>
      %dma_wait3A_64 = tpu.memref_squeeze %dma_wait3A_63 : memref<1x64x80xf32, #tpu.memory_space<hbm>> -> memref<64x80xf32, #tpu.memory_space<hbm>>
      %dma_wait3A_65 = arith.constant 0 : i32
      %dma_wait3A_66 = tpu.memref_slice %arg4[%arg0, %add3A_41, %dma_wait3A_65] : memref<2x10240x80xf32, #tpu.memory_space<hbm>> -> memref<1x64x80xf32, #tpu.memory_space<hbm>>
      %dma_wait3A_67 = tpu.memref_squeeze %dma_wait3A_66 : memref<1x64x80xf32, #tpu.memory_space<hbm>> -> memref<64x80xf32, #tpu.memory_space<hbm>>
      tpu.wait_dma2 semaphore(%run_scoped3A : memref<!tpu.dma_semaphore, #tpu.memory_space<semaphore_mem>>) src(%arg7 : memref<64x80xf32, #tpu.memory_space<vmem>>) dst(%dma_wait3A_67 : memref<64x80xf32, #tpu.memory_space<hbm>>)
      tpu.yield
    }) : () -> ()
    %add3A_42 = arith.constant 128 : i32
    %add3A_43 = arith.addi %mul3A_0, %add3A_42 : i32
    "tpu.region"() ({
      %run_scoped3A = tpu.sem_alloc : memref<!tpu.dma_semaphore, #tpu.memory_space<semaphore_mem>>
      %dma_start3A = arith.constant 0 : i32
      %dma_start3A_58 = tpu.memref_slice %arg8[%add3A_43, %dma_start3A] : memref<10240x80xf32, #tpu.memory_space<vmem_shared>> -> memref<64x80xf32, #tpu.memory_space<vmem_shared>>
      %dma_start3A_59 = arith.constant 0 : i32
      %dma_start3A_60 = tpu.memref_slice %arg8[%add3A_43, %dma_start3A_59] : memref<10240x80xf32, #tpu.memory_space<vmem_shared>> -> memref<64x80xf32, #tpu.memory_space<vmem_shared>>
      tpu.enqueue_dma source(%dma_start3A_60 : memref<64x80xf32, #tpu.memory_space<vmem_shared>>) target(%arg7 : memref<64x80xf32, #tpu.memory_space<vmem>>) target_semaphore(%run_scoped3A : memref<!tpu.dma_semaphore, #tpu.memory_space<semaphore_mem>>)
      %dma_wait3A = arith.constant 0 : i32
      %dma_wait3A_61 = tpu.memref_slice %arg8[%add3A_43, %dma_wait3A] : memref<10240x80xf32, #tpu.memory_space<vmem_shared>> -> memref<64x80xf32, #tpu.memory_space<vmem_shared>>
      %dma_wait3A_62 = arith.constant 0 : i32
      %dma_wait3A_63 = tpu.memref_slice %arg8[%add3A_43, %dma_wait3A_62] : memref<10240x80xf32, #tpu.memory_space<vmem_shared>> -> memref<64x80xf32, #tpu.memory_space<vmem_shared>>
      tpu.wait_dma2 semaphore(%run_scoped3A : memref<!tpu.dma_semaphore, #tpu.memory_space<semaphore_mem>>) src(%dma_wait3A_63 : memref<64x80xf32, #tpu.memory_space<vmem_shared>>) dst(%arg7 : memref<64x80xf32, #tpu.memory_space<vmem>>)
      tpu.yield
    }) : () -> ()
    "tpu.region"() ({
      %run_scoped3A = tpu.sem_alloc : memref<!tpu.dma_semaphore, #tpu.memory_space<semaphore_mem>>
      %dma_start3A = arith.constant 0 : i32
      %dma_start3A_58 = tpu.memref_slice %arg4[%arg0, %add3A_43, %dma_start3A] : memref<2x10240x80xf32, #tpu.memory_space<hbm>> -> memref<1x64x80xf32, #tpu.memory_space<hbm>>
      %dma_start3A_59 = tpu.memref_squeeze %dma_start3A_58 : memref<1x64x80xf32, #tpu.memory_space<hbm>> -> memref<64x80xf32, #tpu.memory_space<hbm>>
      %dma_start3A_60 = arith.constant 0 : i32
      %dma_start3A_61 = tpu.memref_slice %arg4[%arg0, %add3A_43, %dma_start3A_60] : memref<2x10240x80xf32, #tpu.memory_space<hbm>> -> memref<1x64x80xf32, #tpu.memory_space<hbm>>
      %dma_start3A_62 = tpu.memref_squeeze %dma_start3A_61 : memref<1x64x80xf32, #tpu.memory_space<hbm>> -> memref<64x80xf32, #tpu.memory_space<hbm>>
      tpu.enqueue_dma source(%arg7 : memref<64x80xf32, #tpu.memory_space<vmem>>) target(%dma_start3A_62 : memref<64x80xf32, #tpu.memory_space<hbm>>) target_semaphore(%run_scoped3A : memref<!tpu.dma_semaphore, #tpu.memory_space<semaphore_mem>>)
      %dma_wait3A = arith.constant 0 : i32
      %dma_wait3A_63 = tpu.memref_slice %arg4[%arg0, %add3A_43, %dma_wait3A] : memref<2x10240x80xf32, #tpu.memory_space<hbm>> -> memref<1x64x80xf32, #tpu.memory_space<hbm>>
      %dma_wait3A_64 = tpu.memref_squeeze %dma_wait3A_63 : memref<1x64x80xf32, #tpu.memory_space<hbm>> -> memref<64x80xf32, #tpu.memory_space<hbm>>
      %dma_wait3A_65 = arith.constant 0 : i32
      %dma_wait3A_66 = tpu.memref_slice %arg4[%arg0, %add3A_43, %dma_wait3A_65] : memref<2x10240x80xf32, #tpu.memory_space<hbm>> -> memref<1x64x80xf32, #tpu.memory_space<hbm>>
      %dma_wait3A_67 = tpu.memref_squeeze %dma_wait3A_66 : memref<1x64x80xf32, #tpu.memory_space<hbm>> -> memref<64x80xf32, #tpu.memory_space<hbm>>
      tpu.wait_dma2 semaphore(%run_scoped3A : memref<!tpu.dma_semaphore, #tpu.memory_space<semaphore_mem>>) src(%arg7 : memref<64x80xf32, #tpu.memory_space<vmem>>) dst(%dma_wait3A_67 : memref<64x80xf32, #tpu.memory_space<hbm>>)
      tpu.yield
    }) : () -> ()
    %add3A_44 = arith.constant 192 : i32
    %add3A_45 = arith.addi %mul3A_0, %add3A_44 : i32
    "tpu.region"() ({
      %run_scoped3A = tpu.sem_alloc : memref<!tpu.dma_semaphore, #tpu.memory_space<semaphore_mem>>
      %dma_start3A = arith.constant 0 : i32
      %dma_start3A_58 = tpu.memref_slice %arg8[%add3A_45, %dma_start3A] : memref<10240x80xf32, #tpu.memory_space<vmem_shared>> -> memref<64x80xf32, #tpu.memory_space<vmem_shared>>
      %dma_start3A_59 = arith.constant 0 : i32
      %dma_start3A_60 = tpu.memref_slice %arg8[%add3A_45, %dma_start3A_59] : memref<10240x80xf32, #tpu.memory_space<vmem_shared>> -> memref<64x80xf32, #tpu.memory_space<vmem_shared>>
      tpu.enqueue_dma source(%dma_start3A_60 : memref<64x80xf32, #tpu.memory_space<vmem_shared>>) target(%arg7 : memref<64x80xf32, #tpu.memory_space<vmem>>) target_semaphore(%run_scoped3A : memref<!tpu.dma_semaphore, #tpu.memory_space<semaphore_mem>>)
      %dma_wait3A = arith.constant 0 : i32
      %dma_wait3A_61 = tpu.memref_slice %arg8[%add3A_45, %dma_wait3A] : memref<10240x80xf32, #tpu.memory_space<vmem_shared>> -> memref<64x80xf32, #tpu.memory_space<vmem_shared>>
      %dma_wait3A_62 = arith.constant 0 : i32
      %dma_wait3A_63 = tpu.memref_slice %arg8[%add3A_45, %dma_wait3A_62] : memref<10240x80xf32, #tpu.memory_space<vmem_shared>> -> memref<64x80xf32, #tpu.memory_space<vmem_shared>>
      tpu.wait_dma2 semaphore(%run_scoped3A : memref<!tpu.dma_semaphore, #tpu.memory_space<semaphore_mem>>) src(%dma_wait3A_63 : memref<64x80xf32, #tpu.memory_space<vmem_shared>>) dst(%arg7 : memref<64x80xf32, #tpu.memory_space<vmem>>)
      tpu.yield
    }) : () -> ()
    "tpu.region"() ({
      %run_scoped3A = tpu.sem_alloc : memref<!tpu.dma_semaphore, #tpu.memory_space<semaphore_mem>>
      %dma_start3A = arith.constant 0 : i32
      %dma_start3A_58 = tpu.memref_slice %arg4[%arg0, %add3A_45, %dma_start3A] : memref<2x10240x80xf32, #tpu.memory_space<hbm>> -> memref<1x64x80xf32, #tpu.memory_space<hbm>>
      %dma_start3A_59 = tpu.memref_squeeze %dma_start3A_58 : memref<1x64x80xf32, #tpu.memory_space<hbm>> -> memref<64x80xf32, #tpu.memory_space<hbm>>
      %dma_start3A_60 = arith.constant 0 : i32
      %dma_start3A_61 = tpu.memref_slice %arg4[%arg0, %add3A_45, %dma_start3A_60] : memref<2x10240x80xf32, #tpu.memory_space<hbm>> -> memref<1x64x80xf32, #tpu.memory_space<hbm>>
      %dma_start3A_62 = tpu.memref_squeeze %dma_start3A_61 : memref<1x64x80xf32, #tpu.memory_space<hbm>> -> memref<64x80xf32, #tpu.memory_space<hbm>>
      tpu.enqueue_dma source(%arg7 : memref<64x80xf32, #tpu.memory_space<vmem>>) target(%dma_start3A_62 : memref<64x80xf32, #tpu.memory_space<hbm>>) target_semaphore(%run_scoped3A : memref<!tpu.dma_semaphore, #tpu.memory_space<semaphore_mem>>)
      %dma_wait3A = arith.constant 0 : i32
      %dma_wait3A_63 = tpu.memref_slice %arg4[%arg0, %add3A_45, %dma_wait3A] : memref<2x10240x80xf32, #tpu.memory_space<hbm>> -> memref<1x64x80xf32, #tpu.memory_space<hbm>>
      %dma_wait3A_64 = tpu.memref_squeeze %dma_wait3A_63 : memref<1x64x80xf32, #tpu.memory_space<hbm>> -> memref<64x80xf32, #tpu.memory_space<hbm>>
      %dma_wait3A_65 = arith.constant 0 : i32
      %dma_wait3A_66 = tpu.memref_slice %arg4[%arg0, %add3A_45, %dma_wait3A_65] : memref<2x10240x80xf32, #tpu.memory_space<hbm>> -> memref<1x64x80xf32, #tpu.memory_space<hbm>>
      %dma_wait3A_67 = tpu.memref_squeeze %dma_wait3A_66 : memref<1x64x80xf32, #tpu.memory_space<hbm>> -> memref<64x80xf32, #tpu.memory_space<hbm>>
      tpu.wait_dma2 semaphore(%run_scoped3A : memref<!tpu.dma_semaphore, #tpu.memory_space<semaphore_mem>>) src(%arg7 : memref<64x80xf32, #tpu.memory_space<vmem>>) dst(%dma_wait3A_67 : memref<64x80xf32, #tpu.memory_space<hbm>>)
      tpu.yield
    }) : () -> ()
    %add3A_46 = arith.constant 256 : i32
    %add3A_47 = arith.addi %mul3A_0, %add3A_46 : i32
    "tpu.region"() ({
      %run_scoped3A = tpu.sem_alloc : memref<!tpu.dma_semaphore, #tpu.memory_space<semaphore_mem>>
      %dma_start3A = arith.constant 0 : i32
      %dma_start3A_58 = tpu.memref_slice %arg8[%add3A_47, %dma_start3A] : memref<10240x80xf32, #tpu.memory_space<vmem_shared>> -> memref<64x80xf32, #tpu.memory_space<vmem_shared>>
      %dma_start3A_59 = arith.constant 0 : i32
      %dma_start3A_60 = tpu.memref_slice %arg8[%add3A_47, %dma_start3A_59] : memref<10240x80xf32, #tpu.memory_space<vmem_shared>> -> memref<64x80xf32, #tpu.memory_space<vmem_shared>>
      tpu.enqueue_dma source(%dma_start3A_60 : memref<64x80xf32, #tpu.memory_space<vmem_shared>>) target(%arg7 : memref<64x80xf32, #tpu.memory_space<vmem>>) target_semaphore(%run_scoped3A : memref<!tpu.dma_semaphore, #tpu.memory_space<semaphore_mem>>)
      %dma_wait3A = arith.constant 0 : i32
      %dma_wait3A_61 = tpu.memref_slice %arg8[%add3A_47, %dma_wait3A] : memref<10240x80xf32, #tpu.memory_space<vmem_shared>> -> memref<64x80xf32, #tpu.memory_space<vmem_shared>>
      %dma_wait3A_62 = arith.constant 0 : i32
      %dma_wait3A_63 = tpu.memref_slice %arg8[%add3A_47, %dma_wait3A_62] : memref<10240x80xf32, #tpu.memory_space<vmem_shared>> -> memref<64x80xf32, #tpu.memory_space<vmem_shared>>
      tpu.wait_dma2 semaphore(%run_scoped3A : memref<!tpu.dma_semaphore, #tpu.memory_space<semaphore_mem>>) src(%dma_wait3A_63 : memref<64x80xf32, #tpu.memory_space<vmem_shared>>) dst(%arg7 : memref<64x80xf32, #tpu.memory_space<vmem>>)
      tpu.yield
    }) : () -> ()
    "tpu.region"() ({
      %run_scoped3A = tpu.sem_alloc : memref<!tpu.dma_semaphore, #tpu.memory_space<semaphore_mem>>
      %dma_start3A = arith.constant 0 : i32
      %dma_start3A_58 = tpu.memref_slice %arg4[%arg0, %add3A_47, %dma_start3A] : memref<2x10240x80xf32, #tpu.memory_space<hbm>> -> memref<1x64x80xf32, #tpu.memory_space<hbm>>
      %dma_start3A_59 = tpu.memref_squeeze %dma_start3A_58 : memref<1x64x80xf32, #tpu.memory_space<hbm>> -> memref<64x80xf32, #tpu.memory_space<hbm>>
      %dma_start3A_60 = arith.constant 0 : i32
      %dma_start3A_61 = tpu.memref_slice %arg4[%arg0, %add3A_47, %dma_start3A_60] : memref<2x10240x80xf32, #tpu.memory_space<hbm>> -> memref<1x64x80xf32, #tpu.memory_space<hbm>>
      %dma_start3A_62 = tpu.memref_squeeze %dma_start3A_61 : memref<1x64x80xf32, #tpu.memory_space<hbm>> -> memref<64x80xf32, #tpu.memory_space<hbm>>
      tpu.enqueue_dma source(%arg7 : memref<64x80xf32, #tpu.memory_space<vmem>>) target(%dma_start3A_62 : memref<64x80xf32, #tpu.memory_space<hbm>>) target_semaphore(%run_scoped3A : memref<!tpu.dma_semaphore, #tpu.memory_space<semaphore_mem>>)
      %dma_wait3A = arith.constant 0 : i32
      %dma_wait3A_63 = tpu.memref_slice %arg4[%arg0, %add3A_47, %dma_wait3A] : memref<2x10240x80xf32, #tpu.memory_space<hbm>> -> memref<1x64x80xf32, #tpu.memory_space<hbm>>
      %dma_wait3A_64 = tpu.memref_squeeze %dma_wait3A_63 : memref<1x64x80xf32, #tpu.memory_space<hbm>> -> memref<64x80xf32, #tpu.memory_space<hbm>>
      %dma_wait3A_65 = arith.constant 0 : i32
      %dma_wait3A_66 = tpu.memref_slice %arg4[%arg0, %add3A_47, %dma_wait3A_65] : memref<2x10240x80xf32, #tpu.memory_space<hbm>> -> memref<1x64x80xf32, #tpu.memory_space<hbm>>
      %dma_wait3A_67 = tpu.memref_squeeze %dma_wait3A_66 : memref<1x64x80xf32, #tpu.memory_space<hbm>> -> memref<64x80xf32, #tpu.memory_space<hbm>>
      tpu.wait_dma2 semaphore(%run_scoped3A : memref<!tpu.dma_semaphore, #tpu.memory_space<semaphore_mem>>) src(%arg7 : memref<64x80xf32, #tpu.memory_space<vmem>>) dst(%dma_wait3A_67 : memref<64x80xf32, #tpu.memory_space<hbm>>)
      tpu.yield
    }) : () -> ()
    %add3A_48 = arith.constant 320 : i32
    %add3A_49 = arith.addi %mul3A_0, %add3A_48 : i32
    "tpu.region"() ({
      %run_scoped3A = tpu.sem_alloc : memref<!tpu.dma_semaphore, #tpu.memory_space<semaphore_mem>>
      %dma_start3A = arith.constant 0 : i32
      %dma_start3A_58 = tpu.memref_slice %arg8[%add3A_49, %dma_start3A] : memref<10240x80xf32, #tpu.memory_space<vmem_shared>> -> memref<64x80xf32, #tpu.memory_space<vmem_shared>>
      %dma_start3A_59 = arith.constant 0 : i32
      %dma_start3A_60 = tpu.memref_slice %arg8[%add3A_49, %dma_start3A_59] : memref<10240x80xf32, #tpu.memory_space<vmem_shared>> -> memref<64x80xf32, #tpu.memory_space<vmem_shared>>
      tpu.enqueue_dma source(%dma_start3A_60 : memref<64x80xf32, #tpu.memory_space<vmem_shared>>) target(%arg7 : memref<64x80xf32, #tpu.memory_space<vmem>>) target_semaphore(%run_scoped3A : memref<!tpu.dma_semaphore, #tpu.memory_space<semaphore_mem>>)
      %dma_wait3A = arith.constant 0 : i32
      %dma_wait3A_61 = tpu.memref_slice %arg8[%add3A_49, %dma_wait3A] : memref<10240x80xf32, #tpu.memory_space<vmem_shared>> -> memref<64x80xf32, #tpu.memory_space<vmem_shared>>
      %dma_wait3A_62 = arith.constant 0 : i32
      %dma_wait3A_63 = tpu.memref_slice %arg8[%add3A_49, %dma_wait3A_62] : memref<10240x80xf32, #tpu.memory_space<vmem_shared>> -> memref<64x80xf32, #tpu.memory_space<vmem_shared>>
      tpu.wait_dma2 semaphore(%run_scoped3A : memref<!tpu.dma_semaphore, #tpu.memory_space<semaphore_mem>>) src(%dma_wait3A_63 : memref<64x80xf32, #tpu.memory_space<vmem_shared>>) dst(%arg7 : memref<64x80xf32, #tpu.memory_space<vmem>>)
      tpu.yield
    }) : () -> ()
    "tpu.region"() ({
      %run_scoped3A = tpu.sem_alloc : memref<!tpu.dma_semaphore, #tpu.memory_space<semaphore_mem>>
      %dma_start3A = arith.constant 0 : i32
      %dma_start3A_58 = tpu.memref_slice %arg4[%arg0, %add3A_49, %dma_start3A] : memref<2x10240x80xf32, #tpu.memory_space<hbm>> -> memref<1x64x80xf32, #tpu.memory_space<hbm>>
      %dma_start3A_59 = tpu.memref_squeeze %dma_start3A_58 : memref<1x64x80xf32, #tpu.memory_space<hbm>> -> memref<64x80xf32, #tpu.memory_space<hbm>>
      %dma_start3A_60 = arith.constant 0 : i32
      %dma_start3A_61 = tpu.memref_slice %arg4[%arg0, %add3A_49, %dma_start3A_60] : memref<2x10240x80xf32, #tpu.memory_space<hbm>> -> memref<1x64x80xf32, #tpu.memory_space<hbm>>
      %dma_start3A_62 = tpu.memref_squeeze %dma_start3A_61 : memref<1x64x80xf32, #tpu.memory_space<hbm>> -> memref<64x80xf32, #tpu.memory_space<hbm>>
      tpu.enqueue_dma source(%arg7 : memref<64x80xf32, #tpu.memory_space<vmem>>) target(%dma_start3A_62 : memref<64x80xf32, #tpu.memory_space<hbm>>) target_semaphore(%run_scoped3A : memref<!tpu.dma_semaphore, #tpu.memory_space<semaphore_mem>>)
      %dma_wait3A = arith.constant 0 : i32
      %dma_wait3A_63 = tpu.memref_slice %arg4[%arg0, %add3A_49, %dma_wait3A] : memref<2x10240x80xf32, #tpu.memory_space<hbm>> -> memref<1x64x80xf32, #tpu.memory_space<hbm>>
      %dma_wait3A_64 = tpu.memref_squeeze %dma_wait3A_63 : memref<1x64x80xf32, #tpu.memory_space<hbm>> -> memref<64x80xf32, #tpu.memory_space<hbm>>
      %dma_wait3A_65 = arith.constant 0 : i32
      %dma_wait3A_66 = tpu.memref_slice %arg4[%arg0, %add3A_49, %dma_wait3A_65] : memref<2x10240x80xf32, #tpu.memory_space<hbm>> -> memref<1x64x80xf32, #tpu.memory_space<hbm>>
      %dma_wait3A_67 = tpu.memref_squeeze %dma_wait3A_66 : memref<1x64x80xf32, #tpu.memory_space<hbm>> -> memref<64x80xf32, #tpu.memory_space<hbm>>
      tpu.wait_dma2 semaphore(%run_scoped3A : memref<!tpu.dma_semaphore, #tpu.memory_space<semaphore_mem>>) src(%arg7 : memref<64x80xf32, #tpu.memory_space<vmem>>) dst(%dma_wait3A_67 : memref<64x80xf32, #tpu.memory_space<hbm>>)
      tpu.yield
    }) : () -> ()
    %add3A_50 = arith.constant 384 : i32
    %add3A_51 = arith.addi %mul3A_0, %add3A_50 : i32
    "tpu.region"() ({
      %run_scoped3A = tpu.sem_alloc : memref<!tpu.dma_semaphore, #tpu.memory_space<semaphore_mem>>
      %dma_start3A = arith.constant 0 : i32
      %dma_start3A_58 = tpu.memref_slice %arg8[%add3A_51, %dma_start3A] : memref<10240x80xf32, #tpu.memory_space<vmem_shared>> -> memref<64x80xf32, #tpu.memory_space<vmem_shared>>
      %dma_start3A_59 = arith.constant 0 : i32
      %dma_start3A_60 = tpu.memref_slice %arg8[%add3A_51, %dma_start3A_59] : memref<10240x80xf32, #tpu.memory_space<vmem_shared>> -> memref<64x80xf32, #tpu.memory_space<vmem_shared>>
      tpu.enqueue_dma source(%dma_start3A_60 : memref<64x80xf32, #tpu.memory_space<vmem_shared>>) target(%arg7 : memref<64x80xf32, #tpu.memory_space<vmem>>) target_semaphore(%run_scoped3A : memref<!tpu.dma_semaphore, #tpu.memory_space<semaphore_mem>>)
      %dma_wait3A = arith.constant 0 : i32
      %dma_wait3A_61 = tpu.memref_slice %arg8[%add3A_51, %dma_wait3A] : memref<10240x80xf32, #tpu.memory_space<vmem_shared>> -> memref<64x80xf32, #tpu.memory_space<vmem_shared>>
      %dma_wait3A_62 = arith.constant 0 : i32
      %dma_wait3A_63 = tpu.memref_slice %arg8[%add3A_51, %dma_wait3A_62] : memref<10240x80xf32, #tpu.memory_space<vmem_shared>> -> memref<64x80xf32, #tpu.memory_space<vmem_shared>>
      tpu.wait_dma2 semaphore(%run_scoped3A : memref<!tpu.dma_semaphore, #tpu.memory_space<semaphore_mem>>) src(%dma_wait3A_63 : memref<64x80xf32, #tpu.memory_space<vmem_shared>>) dst(%arg7 : memref<64x80xf32, #tpu.memory_space<vmem>>)
      tpu.yield
    }) : () -> ()
    "tpu.region"() ({
      %run_scoped3A = tpu.sem_alloc : memref<!tpu.dma_semaphore, #tpu.memory_space<semaphore_mem>>
      %dma_start3A = arith.constant 0 : i32
      %dma_start3A_58 = tpu.memref_slice %arg4[%arg0, %add3A_51, %dma_start3A] : memref<2x10240x80xf32, #tpu.memory_space<hbm>> -> memref<1x64x80xf32, #tpu.memory_space<hbm>>
      %dma_start3A_59 = tpu.memref_squeeze %dma_start3A_58 : memref<1x64x80xf32, #tpu.memory_space<hbm>> -> memref<64x80xf32, #tpu.memory_space<hbm>>
      %dma_start3A_60 = arith.constant 0 : i32
      %dma_start3A_61 = tpu.memref_slice %arg4[%arg0, %add3A_51, %dma_start3A_60] : memref<2x10240x80xf32, #tpu.memory_space<hbm>> -> memref<1x64x80xf32, #tpu.memory_space<hbm>>
      %dma_start3A_62 = tpu.memref_squeeze %dma_start3A_61 : memref<1x64x80xf32, #tpu.memory_space<hbm>> -> memref<64x80xf32, #tpu.memory_space<hbm>>
      tpu.enqueue_dma source(%arg7 : memref<64x80xf32, #tpu.memory_space<vmem>>) target(%dma_start3A_62 : memref<64x80xf32, #tpu.memory_space<hbm>>) target_semaphore(%run_scoped3A : memref<!tpu.dma_semaphore, #tpu.memory_space<semaphore_mem>>)
      %dma_wait3A = arith.constant 0 : i32
      %dma_wait3A_63 = tpu.memref_slice %arg4[%arg0, %add3A_51, %dma_wait3A] : memref<2x10240x80xf32, #tpu.memory_space<hbm>> -> memref<1x64x80xf32, #tpu.memory_space<hbm>>
      %dma_wait3A_64 = tpu.memref_squeeze %dma_wait3A_63 : memref<1x64x80xf32, #tpu.memory_space<hbm>> -> memref<64x80xf32, #tpu.memory_space<hbm>>
      %dma_wait3A_65 = arith.constant 0 : i32
      %dma_wait3A_66 = tpu.memref_slice %arg4[%arg0, %add3A_51, %dma_wait3A_65] : memref<2x10240x80xf32, #tpu.memory_space<hbm>> -> memref<1x64x80xf32, #tpu.memory_space<hbm>>
      %dma_wait3A_67 = tpu.memref_squeeze %dma_wait3A_66 : memref<1x64x80xf32, #tpu.memory_space<hbm>> -> memref<64x80xf32, #tpu.memory_space<hbm>>
      tpu.wait_dma2 semaphore(%run_scoped3A : memref<!tpu.dma_semaphore, #tpu.memory_space<semaphore_mem>>) src(%arg7 : memref<64x80xf32, #tpu.memory_space<vmem>>) dst(%dma_wait3A_67 : memref<64x80xf32, #tpu.memory_space<hbm>>)
      tpu.yield
    }) : () -> ()
    %add3A_52 = arith.constant 448 : i32
    %add3A_53 = arith.addi %mul3A_0, %add3A_52 : i32
    "tpu.region"() ({
      %run_scoped3A = tpu.sem_alloc : memref<!tpu.dma_semaphore, #tpu.memory_space<semaphore_mem>>
      %dma_start3A = arith.constant 0 : i32
      %dma_start3A_58 = tpu.memref_slice %arg8[%add3A_53, %dma_start3A] : memref<10240x80xf32, #tpu.memory_space<vmem_shared>> -> memref<64x80xf32, #tpu.memory_space<vmem_shared>>
      %dma_start3A_59 = arith.constant 0 : i32
      %dma_start3A_60 = tpu.memref_slice %arg8[%add3A_53, %dma_start3A_59] : memref<10240x80xf32, #tpu.memory_space<vmem_shared>> -> memref<64x80xf32, #tpu.memory_space<vmem_shared>>
      tpu.enqueue_dma source(%dma_start3A_60 : memref<64x80xf32, #tpu.memory_space<vmem_shared>>) target(%arg7 : memref<64x80xf32, #tpu.memory_space<vmem>>) target_semaphore(%run_scoped3A : memref<!tpu.dma_semaphore, #tpu.memory_space<semaphore_mem>>)
      %dma_wait3A = arith.constant 0 : i32
      %dma_wait3A_61 = tpu.memref_slice %arg8[%add3A_53, %dma_wait3A] : memref<10240x80xf32, #tpu.memory_space<vmem_shared>> -> memref<64x80xf32, #tpu.memory_space<vmem_shared>>
      %dma_wait3A_62 = arith.constant 0 : i32
      %dma_wait3A_63 = tpu.memref_slice %arg8[%add3A_53, %dma_wait3A_62] : memref<10240x80xf32, #tpu.memory_space<vmem_shared>> -> memref<64x80xf32, #tpu.memory_space<vmem_shared>>
      tpu.wait_dma2 semaphore(%run_scoped3A : memref<!tpu.dma_semaphore, #tpu.memory_space<semaphore_mem>>) src(%dma_wait3A_63 : memref<64x80xf32, #tpu.memory_space<vmem_shared>>) dst(%arg7 : memref<64x80xf32, #tpu.memory_space<vmem>>)
      tpu.yield
    }) : () -> ()
    "tpu.region"() ({
      %run_scoped3A = tpu.sem_alloc : memref<!tpu.dma_semaphore, #tpu.memory_space<semaphore_mem>>
      %dma_start3A = arith.constant 0 : i32
      %dma_start3A_58 = tpu.memref_slice %arg4[%arg0, %add3A_53, %dma_start3A] : memref<2x10240x80xf32, #tpu.memory_space<hbm>> -> memref<1x64x80xf32, #tpu.memory_space<hbm>>
      %dma_start3A_59 = tpu.memref_squeeze %dma_start3A_58 : memref<1x64x80xf32, #tpu.memory_space<hbm>> -> memref<64x80xf32, #tpu.memory_space<hbm>>
      %dma_start3A_60 = arith.constant 0 : i32
      %dma_start3A_61 = tpu.memref_slice %arg4[%arg0, %add3A_53, %dma_start3A_60] : memref<2x10240x80xf32, #tpu.memory_space<hbm>> -> memref<1x64x80xf32, #tpu.memory_space<hbm>>
      %dma_start3A_62 = tpu.memref_squeeze %dma_start3A_61 : memref<1x64x80xf32, #tpu.memory_space<hbm>> -> memref<64x80xf32, #tpu.memory_space<hbm>>
      tpu.enqueue_dma source(%arg7 : memref<64x80xf32, #tpu.memory_space<vmem>>) target(%dma_start3A_62 : memref<64x80xf32, #tpu.memory_space<hbm>>) target_semaphore(%run_scoped3A : memref<!tpu.dma_semaphore, #tpu.memory_space<semaphore_mem>>)
      %dma_wait3A = arith.constant 0 : i32
      %dma_wait3A_63 = tpu.memref_slice %arg4[%arg0, %add3A_53, %dma_wait3A] : memref<2x10240x80xf32, #tpu.memory_space<hbm>> -> memref<1x64x80xf32, #tpu.memory_space<hbm>>
      %dma_wait3A_64 = tpu.memref_squeeze %dma_wait3A_63 : memref<1x64x80xf32, #tpu.memory_space<hbm>> -> memref<64x80xf32, #tpu.memory_space<hbm>>
      %dma_wait3A_65 = arith.constant 0 : i32
      %dma_wait3A_66 = tpu.memref_slice %arg4[%arg0, %add3A_53, %dma_wait3A_65] : memref<2x10240x80xf32, #tpu.memory_space<hbm>> -> memref<1x64x80xf32, #tpu.memory_space<hbm>>
      %dma_wait3A_67 = tpu.memref_squeeze %dma_wait3A_66 : memref<1x64x80xf32, #tpu.memory_space<hbm>> -> memref<64x80xf32, #tpu.memory_space<hbm>>
      tpu.wait_dma2 semaphore(%run_scoped3A : memref<!tpu.dma_semaphore, #tpu.memory_space<semaphore_mem>>) src(%arg7 : memref<64x80xf32, #tpu.memory_space<vmem>>) dst(%dma_wait3A_67 : memref<64x80xf32, #tpu.memory_space<hbm>>)
      tpu.yield
    }) : () -> ()
    %add3A_54 = arith.constant 512 : i32
    %add3A_55 = arith.addi %mul3A_0, %add3A_54 : i32
    "tpu.region"() ({
      %run_scoped3A = tpu.sem_alloc : memref<!tpu.dma_semaphore, #tpu.memory_space<semaphore_mem>>
      %dma_start3A = arith.constant 0 : i32
      %dma_start3A_58 = tpu.memref_slice %arg8[%add3A_55, %dma_start3A] : memref<10240x80xf32, #tpu.memory_space<vmem_shared>> -> memref<64x80xf32, #tpu.memory_space<vmem_shared>>
      %dma_start3A_59 = arith.constant 0 : i32
      %dma_start3A_60 = tpu.memref_slice %arg8[%add3A_55, %dma_start3A_59] : memref<10240x80xf32, #tpu.memory_space<vmem_shared>> -> memref<64x80xf32, #tpu.memory_space<vmem_shared>>
      tpu.enqueue_dma source(%dma_start3A_60 : memref<64x80xf32, #tpu.memory_space<vmem_shared>>) target(%arg7 : memref<64x80xf32, #tpu.memory_space<vmem>>) target_semaphore(%run_scoped3A : memref<!tpu.dma_semaphore, #tpu.memory_space<semaphore_mem>>)
      %dma_wait3A = arith.constant 0 : i32
      %dma_wait3A_61 = tpu.memref_slice %arg8[%add3A_55, %dma_wait3A] : memref<10240x80xf32, #tpu.memory_space<vmem_shared>> -> memref<64x80xf32, #tpu.memory_space<vmem_shared>>
      %dma_wait3A_62 = arith.constant 0 : i32
      %dma_wait3A_63 = tpu.memref_slice %arg8[%add3A_55, %dma_wait3A_62] : memref<10240x80xf32, #tpu.memory_space<vmem_shared>> -> memref<64x80xf32, #tpu.memory_space<vmem_shared>>
      tpu.wait_dma2 semaphore(%run_scoped3A : memref<!tpu.dma_semaphore, #tpu.memory_space<semaphore_mem>>) src(%dma_wait3A_63 : memref<64x80xf32, #tpu.memory_space<vmem_shared>>) dst(%arg7 : memref<64x80xf32, #tpu.memory_space<vmem>>)
      tpu.yield
    }) : () -> ()
    "tpu.region"() ({
      %run_scoped3A = tpu.sem_alloc : memref<!tpu.dma_semaphore, #tpu.memory_space<semaphore_mem>>
      %dma_start3A = arith.constant 0 : i32
      %dma_start3A_58 = tpu.memref_slice %arg4[%arg0, %add3A_55, %dma_start3A] : memref<2x10240x80xf32, #tpu.memory_space<hbm>> -> memref<1x64x80xf32, #tpu.memory_space<hbm>>
      %dma_start3A_59 = tpu.memref_squeeze %dma_start3A_58 : memref<1x64x80xf32, #tpu.memory_space<hbm>> -> memref<64x80xf32, #tpu.memory_space<hbm>>
      %dma_start3A_60 = arith.constant 0 : i32
      %dma_start3A_61 = tpu.memref_slice %arg4[%arg0, %add3A_55, %dma_start3A_60] : memref<2x10240x80xf32, #tpu.memory_space<hbm>> -> memref<1x64x80xf32, #tpu.memory_space<hbm>>
      %dma_start3A_62 = tpu.memref_squeeze %dma_start3A_61 : memref<1x64x80xf32, #tpu.memory_space<hbm>> -> memref<64x80xf32, #tpu.memory_space<hbm>>
      tpu.enqueue_dma source(%arg7 : memref<64x80xf32, #tpu.memory_space<vmem>>) target(%dma_start3A_62 : memref<64x80xf32, #tpu.memory_space<hbm>>) target_semaphore(%run_scoped3A : memref<!tpu.dma_semaphore, #tpu.memory_space<semaphore_mem>>)
      %dma_wait3A = arith.constant 0 : i32
      %dma_wait3A_63 = tpu.memref_slice %arg4[%arg0, %add3A_55, %dma_wait3A] : memref<2x10240x80xf32, #tpu.memory_space<hbm>> -> memref<1x64x80xf32, #tpu.memory_space<hbm>>
      %dma_wait3A_64 = tpu.memref_squeeze %dma_wait3A_63 : memref<1x64x80xf32, #tpu.memory_space<hbm>> -> memref<64x80xf32, #tpu.memory_space<hbm>>
      %dma_wait3A_65 = arith.constant 0 : i32
      %dma_wait3A_66 = tpu.memref_slice %arg4[%arg0, %add3A_55, %dma_wait3A_65] : memref<2x10240x80xf32, #tpu.memory_space<hbm>> -> memref<1x64x80xf32, #tpu.memory_space<hbm>>
      %dma_wait3A_67 = tpu.memref_squeeze %dma_wait3A_66 : memref<1x64x80xf32, #tpu.memory_space<hbm>> -> memref<64x80xf32, #tpu.memory_space<hbm>>
      tpu.wait_dma2 semaphore(%run_scoped3A : memref<!tpu.dma_semaphore, #tpu.memory_space<semaphore_mem>>) src(%arg7 : memref<64x80xf32, #tpu.memory_space<vmem>>) dst(%dma_wait3A_67 : memref<64x80xf32, #tpu.memory_space<hbm>>)
      tpu.yield
    }) : () -> ()
    %add3A_56 = arith.constant 576 : i32
    %add3A_57 = arith.addi %mul3A_0, %add3A_56 : i32
    "tpu.region"() ({
      %run_scoped3A = tpu.sem_alloc : memref<!tpu.dma_semaphore, #tpu.memory_space<semaphore_mem>>
      %dma_start3A = arith.constant 0 : i32
      %dma_start3A_58 = tpu.memref_slice %arg8[%add3A_57, %dma_start3A] : memref<10240x80xf32, #tpu.memory_space<vmem_shared>> -> memref<64x80xf32, #tpu.memory_space<vmem_shared>>
      %dma_start3A_59 = arith.constant 0 : i32
      %dma_start3A_60 = tpu.memref_slice %arg8[%add3A_57, %dma_start3A_59] : memref<10240x80xf32, #tpu.memory_space<vmem_shared>> -> memref<64x80xf32, #tpu.memory_space<vmem_shared>>
      tpu.enqueue_dma source(%dma_start3A_60 : memref<64x80xf32, #tpu.memory_space<vmem_shared>>) target(%arg7 : memref<64x80xf32, #tpu.memory_space<vmem>>) target_semaphore(%run_scoped3A : memref<!tpu.dma_semaphore, #tpu.memory_space<semaphore_mem>>)
      %dma_wait3A = arith.constant 0 : i32
      %dma_wait3A_61 = tpu.memref_slice %arg8[%add3A_57, %dma_wait3A] : memref<10240x80xf32, #tpu.memory_space<vmem_shared>> -> memref<64x80xf32, #tpu.memory_space<vmem_shared>>
      %dma_wait3A_62 = arith.constant 0 : i32
      %dma_wait3A_63 = tpu.memref_slice %arg8[%add3A_57, %dma_wait3A_62] : memref<10240x80xf32, #tpu.memory_space<vmem_shared>> -> memref<64x80xf32, #tpu.memory_space<vmem_shared>>
      tpu.wait_dma2 semaphore(%run_scoped3A : memref<!tpu.dma_semaphore, #tpu.memory_space<semaphore_mem>>) src(%dma_wait3A_63 : memref<64x80xf32, #tpu.memory_space<vmem_shared>>) dst(%arg7 : memref<64x80xf32, #tpu.memory_space<vmem>>)
      tpu.yield
    }) : () -> ()
    "tpu.region"() ({
      %run_scoped3A = tpu.sem_alloc : memref<!tpu.dma_semaphore, #tpu.memory_space<semaphore_mem>>
      %dma_start3A = arith.constant 0 : i32
      %dma_start3A_58 = tpu.memref_slice %arg4[%arg0, %add3A_57, %dma_start3A] : memref<2x10240x80xf32, #tpu.memory_space<hbm>> -> memref<1x64x80xf32, #tpu.memory_space<hbm>>
      %dma_start3A_59 = tpu.memref_squeeze %dma_start3A_58 : memref<1x64x80xf32, #tpu.memory_space<hbm>> -> memref<64x80xf32, #tpu.memory_space<hbm>>
      %dma_start3A_60 = arith.constant 0 : i32
      %dma_start3A_61 = tpu.memref_slice %arg4[%arg0, %add3A_57, %dma_start3A_60] : memref<2x10240x80xf32, #tpu.memory_space<hbm>> -> memref<1x64x80xf32, #tpu.memory_space<hbm>>
      %dma_start3A_62 = tpu.memref_squeeze %dma_start3A_61 : memref<1x64x80xf32, #tpu.memory_space<hbm>> -> memref<64x80xf32, #tpu.memory_space<hbm>>
      tpu.enqueue_dma source(%arg7 : memref<64x80xf32, #tpu.memory_space<vmem>>) target(%dma_start3A_62 : memref<64x80xf32, #tpu.memory_space<hbm>>) target_semaphore(%run_scoped3A : memref<!tpu.dma_semaphore, #tpu.memory_space<semaphore_mem>>)
      %dma_wait3A = arith.constant 0 : i32
      %dma_wait3A_63 = tpu.memref_slice %arg4[%arg0, %add3A_57, %dma_wait3A] : memref<2x10240x80xf32, #tpu.memory_space<hbm>> -> memref<1x64x80xf32, #tpu.memory_space<hbm>>
      %dma_wait3A_64 = tpu.memref_squeeze %dma_wait3A_63 : memref<1x64x80xf32, #tpu.memory_space<hbm>> -> memref<64x80xf32, #tpu.memory_space<hbm>>
      %dma_wait3A_65 = arith.constant 0 : i32
      %dma_wait3A_66 = tpu.memref_slice %arg4[%arg0, %add3A_57, %dma_wait3A_65] : memref<2x10240x80xf32, #tpu.memory_space<hbm>> -> memref<1x64x80xf32, #tpu.memory_space<hbm>>
      %dma_wait3A_67 = tpu.memref_squeeze %dma_wait3A_66 : memref<1x64x80xf32, #tpu.memory_space<hbm>> -> memref<64x80xf32, #tpu.memory_space<hbm>>
      tpu.wait_dma2 semaphore(%run_scoped3A : memref<!tpu.dma_semaphore, #tpu.memory_space<semaphore_mem>>) src(%arg7 : memref<64x80xf32, #tpu.memory_space<vmem>>) dst(%dma_wait3A_67 : memref<64x80xf32, #tpu.memory_space<hbm>>)
      tpu.yield
    }) : () -> ()
    return
  }
}

#map = affine_map<(d0, d1) -> (0, 0)>
#map1 = affine_map<(d0, d1) -> (0)>
#map2 = affine_map<(d0, d1) -> (0, 0, 0)>
module attributes {stable_mosaic.version = 14 : i64} {
  func.func @kern(%arg0: i32, %arg1: i32, %arg2: memref<331776x16xf32, #tpu.memory_space<hbm>>, %arg3: memref<331776xi32, #tpu.memory_space<hbm>>, %arg4: memref<2x10240x16xf32, #tpu.memory_space<hbm>>, %arg5: memref<128xi32, #tpu.memory_space<vmem>>, %arg6: memref<128x16xf32, #tpu.memory_space<vmem>>, %arg7: memref<64x16xf32, #tpu.memory_space<vmem>>, %arg8: memref<10240x16xf32, #tpu.memory_space<vmem_shared>>) attributes {dimension_semantics = [#tpu.dimension_semantics<core_parallel>, #tpu.dimension_semantics<subcore_parallel>], iteration_bounds = array<i64: 2, 16>, scalar_prefetch = 0 : i64, scratch_operands = 4 : i64, tpu.core_type = #tpu.core_type<sc_vector_subcore>, window_params = [{transform_indices = #map}, {transform_indices = #map1}, {transform_indices = #map2}]} {
    %mul3A = arith.constant 640 : i32
    %mul3A_0 = arith.muli %arg1, %mul3A : i32
    %broadcast_in_dim3A = arith.constant 0.000000e+00 : f32
    %broadcast_in_dim3A_1 = vector.broadcast %broadcast_in_dim3A : f32 to vector<16xf32>
    %scan3A = arith.constant 0 : i32
    %scan3A_2 = arith.constant 0 : i32
    %scan3A_3 = arith.constant 64 : i32
    %scan3A_4 = arith.addi %scan3A_2, %scan3A_3 : i32
    %scan3A_5 = arith.constant 1 : i32
    scf.for %scan3A_58 = %scan3A_2 to %scan3A_4 step %scan3A_5  : i32 {
      %swap3A = arith.index_cast %scan3A_58 : i32 to index
      %swap3A_59 = arith.constant 0 : index
      %swap3A_60 = tpu.vector_load %arg7[%swap3A, %swap3A_59] {strides = array<i32>} : memref<64x16xf32, #tpu.memory_space<vmem>>, vector<1x16xf32>,
      %swap3A_61 = vector.shape_cast %swap3A_60 : vector<1x16xf32> to vector<16xf32>
      %swap3A_62 = vector.shape_cast %broadcast_in_dim3A_1 : vector<16xf32> to vector<1x16xf32>
      tpu.vector_store %arg7[%swap3A, %swap3A_59], %swap3A_62 {strides = array<i32>} : memref<64x16xf32, #tpu.memory_space<vmem>>, vector<1x16xf32>,
    }
    %scan3A_6 = arith.constant 64 : i32
    %add3A = arith.constant 0 : i32
    %add3A_7 = arith.addi %mul3A_0, %add3A : i32
    "tpu.region"() ({
      %run_scoped3A = tpu.sem_alloc : memref<!tpu.dma_semaphore, #tpu.memory_space<semaphore_mem>>
      %dma_start3A = arith.constant 0 : i32
      %dma_start3A_58 = tpu.memref_slice %arg8[%add3A_7, %dma_start3A] : memref<10240x16xf32, #tpu.memory_space<vmem_shared>> -> memref<64x16xf32, #tpu.memory_space<vmem_shared>>
      %dma_start3A_59 = arith.constant 0 : i32
      %dma_start3A_60 = tpu.memref_slice %arg8[%add3A_7, %dma_start3A_59] : memref<10240x16xf32, #tpu.memory_space<vmem_shared>> -> memref<64x16xf32, #tpu.memory_space<vmem_shared>>
      tpu.enqueue_dma source(%arg7 : memref<64x16xf32, #tpu.memory_space<vmem>>) target(%dma_start3A_60 : memref<64x16xf32, #tpu.memory_space<vmem_shared>>) target_semaphore(%run_scoped3A : memref<!tpu.dma_semaphore, #tpu.memory_space<semaphore_mem>>)
      %dma_wait3A = arith.constant 0 : i32
      %dma_wait3A_61 = tpu.memref_slice %arg8[%add3A_7, %dma_wait3A] : memref<10240x16xf32, #tpu.memory_space<vmem_shared>> -> memref<64x16xf32, #tpu.memory_space<vmem_shared>>
      %dma_wait3A_62 = arith.constant 0 : i32
      %dma_wait3A_63 = tpu.memref_slice %arg8[%add3A_7, %dma_wait3A_62] : memref<10240x16xf32, #tpu.memory_space<vmem_shared>> -> memref<64x16xf32, #tpu.memory_space<vmem_shared>>
      tpu.wait_dma2 semaphore(%run_scoped3A : memref<!tpu.dma_semaphore, #tpu.memory_space<semaphore_mem>>) src(%arg7 : memref<64x16xf32, #tpu.memory_space<vmem>>) dst(%dma_wait3A_63 : memref<64x16xf32, #tpu.memory_space<vmem_shared>>)
      tpu.yield
    }) : () -> ()
    %add3A_8 = arith.constant 64 : i32
    %add3A_9 = arith.addi %mul3A_0, %add3A_8 : i32
    "tpu.region"() ({
      %run_scoped3A = tpu.sem_alloc : memref<!tpu.dma_semaphore, #tpu.memory_space<semaphore_mem>>
      %dma_start3A = arith.constant 0 : i32
      %dma_start3A_58 = tpu.memref_slice %arg8[%add3A_9, %dma_start3A] : memref<10240x16xf32, #tpu.memory_space<vmem_shared>> -> memref<64x16xf32, #tpu.memory_space<vmem_shared>>
      %dma_start3A_59 = arith.constant 0 : i32
      %dma_start3A_60 = tpu.memref_slice %arg8[%add3A_9, %dma_start3A_59] : memref<10240x16xf32, #tpu.memory_space<vmem_shared>> -> memref<64x16xf32, #tpu.memory_space<vmem_shared>>
      tpu.enqueue_dma source(%arg7 : memref<64x16xf32, #tpu.memory_space<vmem>>) target(%dma_start3A_60 : memref<64x16xf32, #tpu.memory_space<vmem_shared>>) target_semaphore(%run_scoped3A : memref<!tpu.dma_semaphore, #tpu.memory_space<semaphore_mem>>)
      %dma_wait3A = arith.constant 0 : i32
      %dma_wait3A_61 = tpu.memref_slice %arg8[%add3A_9, %dma_wait3A] : memref<10240x16xf32, #tpu.memory_space<vmem_shared>> -> memref<64x16xf32, #tpu.memory_space<vmem_shared>>
      %dma_wait3A_62 = arith.constant 0 : i32
      %dma_wait3A_63 = tpu.memref_slice %arg8[%add3A_9, %dma_wait3A_62] : memref<10240x16xf32, #tpu.memory_space<vmem_shared>> -> memref<64x16xf32, #tpu.memory_space<vmem_shared>>
      tpu.wait_dma2 semaphore(%run_scoped3A : memref<!tpu.dma_semaphore, #tpu.memory_space<semaphore_mem>>) src(%arg7 : memref<64x16xf32, #tpu.memory_space<vmem>>) dst(%dma_wait3A_63 : memref<64x16xf32, #tpu.memory_space<vmem_shared>>)
      tpu.yield
    }) : () -> ()
    %add3A_10 = arith.constant 128 : i32
    %add3A_11 = arith.addi %mul3A_0, %add3A_10 : i32
    "tpu.region"() ({
      %run_scoped3A = tpu.sem_alloc : memref<!tpu.dma_semaphore, #tpu.memory_space<semaphore_mem>>
      %dma_start3A = arith.constant 0 : i32
      %dma_start3A_58 = tpu.memref_slice %arg8[%add3A_11, %dma_start3A] : memref<10240x16xf32, #tpu.memory_space<vmem_shared>> -> memref<64x16xf32, #tpu.memory_space<vmem_shared>>
      %dma_start3A_59 = arith.constant 0 : i32
      %dma_start3A_60 = tpu.memref_slice %arg8[%add3A_11, %dma_start3A_59] : memref<10240x16xf32, #tpu.memory_space<vmem_shared>> -> memref<64x16xf32, #tpu.memory_space<vmem_shared>>
      tpu.enqueue_dma source(%arg7 : memref<64x16xf32, #tpu.memory_space<vmem>>) target(%dma_start3A_60 : memref<64x16xf32, #tpu.memory_space<vmem_shared>>) target_semaphore(%run_scoped3A : memref<!tpu.dma_semaphore, #tpu.memory_space<semaphore_mem>>)
      %dma_wait3A = arith.constant 0 : i32
      %dma_wait3A_61 = tpu.memref_slice %arg8[%add3A_11, %dma_wait3A] : memref<10240x16xf32, #tpu.memory_space<vmem_shared>> -> memref<64x16xf32, #tpu.memory_space<vmem_shared>>
      %dma_wait3A_62 = arith.constant 0 : i32
      %dma_wait3A_63 = tpu.memref_slice %arg8[%add3A_11, %dma_wait3A_62] : memref<10240x16xf32, #tpu.memory_space<vmem_shared>> -> memref<64x16xf32, #tpu.memory_space<vmem_shared>>
      tpu.wait_dma2 semaphore(%run_scoped3A : memref<!tpu.dma_semaphore, #tpu.memory_space<semaphore_mem>>) src(%arg7 : memref<64x16xf32, #tpu.memory_space<vmem>>) dst(%dma_wait3A_63 : memref<64x16xf32, #tpu.memory_space<vmem_shared>>)
      tpu.yield
    }) : () -> ()
    %add3A_12 = arith.constant 192 : i32
    %add3A_13 = arith.addi %mul3A_0, %add3A_12 : i32
    "tpu.region"() ({
      %run_scoped3A = tpu.sem_alloc : memref<!tpu.dma_semaphore, #tpu.memory_space<semaphore_mem>>
      %dma_start3A = arith.constant 0 : i32
      %dma_start3A_58 = tpu.memref_slice %arg8[%add3A_13, %dma_start3A] : memref<10240x16xf32, #tpu.memory_space<vmem_shared>> -> memref<64x16xf32, #tpu.memory_space<vmem_shared>>
      %dma_start3A_59 = arith.constant 0 : i32
      %dma_start3A_60 = tpu.memref_slice %arg8[%add3A_13, %dma_start3A_59] : memref<10240x16xf32, #tpu.memory_space<vmem_shared>> -> memref<64x16xf32, #tpu.memory_space<vmem_shared>>
      tpu.enqueue_dma source(%arg7 : memref<64x16xf32, #tpu.memory_space<vmem>>) target(%dma_start3A_60 : memref<64x16xf32, #tpu.memory_space<vmem_shared>>) target_semaphore(%run_scoped3A : memref<!tpu.dma_semaphore, #tpu.memory_space<semaphore_mem>>)
      %dma_wait3A = arith.constant 0 : i32
      %dma_wait3A_61 = tpu.memref_slice %arg8[%add3A_13, %dma_wait3A] : memref<10240x16xf32, #tpu.memory_space<vmem_shared>> -> memref<64x16xf32, #tpu.memory_space<vmem_shared>>
      %dma_wait3A_62 = arith.constant 0 : i32
      %dma_wait3A_63 = tpu.memref_slice %arg8[%add3A_13, %dma_wait3A_62] : memref<10240x16xf32, #tpu.memory_space<vmem_shared>> -> memref<64x16xf32, #tpu.memory_space<vmem_shared>>
      tpu.wait_dma2 semaphore(%run_scoped3A : memref<!tpu.dma_semaphore, #tpu.memory_space<semaphore_mem>>) src(%arg7 : memref<64x16xf32, #tpu.memory_space<vmem>>) dst(%dma_wait3A_63 : memref<64x16xf32, #tpu.memory_space<vmem_shared>>)
      tpu.yield
    }) : () -> ()
    %add3A_14 = arith.constant 256 : i32
    %add3A_15 = arith.addi %mul3A_0, %add3A_14 : i32
    "tpu.region"() ({
      %run_scoped3A = tpu.sem_alloc : memref<!tpu.dma_semaphore, #tpu.memory_space<semaphore_mem>>
      %dma_start3A = arith.constant 0 : i32
      %dma_start3A_58 = tpu.memref_slice %arg8[%add3A_15, %dma_start3A] : memref<10240x16xf32, #tpu.memory_space<vmem_shared>> -> memref<64x16xf32, #tpu.memory_space<vmem_shared>>
      %dma_start3A_59 = arith.constant 0 : i32
      %dma_start3A_60 = tpu.memref_slice %arg8[%add3A_15, %dma_start3A_59] : memref<10240x16xf32, #tpu.memory_space<vmem_shared>> -> memref<64x16xf32, #tpu.memory_space<vmem_shared>>
      tpu.enqueue_dma source(%arg7 : memref<64x16xf32, #tpu.memory_space<vmem>>) target(%dma_start3A_60 : memref<64x16xf32, #tpu.memory_space<vmem_shared>>) target_semaphore(%run_scoped3A : memref<!tpu.dma_semaphore, #tpu.memory_space<semaphore_mem>>)
      %dma_wait3A = arith.constant 0 : i32
      %dma_wait3A_61 = tpu.memref_slice %arg8[%add3A_15, %dma_wait3A] : memref<10240x16xf32, #tpu.memory_space<vmem_shared>> -> memref<64x16xf32, #tpu.memory_space<vmem_shared>>
      %dma_wait3A_62 = arith.constant 0 : i32
      %dma_wait3A_63 = tpu.memref_slice %arg8[%add3A_15, %dma_wait3A_62] : memref<10240x16xf32, #tpu.memory_space<vmem_shared>> -> memref<64x16xf32, #tpu.memory_space<vmem_shared>>
      tpu.wait_dma2 semaphore(%run_scoped3A : memref<!tpu.dma_semaphore, #tpu.memory_space<semaphore_mem>>) src(%arg7 : memref<64x16xf32, #tpu.memory_space<vmem>>) dst(%dma_wait3A_63 : memref<64x16xf32, #tpu.memory_space<vmem_shared>>)
      tpu.yield
    }) : () -> ()
    %add3A_16 = arith.constant 320 : i32
    %add3A_17 = arith.addi %mul3A_0, %add3A_16 : i32
    "tpu.region"() ({
      %run_scoped3A = tpu.sem_alloc : memref<!tpu.dma_semaphore, #tpu.memory_space<semaphore_mem>>
      %dma_start3A = arith.constant 0 : i32
      %dma_start3A_58 = tpu.memref_slice %arg8[%add3A_17, %dma_start3A] : memref<10240x16xf32, #tpu.memory_space<vmem_shared>> -> memref<64x16xf32, #tpu.memory_space<vmem_shared>>
      %dma_start3A_59 = arith.constant 0 : i32
      %dma_start3A_60 = tpu.memref_slice %arg8[%add3A_17, %dma_start3A_59] : memref<10240x16xf32, #tpu.memory_space<vmem_shared>> -> memref<64x16xf32, #tpu.memory_space<vmem_shared>>
      tpu.enqueue_dma source(%arg7 : memref<64x16xf32, #tpu.memory_space<vmem>>) target(%dma_start3A_60 : memref<64x16xf32, #tpu.memory_space<vmem_shared>>) target_semaphore(%run_scoped3A : memref<!tpu.dma_semaphore, #tpu.memory_space<semaphore_mem>>)
      %dma_wait3A = arith.constant 0 : i32
      %dma_wait3A_61 = tpu.memref_slice %arg8[%add3A_17, %dma_wait3A] : memref<10240x16xf32, #tpu.memory_space<vmem_shared>> -> memref<64x16xf32, #tpu.memory_space<vmem_shared>>
      %dma_wait3A_62 = arith.constant 0 : i32
      %dma_wait3A_63 = tpu.memref_slice %arg8[%add3A_17, %dma_wait3A_62] : memref<10240x16xf32, #tpu.memory_space<vmem_shared>> -> memref<64x16xf32, #tpu.memory_space<vmem_shared>>
      tpu.wait_dma2 semaphore(%run_scoped3A : memref<!tpu.dma_semaphore, #tpu.memory_space<semaphore_mem>>) src(%arg7 : memref<64x16xf32, #tpu.memory_space<vmem>>) dst(%dma_wait3A_63 : memref<64x16xf32, #tpu.memory_space<vmem_shared>>)
      tpu.yield
    }) : () -> ()
    %add3A_18 = arith.constant 384 : i32
    %add3A_19 = arith.addi %mul3A_0, %add3A_18 : i32
    "tpu.region"() ({
      %run_scoped3A = tpu.sem_alloc : memref<!tpu.dma_semaphore, #tpu.memory_space<semaphore_mem>>
      %dma_start3A = arith.constant 0 : i32
      %dma_start3A_58 = tpu.memref_slice %arg8[%add3A_19, %dma_start3A] : memref<10240x16xf32, #tpu.memory_space<vmem_shared>> -> memref<64x16xf32, #tpu.memory_space<vmem_shared>>
      %dma_start3A_59 = arith.constant 0 : i32
      %dma_start3A_60 = tpu.memref_slice %arg8[%add3A_19, %dma_start3A_59] : memref<10240x16xf32, #tpu.memory_space<vmem_shared>> -> memref<64x16xf32, #tpu.memory_space<vmem_shared>>
      tpu.enqueue_dma source(%arg7 : memref<64x16xf32, #tpu.memory_space<vmem>>) target(%dma_start3A_60 : memref<64x16xf32, #tpu.memory_space<vmem_shared>>) target_semaphore(%run_scoped3A : memref<!tpu.dma_semaphore, #tpu.memory_space<semaphore_mem>>)
      %dma_wait3A = arith.constant 0 : i32
      %dma_wait3A_61 = tpu.memref_slice %arg8[%add3A_19, %dma_wait3A] : memref<10240x16xf32, #tpu.memory_space<vmem_shared>> -> memref<64x16xf32, #tpu.memory_space<vmem_shared>>
      %dma_wait3A_62 = arith.constant 0 : i32
      %dma_wait3A_63 = tpu.memref_slice %arg8[%add3A_19, %dma_wait3A_62] : memref<10240x16xf32, #tpu.memory_space<vmem_shared>> -> memref<64x16xf32, #tpu.memory_space<vmem_shared>>
      tpu.wait_dma2 semaphore(%run_scoped3A : memref<!tpu.dma_semaphore, #tpu.memory_space<semaphore_mem>>) src(%arg7 : memref<64x16xf32, #tpu.memory_space<vmem>>) dst(%dma_wait3A_63 : memref<64x16xf32, #tpu.memory_space<vmem_shared>>)
      tpu.yield
    }) : () -> ()
    %add3A_20 = arith.constant 448 : i32
    %add3A_21 = arith.addi %mul3A_0, %add3A_20 : i32
    "tpu.region"() ({
      %run_scoped3A = tpu.sem_alloc : memref<!tpu.dma_semaphore, #tpu.memory_space<semaphore_mem>>
      %dma_start3A = arith.constant 0 : i32
      %dma_start3A_58 = tpu.memref_slice %arg8[%add3A_21, %dma_start3A] : memref<10240x16xf32, #tpu.memory_space<vmem_shared>> -> memref<64x16xf32, #tpu.memory_space<vmem_shared>>
      %dma_start3A_59 = arith.constant 0 : i32
      %dma_start3A_60 = tpu.memref_slice %arg8[%add3A_21, %dma_start3A_59] : memref<10240x16xf32, #tpu.memory_space<vmem_shared>> -> memref<64x16xf32, #tpu.memory_space<vmem_shared>>
      tpu.enqueue_dma source(%arg7 : memref<64x16xf32, #tpu.memory_space<vmem>>) target(%dma_start3A_60 : memref<64x16xf32, #tpu.memory_space<vmem_shared>>) target_semaphore(%run_scoped3A : memref<!tpu.dma_semaphore, #tpu.memory_space<semaphore_mem>>)
      %dma_wait3A = arith.constant 0 : i32
      %dma_wait3A_61 = tpu.memref_slice %arg8[%add3A_21, %dma_wait3A] : memref<10240x16xf32, #tpu.memory_space<vmem_shared>> -> memref<64x16xf32, #tpu.memory_space<vmem_shared>>
      %dma_wait3A_62 = arith.constant 0 : i32
      %dma_wait3A_63 = tpu.memref_slice %arg8[%add3A_21, %dma_wait3A_62] : memref<10240x16xf32, #tpu.memory_space<vmem_shared>> -> memref<64x16xf32, #tpu.memory_space<vmem_shared>>
      tpu.wait_dma2 semaphore(%run_scoped3A : memref<!tpu.dma_semaphore, #tpu.memory_space<semaphore_mem>>) src(%arg7 : memref<64x16xf32, #tpu.memory_space<vmem>>) dst(%dma_wait3A_63 : memref<64x16xf32, #tpu.memory_space<vmem_shared>>)
      tpu.yield
    }) : () -> ()
    %add3A_22 = arith.constant 512 : i32
    %add3A_23 = arith.addi %mul3A_0, %add3A_22 : i32
    "tpu.region"() ({
      %run_scoped3A = tpu.sem_alloc : memref<!tpu.dma_semaphore, #tpu.memory_space<semaphore_mem>>
      %dma_start3A = arith.constant 0 : i32
      %dma_start3A_58 = tpu.memref_slice %arg8[%add3A_23, %dma_start3A] : memref<10240x16xf32, #tpu.memory_space<vmem_shared>> -> memref<64x16xf32, #tpu.memory_space<vmem_shared>>
      %dma_start3A_59 = arith.constant 0 : i32
      %dma_start3A_60 = tpu.memref_slice %arg8[%add3A_23, %dma_start3A_59] : memref<10240x16xf32, #tpu.memory_space<vmem_shared>> -> memref<64x16xf32, #tpu.memory_space<vmem_shared>>
      tpu.enqueue_dma source(%arg7 : memref<64x16xf32, #tpu.memory_space<vmem>>) target(%dma_start3A_60 : memref<64x16xf32, #tpu.memory_space<vmem_shared>>) target_semaphore(%run_scoped3A : memref<!tpu.dma_semaphore, #tpu.memory_space<semaphore_mem>>)
      %dma_wait3A = arith.constant 0 : i32
      %dma_wait3A_61 = tpu.memref_slice %arg8[%add3A_23, %dma_wait3A] : memref<10240x16xf32, #tpu.memory_space<vmem_shared>> -> memref<64x16xf32, #tpu.memory_space<vmem_shared>>
      %dma_wait3A_62 = arith.constant 0 : i32
      %dma_wait3A_63 = tpu.memref_slice %arg8[%add3A_23, %dma_wait3A_62] : memref<10240x16xf32, #tpu.memory_space<vmem_shared>> -> memref<64x16xf32, #tpu.memory_space<vmem_shared>>
      tpu.wait_dma2 semaphore(%run_scoped3A : memref<!tpu.dma_semaphore, #tpu.memory_space<semaphore_mem>>) src(%arg7 : memref<64x16xf32, #tpu.memory_space<vmem>>) dst(%dma_wait3A_63 : memref<64x16xf32, #tpu.memory_space<vmem_shared>>)
      tpu.yield
    }) : () -> ()
    %add3A_24 = arith.constant 576 : i32
    %add3A_25 = arith.addi %mul3A_0, %add3A_24 : i32
    "tpu.region"() ({
      %run_scoped3A = tpu.sem_alloc : memref<!tpu.dma_semaphore, #tpu.memory_space<semaphore_mem>>
      %dma_start3A = arith.constant 0 : i32
      %dma_start3A_58 = tpu.memref_slice %arg8[%add3A_25, %dma_start3A] : memref<10240x16xf32, #tpu.memory_space<vmem_shared>> -> memref<64x16xf32, #tpu.memory_space<vmem_shared>>
      %dma_start3A_59 = arith.constant 0 : i32
      %dma_start3A_60 = tpu.memref_slice %arg8[%add3A_25, %dma_start3A_59] : memref<10240x16xf32, #tpu.memory_space<vmem_shared>> -> memref<64x16xf32, #tpu.memory_space<vmem_shared>>
      tpu.enqueue_dma source(%arg7 : memref<64x16xf32, #tpu.memory_space<vmem>>) target(%dma_start3A_60 : memref<64x16xf32, #tpu.memory_space<vmem_shared>>) target_semaphore(%run_scoped3A : memref<!tpu.dma_semaphore, #tpu.memory_space<semaphore_mem>>)
      %dma_wait3A = arith.constant 0 : i32
      %dma_wait3A_61 = tpu.memref_slice %arg8[%add3A_25, %dma_wait3A] : memref<10240x16xf32, #tpu.memory_space<vmem_shared>> -> memref<64x16xf32, #tpu.memory_space<vmem_shared>>
      %dma_wait3A_62 = arith.constant 0 : i32
      %dma_wait3A_63 = tpu.memref_slice %arg8[%add3A_25, %dma_wait3A_62] : memref<10240x16xf32, #tpu.memory_space<vmem_shared>> -> memref<64x16xf32, #tpu.memory_space<vmem_shared>>
      tpu.wait_dma2 semaphore(%run_scoped3A : memref<!tpu.dma_semaphore, #tpu.memory_space<semaphore_mem>>) src(%arg7 : memref<64x16xf32, #tpu.memory_space<vmem>>) dst(%dma_wait3A_63 : memref<64x16xf32, #tpu.memory_space<vmem_shared>>)
      tpu.yield
    }) : () -> ()
    %barrier3A = arith.constant 0 : index
    tpu.barrier barrier_id(%barrier3A)
    %mul3A_26 = arith.constant 16 : i32
    %mul3A_27 = arith.muli %arg0, %mul3A_26 : i32
    %add3A_28 = arith.addi %mul3A_27, %arg1 : i32
    %mul3A_29 = arith.constant 10368 : i32
    %mul3A_30 = arith.muli %add3A_28, %mul3A_29 : i32
    %scan3A_31 = arith.constant 0 : i32
    %scan3A_32 = arith.constant 0 : i32
    %scan3A_33 = arith.constant 81 : i32
    %scan3A_34 = arith.addi %scan3A_32, %scan3A_33 : i32
    %scan3A_35 = arith.constant 1 : i32
    scf.for %scan3A_58 = %scan3A_32 to %scan3A_34 step %scan3A_35  : i32 {
      %mul3A_59 = arith.constant 128 : i32
      %mul3A_60 = arith.muli %scan3A_58, %mul3A_59 : i32
      %add3A_61 = arith.addi %mul3A_30, %mul3A_60 : i32
      "tpu.region"() ({
        %run_scoped3A = tpu.sem_alloc : memref<!tpu.dma_semaphore, #tpu.memory_space<semaphore_mem>>
        %dma_start3A = tpu.memref_slice %arg3[%add3A_61] : memref<331776xi32, #tpu.memory_space<hbm>> -> memref<128xi32, #tpu.memory_space<hbm>>
        %dma_start3A_62 = tpu.memref_slice %arg3[%add3A_61] : memref<331776xi32, #tpu.memory_space<hbm>> -> memref<128xi32, #tpu.memory_space<hbm>>
        tpu.enqueue_dma source(%dma_start3A_62 : memref<128xi32, #tpu.memory_space<hbm>>) target(%arg5 : memref<128xi32, #tpu.memory_space<vmem>>) target_semaphore(%run_scoped3A : memref<!tpu.dma_semaphore, #tpu.memory_space<semaphore_mem>>)
        %dma_wait3A = tpu.memref_slice %arg3[%add3A_61] : memref<331776xi32, #tpu.memory_space<hbm>> -> memref<128xi32, #tpu.memory_space<hbm>>
        %dma_wait3A_63 = tpu.memref_slice %arg3[%add3A_61] : memref<331776xi32, #tpu.memory_space<hbm>> -> memref<128xi32, #tpu.memory_space<hbm>>
        tpu.wait_dma2 semaphore(%run_scoped3A : memref<!tpu.dma_semaphore, #tpu.memory_space<semaphore_mem>>) src(%dma_wait3A_63 : memref<128xi32, #tpu.memory_space<hbm>>) dst(%arg5 : memref<128xi32, #tpu.memory_space<vmem>>)
        tpu.yield
      }) : () -> ()
      "tpu.region"() ({
        %run_scoped3A = tpu.sem_alloc : memref<!tpu.dma_semaphore, #tpu.memory_space<semaphore_mem>>
        %dma_start3A = arith.constant 0 : i32
        %dma_start3A_62 = tpu.memref_slice %arg2[%add3A_61, %dma_start3A] : memref<331776x16xf32, #tpu.memory_space<hbm>> -> memref<128x16xf32, #tpu.memory_space<hbm>>
        %dma_start3A_63 = arith.constant 0 : i32
        %dma_start3A_64 = tpu.memref_slice %arg2[%add3A_61, %dma_start3A_63] : memref<331776x16xf32, #tpu.memory_space<hbm>> -> memref<128x16xf32, #tpu.memory_space<hbm>>
        tpu.enqueue_dma source(%dma_start3A_64 : memref<128x16xf32, #tpu.memory_space<hbm>>) target(%arg6 : memref<128x16xf32, #tpu.memory_space<vmem>>) target_semaphore(%run_scoped3A : memref<!tpu.dma_semaphore, #tpu.memory_space<semaphore_mem>>)
        %dma_wait3A = arith.constant 0 : i32
        %dma_wait3A_65 = tpu.memref_slice %arg2[%add3A_61, %dma_wait3A] : memref<331776x16xf32, #tpu.memory_space<hbm>> -> memref<128x16xf32, #tpu.memory_space<hbm>>
        %dma_wait3A_66 = arith.constant 0 : i32
        %dma_wait3A_67 = tpu.memref_slice %arg2[%add3A_61, %dma_wait3A_66] : memref<331776x16xf32, #tpu.memory_space<hbm>> -> memref<128x16xf32, #tpu.memory_space<hbm>>
        tpu.wait_dma2 semaphore(%run_scoped3A : memref<!tpu.dma_semaphore, #tpu.memory_space<semaphore_mem>>) src(%dma_wait3A_67 : memref<128x16xf32, #tpu.memory_space<hbm>>) dst(%arg6 : memref<128x16xf32, #tpu.memory_space<vmem>>)
        tpu.yield
      }) : () -> ()
      "tpu.region"() ({
        %run_scoped3A = tpu.sem_alloc : memref<!tpu.dma_semaphore, #tpu.memory_space<semaphore_mem>>
        %dma_start3A = arith.constant 0 : i32
        %dma_start3A_62 = arith.constant 0 : i32
        %dma_start3A_63 = tpu.memref_slice %arg8[%dma_start3A, %dma_start3A_62] : memref<10240x16xf32, #tpu.memory_space<vmem_shared>> -> memref<10240x16xf32, #tpu.memory_space<vmem_shared>>
        tpu.enqueue_indirect_dma source(%arg6 : memref<128x16xf32, #tpu.memory_space<vmem>>) target(%dma_start3A_63 : memref<10240x16xf32, #tpu.memory_space<vmem_shared>>) offsets(%arg5 : memref<128xi32, #tpu.memory_space<vmem>>) semaphore(%run_scoped3A : memref<!tpu.dma_semaphore, #tpu.memory_space<semaphore_mem>>) {add = true}
        %dma_wait3A = arith.constant 0 : i32
        %dma_wait3A_64 = arith.constant 0 : i32
        %dma_wait3A_65 = tpu.memref_slice %arg8[%dma_wait3A, %dma_wait3A_64] : memref<10240x16xf32, #tpu.memory_space<vmem_shared>> -> memref<10240x16xf32, #tpu.memory_space<vmem_shared>>
        tpu.wait_indirect_dma semaphore(%run_scoped3A : memref<!tpu.dma_semaphore, #tpu.memory_space<semaphore_mem>>) src(%arg6 : memref<128x16xf32, #tpu.memory_space<vmem>>) dst(%dma_wait3A_65 : memref<10240x16xf32, #tpu.memory_space<vmem_shared>>)
        tpu.yield
      }) : () -> ()
    }
    %scan3A_36 = arith.constant 81 : i32
    %barrier3A_37 = arith.constant 0 : index
    tpu.barrier barrier_id(%barrier3A_37)
    %add3A_38 = arith.constant 0 : i32
    %add3A_39 = arith.addi %mul3A_0, %add3A_38 : i32
    "tpu.region"() ({
      %run_scoped3A = tpu.sem_alloc : memref<!tpu.dma_semaphore, #tpu.memory_space<semaphore_mem>>
      %dma_start3A = arith.constant 0 : i32
      %dma_start3A_58 = tpu.memref_slice %arg8[%add3A_39, %dma_start3A] : memref<10240x16xf32, #tpu.memory_space<vmem_shared>> -> memref<64x16xf32, #tpu.memory_space<vmem_shared>>
      %dma_start3A_59 = arith.constant 0 : i32
      %dma_start3A_60 = tpu.memref_slice %arg8[%add3A_39, %dma_start3A_59] : memref<10240x16xf32, #tpu.memory_space<vmem_shared>> -> memref<64x16xf32, #tpu.memory_space<vmem_shared>>
      tpu.enqueue_dma source(%dma_start3A_60 : memref<64x16xf32, #tpu.memory_space<vmem_shared>>) target(%arg7 : memref<64x16xf32, #tpu.memory_space<vmem>>) target_semaphore(%run_scoped3A : memref<!tpu.dma_semaphore, #tpu.memory_space<semaphore_mem>>)
      %dma_wait3A = arith.constant 0 : i32
      %dma_wait3A_61 = tpu.memref_slice %arg8[%add3A_39, %dma_wait3A] : memref<10240x16xf32, #tpu.memory_space<vmem_shared>> -> memref<64x16xf32, #tpu.memory_space<vmem_shared>>
      %dma_wait3A_62 = arith.constant 0 : i32
      %dma_wait3A_63 = tpu.memref_slice %arg8[%add3A_39, %dma_wait3A_62] : memref<10240x16xf32, #tpu.memory_space<vmem_shared>> -> memref<64x16xf32, #tpu.memory_space<vmem_shared>>
      tpu.wait_dma2 semaphore(%run_scoped3A : memref<!tpu.dma_semaphore, #tpu.memory_space<semaphore_mem>>) src(%dma_wait3A_63 : memref<64x16xf32, #tpu.memory_space<vmem_shared>>) dst(%arg7 : memref<64x16xf32, #tpu.memory_space<vmem>>)
      tpu.yield
    }) : () -> ()
    "tpu.region"() ({
      %run_scoped3A = tpu.sem_alloc : memref<!tpu.dma_semaphore, #tpu.memory_space<semaphore_mem>>
      %dma_start3A = arith.constant 0 : i32
      %dma_start3A_58 = tpu.memref_slice %arg4[%arg0, %add3A_39, %dma_start3A] : memref<2x10240x16xf32, #tpu.memory_space<hbm>> -> memref<1x64x16xf32, #tpu.memory_space<hbm>>
      %dma_start3A_59 = tpu.memref_squeeze %dma_start3A_58 : memref<1x64x16xf32, #tpu.memory_space<hbm>> -> memref<64x16xf32, #tpu.memory_space<hbm>>
      %dma_start3A_60 = arith.constant 0 : i32
      %dma_start3A_61 = tpu.memref_slice %arg4[%arg0, %add3A_39, %dma_start3A_60] : memref<2x10240x16xf32, #tpu.memory_space<hbm>> -> memref<1x64x16xf32, #tpu.memory_space<hbm>>
      %dma_start3A_62 = tpu.memref_squeeze %dma_start3A_61 : memref<1x64x16xf32, #tpu.memory_space<hbm>> -> memref<64x16xf32, #tpu.memory_space<hbm>>
      tpu.enqueue_dma source(%arg7 : memref<64x16xf32, #tpu.memory_space<vmem>>) target(%dma_start3A_62 : memref<64x16xf32, #tpu.memory_space<hbm>>) target_semaphore(%run_scoped3A : memref<!tpu.dma_semaphore, #tpu.memory_space<semaphore_mem>>)
      %dma_wait3A = arith.constant 0 : i32
      %dma_wait3A_63 = tpu.memref_slice %arg4[%arg0, %add3A_39, %dma_wait3A] : memref<2x10240x16xf32, #tpu.memory_space<hbm>> -> memref<1x64x16xf32, #tpu.memory_space<hbm>>
      %dma_wait3A_64 = tpu.memref_squeeze %dma_wait3A_63 : memref<1x64x16xf32, #tpu.memory_space<hbm>> -> memref<64x16xf32, #tpu.memory_space<hbm>>
      %dma_wait3A_65 = arith.constant 0 : i32
      %dma_wait3A_66 = tpu.memref_slice %arg4[%arg0, %add3A_39, %dma_wait3A_65] : memref<2x10240x16xf32, #tpu.memory_space<hbm>> -> memref<1x64x16xf32, #tpu.memory_space<hbm>>
      %dma_wait3A_67 = tpu.memref_squeeze %dma_wait3A_66 : memref<1x64x16xf32, #tpu.memory_space<hbm>> -> memref<64x16xf32, #tpu.memory_space<hbm>>
      tpu.wait_dma2 semaphore(%run_scoped3A : memref<!tpu.dma_semaphore, #tpu.memory_space<semaphore_mem>>) src(%arg7 : memref<64x16xf32, #tpu.memory_space<vmem>>) dst(%dma_wait3A_67 : memref<64x16xf32, #tpu.memory_space<hbm>>)
      tpu.yield
    }) : () -> ()
    %add3A_40 = arith.constant 64 : i32
    %add3A_41 = arith.addi %mul3A_0, %add3A_40 : i32
    "tpu.region"() ({
      %run_scoped3A = tpu.sem_alloc : memref<!tpu.dma_semaphore, #tpu.memory_space<semaphore_mem>>
      %dma_start3A = arith.constant 0 : i32
      %dma_start3A_58 = tpu.memref_slice %arg8[%add3A_41, %dma_start3A] : memref<10240x16xf32, #tpu.memory_space<vmem_shared>> -> memref<64x16xf32, #tpu.memory_space<vmem_shared>>
      %dma_start3A_59 = arith.constant 0 : i32
      %dma_start3A_60 = tpu.memref_slice %arg8[%add3A_41, %dma_start3A_59] : memref<10240x16xf32, #tpu.memory_space<vmem_shared>> -> memref<64x16xf32, #tpu.memory_space<vmem_shared>>
      tpu.enqueue_dma source(%dma_start3A_60 : memref<64x16xf32, #tpu.memory_space<vmem_shared>>) target(%arg7 : memref<64x16xf32, #tpu.memory_space<vmem>>) target_semaphore(%run_scoped3A : memref<!tpu.dma_semaphore, #tpu.memory_space<semaphore_mem>>)
      %dma_wait3A = arith.constant 0 : i32
      %dma_wait3A_61 = tpu.memref_slice %arg8[%add3A_41, %dma_wait3A] : memref<10240x16xf32, #tpu.memory_space<vmem_shared>> -> memref<64x16xf32, #tpu.memory_space<vmem_shared>>
      %dma_wait3A_62 = arith.constant 0 : i32
      %dma_wait3A_63 = tpu.memref_slice %arg8[%add3A_41, %dma_wait3A_62] : memref<10240x16xf32, #tpu.memory_space<vmem_shared>> -> memref<64x16xf32, #tpu.memory_space<vmem_shared>>
      tpu.wait_dma2 semaphore(%run_scoped3A : memref<!tpu.dma_semaphore, #tpu.memory_space<semaphore_mem>>) src(%dma_wait3A_63 : memref<64x16xf32, #tpu.memory_space<vmem_shared>>) dst(%arg7 : memref<64x16xf32, #tpu.memory_space<vmem>>)
      tpu.yield
    }) : () -> ()
    "tpu.region"() ({
      %run_scoped3A = tpu.sem_alloc : memref<!tpu.dma_semaphore, #tpu.memory_space<semaphore_mem>>
      %dma_start3A = arith.constant 0 : i32
      %dma_start3A_58 = tpu.memref_slice %arg4[%arg0, %add3A_41, %dma_start3A] : memref<2x10240x16xf32, #tpu.memory_space<hbm>> -> memref<1x64x16xf32, #tpu.memory_space<hbm>>
      %dma_start3A_59 = tpu.memref_squeeze %dma_start3A_58 : memref<1x64x16xf32, #tpu.memory_space<hbm>> -> memref<64x16xf32, #tpu.memory_space<hbm>>
      %dma_start3A_60 = arith.constant 0 : i32
      %dma_start3A_61 = tpu.memref_slice %arg4[%arg0, %add3A_41, %dma_start3A_60] : memref<2x10240x16xf32, #tpu.memory_space<hbm>> -> memref<1x64x16xf32, #tpu.memory_space<hbm>>
      %dma_start3A_62 = tpu.memref_squeeze %dma_start3A_61 : memref<1x64x16xf32, #tpu.memory_space<hbm>> -> memref<64x16xf32, #tpu.memory_space<hbm>>
      tpu.enqueue_dma source(%arg7 : memref<64x16xf32, #tpu.memory_space<vmem>>) target(%dma_start3A_62 : memref<64x16xf32, #tpu.memory_space<hbm>>) target_semaphore(%run_scoped3A : memref<!tpu.dma_semaphore, #tpu.memory_space<semaphore_mem>>)
      %dma_wait3A = arith.constant 0 : i32
      %dma_wait3A_63 = tpu.memref_slice %arg4[%arg0, %add3A_41, %dma_wait3A] : memref<2x10240x16xf32, #tpu.memory_space<hbm>> -> memref<1x64x16xf32, #tpu.memory_space<hbm>>
      %dma_wait3A_64 = tpu.memref_squeeze %dma_wait3A_63 : memref<1x64x16xf32, #tpu.memory_space<hbm>> -> memref<64x16xf32, #tpu.memory_space<hbm>>
      %dma_wait3A_65 = arith.constant 0 : i32
      %dma_wait3A_66 = tpu.memref_slice %arg4[%arg0, %add3A_41, %dma_wait3A_65] : memref<2x10240x16xf32, #tpu.memory_space<hbm>> -> memref<1x64x16xf32, #tpu.memory_space<hbm>>
      %dma_wait3A_67 = tpu.memref_squeeze %dma_wait3A_66 : memref<1x64x16xf32, #tpu.memory_space<hbm>> -> memref<64x16xf32, #tpu.memory_space<hbm>>
      tpu.wait_dma2 semaphore(%run_scoped3A : memref<!tpu.dma_semaphore, #tpu.memory_space<semaphore_mem>>) src(%arg7 : memref<64x16xf32, #tpu.memory_space<vmem>>) dst(%dma_wait3A_67 : memref<64x16xf32, #tpu.memory_space<hbm>>)
      tpu.yield
    }) : () -> ()
    %add3A_42 = arith.constant 128 : i32
    %add3A_43 = arith.addi %mul3A_0, %add3A_42 : i32
    "tpu.region"() ({
      %run_scoped3A = tpu.sem_alloc : memref<!tpu.dma_semaphore, #tpu.memory_space<semaphore_mem>>
      %dma_start3A = arith.constant 0 : i32
      %dma_start3A_58 = tpu.memref_slice %arg8[%add3A_43, %dma_start3A] : memref<10240x16xf32, #tpu.memory_space<vmem_shared>> -> memref<64x16xf32, #tpu.memory_space<vmem_shared>>
      %dma_start3A_59 = arith.constant 0 : i32
      %dma_start3A_60 = tpu.memref_slice %arg8[%add3A_43, %dma_start3A_59] : memref<10240x16xf32, #tpu.memory_space<vmem_shared>> -> memref<64x16xf32, #tpu.memory_space<vmem_shared>>
      tpu.enqueue_dma source(%dma_start3A_60 : memref<64x16xf32, #tpu.memory_space<vmem_shared>>) target(%arg7 : memref<64x16xf32, #tpu.memory_space<vmem>>) target_semaphore(%run_scoped3A : memref<!tpu.dma_semaphore, #tpu.memory_space<semaphore_mem>>)
      %dma_wait3A = arith.constant 0 : i32
      %dma_wait3A_61 = tpu.memref_slice %arg8[%add3A_43, %dma_wait3A] : memref<10240x16xf32, #tpu.memory_space<vmem_shared>> -> memref<64x16xf32, #tpu.memory_space<vmem_shared>>
      %dma_wait3A_62 = arith.constant 0 : i32
      %dma_wait3A_63 = tpu.memref_slice %arg8[%add3A_43, %dma_wait3A_62] : memref<10240x16xf32, #tpu.memory_space<vmem_shared>> -> memref<64x16xf32, #tpu.memory_space<vmem_shared>>
      tpu.wait_dma2 semaphore(%run_scoped3A : memref<!tpu.dma_semaphore, #tpu.memory_space<semaphore_mem>>) src(%dma_wait3A_63 : memref<64x16xf32, #tpu.memory_space<vmem_shared>>) dst(%arg7 : memref<64x16xf32, #tpu.memory_space<vmem>>)
      tpu.yield
    }) : () -> ()
    "tpu.region"() ({
      %run_scoped3A = tpu.sem_alloc : memref<!tpu.dma_semaphore, #tpu.memory_space<semaphore_mem>>
      %dma_start3A = arith.constant 0 : i32
      %dma_start3A_58 = tpu.memref_slice %arg4[%arg0, %add3A_43, %dma_start3A] : memref<2x10240x16xf32, #tpu.memory_space<hbm>> -> memref<1x64x16xf32, #tpu.memory_space<hbm>>
      %dma_start3A_59 = tpu.memref_squeeze %dma_start3A_58 : memref<1x64x16xf32, #tpu.memory_space<hbm>> -> memref<64x16xf32, #tpu.memory_space<hbm>>
      %dma_start3A_60 = arith.constant 0 : i32
      %dma_start3A_61 = tpu.memref_slice %arg4[%arg0, %add3A_43, %dma_start3A_60] : memref<2x10240x16xf32, #tpu.memory_space<hbm>> -> memref<1x64x16xf32, #tpu.memory_space<hbm>>
      %dma_start3A_62 = tpu.memref_squeeze %dma_start3A_61 : memref<1x64x16xf32, #tpu.memory_space<hbm>> -> memref<64x16xf32, #tpu.memory_space<hbm>>
      tpu.enqueue_dma source(%arg7 : memref<64x16xf32, #tpu.memory_space<vmem>>) target(%dma_start3A_62 : memref<64x16xf32, #tpu.memory_space<hbm>>) target_semaphore(%run_scoped3A : memref<!tpu.dma_semaphore, #tpu.memory_space<semaphore_mem>>)
      %dma_wait3A = arith.constant 0 : i32
      %dma_wait3A_63 = tpu.memref_slice %arg4[%arg0, %add3A_43, %dma_wait3A] : memref<2x10240x16xf32, #tpu.memory_space<hbm>> -> memref<1x64x16xf32, #tpu.memory_space<hbm>>
      %dma_wait3A_64 = tpu.memref_squeeze %dma_wait3A_63 : memref<1x64x16xf32, #tpu.memory_space<hbm>> -> memref<64x16xf32, #tpu.memory_space<hbm>>
      %dma_wait3A_65 = arith.constant 0 : i32
      %dma_wait3A_66 = tpu.memref_slice %arg4[%arg0, %add3A_43, %dma_wait3A_65] : memref<2x10240x16xf32, #tpu.memory_space<hbm>> -> memref<1x64x16xf32, #tpu.memory_space<hbm>>
      %dma_wait3A_67 = tpu.memref_squeeze %dma_wait3A_66 : memref<1x64x16xf32, #tpu.memory_space<hbm>> -> memref<64x16xf32, #tpu.memory_space<hbm>>
      tpu.wait_dma2 semaphore(%run_scoped3A : memref<!tpu.dma_semaphore, #tpu.memory_space<semaphore_mem>>) src(%arg7 : memref<64x16xf32, #tpu.memory_space<vmem>>) dst(%dma_wait3A_67 : memref<64x16xf32, #tpu.memory_space<hbm>>)
      tpu.yield
    }) : () -> ()
    %add3A_44 = arith.constant 192 : i32
    %add3A_45 = arith.addi %mul3A_0, %add3A_44 : i32
    "tpu.region"() ({
      %run_scoped3A = tpu.sem_alloc : memref<!tpu.dma_semaphore, #tpu.memory_space<semaphore_mem>>
      %dma_start3A = arith.constant 0 : i32
      %dma_start3A_58 = tpu.memref_slice %arg8[%add3A_45, %dma_start3A] : memref<10240x16xf32, #tpu.memory_space<vmem_shared>> -> memref<64x16xf32, #tpu.memory_space<vmem_shared>>
      %dma_start3A_59 = arith.constant 0 : i32
      %dma_start3A_60 = tpu.memref_slice %arg8[%add3A_45, %dma_start3A_59] : memref<10240x16xf32, #tpu.memory_space<vmem_shared>> -> memref<64x16xf32, #tpu.memory_space<vmem_shared>>
      tpu.enqueue_dma source(%dma_start3A_60 : memref<64x16xf32, #tpu.memory_space<vmem_shared>>) target(%arg7 : memref<64x16xf32, #tpu.memory_space<vmem>>) target_semaphore(%run_scoped3A : memref<!tpu.dma_semaphore, #tpu.memory_space<semaphore_mem>>)
      %dma_wait3A = arith.constant 0 : i32
      %dma_wait3A_61 = tpu.memref_slice %arg8[%add3A_45, %dma_wait3A] : memref<10240x16xf32, #tpu.memory_space<vmem_shared>> -> memref<64x16xf32, #tpu.memory_space<vmem_shared>>
      %dma_wait3A_62 = arith.constant 0 : i32
      %dma_wait3A_63 = tpu.memref_slice %arg8[%add3A_45, %dma_wait3A_62] : memref<10240x16xf32, #tpu.memory_space<vmem_shared>> -> memref<64x16xf32, #tpu.memory_space<vmem_shared>>
      tpu.wait_dma2 semaphore(%run_scoped3A : memref<!tpu.dma_semaphore, #tpu.memory_space<semaphore_mem>>) src(%dma_wait3A_63 : memref<64x16xf32, #tpu.memory_space<vmem_shared>>) dst(%arg7 : memref<64x16xf32, #tpu.memory_space<vmem>>)
      tpu.yield
    }) : () -> ()
    "tpu.region"() ({
      %run_scoped3A = tpu.sem_alloc : memref<!tpu.dma_semaphore, #tpu.memory_space<semaphore_mem>>
      %dma_start3A = arith.constant 0 : i32
      %dma_start3A_58 = tpu.memref_slice %arg4[%arg0, %add3A_45, %dma_start3A] : memref<2x10240x16xf32, #tpu.memory_space<hbm>> -> memref<1x64x16xf32, #tpu.memory_space<hbm>>
      %dma_start3A_59 = tpu.memref_squeeze %dma_start3A_58 : memref<1x64x16xf32, #tpu.memory_space<hbm>> -> memref<64x16xf32, #tpu.memory_space<hbm>>
      %dma_start3A_60 = arith.constant 0 : i32
      %dma_start3A_61 = tpu.memref_slice %arg4[%arg0, %add3A_45, %dma_start3A_60] : memref<2x10240x16xf32, #tpu.memory_space<hbm>> -> memref<1x64x16xf32, #tpu.memory_space<hbm>>
      %dma_start3A_62 = tpu.memref_squeeze %dma_start3A_61 : memref<1x64x16xf32, #tpu.memory_space<hbm>> -> memref<64x16xf32, #tpu.memory_space<hbm>>
      tpu.enqueue_dma source(%arg7 : memref<64x16xf32, #tpu.memory_space<vmem>>) target(%dma_start3A_62 : memref<64x16xf32, #tpu.memory_space<hbm>>) target_semaphore(%run_scoped3A : memref<!tpu.dma_semaphore, #tpu.memory_space<semaphore_mem>>)
      %dma_wait3A = arith.constant 0 : i32
      %dma_wait3A_63 = tpu.memref_slice %arg4[%arg0, %add3A_45, %dma_wait3A] : memref<2x10240x16xf32, #tpu.memory_space<hbm>> -> memref<1x64x16xf32, #tpu.memory_space<hbm>>
      %dma_wait3A_64 = tpu.memref_squeeze %dma_wait3A_63 : memref<1x64x16xf32, #tpu.memory_space<hbm>> -> memref<64x16xf32, #tpu.memory_space<hbm>>
      %dma_wait3A_65 = arith.constant 0 : i32
      %dma_wait3A_66 = tpu.memref_slice %arg4[%arg0, %add3A_45, %dma_wait3A_65] : memref<2x10240x16xf32, #tpu.memory_space<hbm>> -> memref<1x64x16xf32, #tpu.memory_space<hbm>>
      %dma_wait3A_67 = tpu.memref_squeeze %dma_wait3A_66 : memref<1x64x16xf32, #tpu.memory_space<hbm>> -> memref<64x16xf32, #tpu.memory_space<hbm>>
      tpu.wait_dma2 semaphore(%run_scoped3A : memref<!tpu.dma_semaphore, #tpu.memory_space<semaphore_mem>>) src(%arg7 : memref<64x16xf32, #tpu.memory_space<vmem>>) dst(%dma_wait3A_67 : memref<64x16xf32, #tpu.memory_space<hbm>>)
      tpu.yield
    }) : () -> ()
    %add3A_46 = arith.constant 256 : i32
    %add3A_47 = arith.addi %mul3A_0, %add3A_46 : i32
    "tpu.region"() ({
      %run_scoped3A = tpu.sem_alloc : memref<!tpu.dma_semaphore, #tpu.memory_space<semaphore_mem>>
      %dma_start3A = arith.constant 0 : i32
      %dma_start3A_58 = tpu.memref_slice %arg8[%add3A_47, %dma_start3A] : memref<10240x16xf32, #tpu.memory_space<vmem_shared>> -> memref<64x16xf32, #tpu.memory_space<vmem_shared>>
      %dma_start3A_59 = arith.constant 0 : i32
      %dma_start3A_60 = tpu.memref_slice %arg8[%add3A_47, %dma_start3A_59] : memref<10240x16xf32, #tpu.memory_space<vmem_shared>> -> memref<64x16xf32, #tpu.memory_space<vmem_shared>>
      tpu.enqueue_dma source(%dma_start3A_60 : memref<64x16xf32, #tpu.memory_space<vmem_shared>>) target(%arg7 : memref<64x16xf32, #tpu.memory_space<vmem>>) target_semaphore(%run_scoped3A : memref<!tpu.dma_semaphore, #tpu.memory_space<semaphore_mem>>)
      %dma_wait3A = arith.constant 0 : i32
      %dma_wait3A_61 = tpu.memref_slice %arg8[%add3A_47, %dma_wait3A] : memref<10240x16xf32, #tpu.memory_space<vmem_shared>> -> memref<64x16xf32, #tpu.memory_space<vmem_shared>>
      %dma_wait3A_62 = arith.constant 0 : i32
      %dma_wait3A_63 = tpu.memref_slice %arg8[%add3A_47, %dma_wait3A_62] : memref<10240x16xf32, #tpu.memory_space<vmem_shared>> -> memref<64x16xf32, #tpu.memory_space<vmem_shared>>
      tpu.wait_dma2 semaphore(%run_scoped3A : memref<!tpu.dma_semaphore, #tpu.memory_space<semaphore_mem>>) src(%dma_wait3A_63 : memref<64x16xf32, #tpu.memory_space<vmem_shared>>) dst(%arg7 : memref<64x16xf32, #tpu.memory_space<vmem>>)
      tpu.yield
    }) : () -> ()
    "tpu.region"() ({
      %run_scoped3A = tpu.sem_alloc : memref<!tpu.dma_semaphore, #tpu.memory_space<semaphore_mem>>
      %dma_start3A = arith.constant 0 : i32
      %dma_start3A_58 = tpu.memref_slice %arg4[%arg0, %add3A_47, %dma_start3A] : memref<2x10240x16xf32, #tpu.memory_space<hbm>> -> memref<1x64x16xf32, #tpu.memory_space<hbm>>
      %dma_start3A_59 = tpu.memref_squeeze %dma_start3A_58 : memref<1x64x16xf32, #tpu.memory_space<hbm>> -> memref<64x16xf32, #tpu.memory_space<hbm>>
      %dma_start3A_60 = arith.constant 0 : i32
      %dma_start3A_61 = tpu.memref_slice %arg4[%arg0, %add3A_47, %dma_start3A_60] : memref<2x10240x16xf32, #tpu.memory_space<hbm>> -> memref<1x64x16xf32, #tpu.memory_space<hbm>>
      %dma_start3A_62 = tpu.memref_squeeze %dma_start3A_61 : memref<1x64x16xf32, #tpu.memory_space<hbm>> -> memref<64x16xf32, #tpu.memory_space<hbm>>
      tpu.enqueue_dma source(%arg7 : memref<64x16xf32, #tpu.memory_space<vmem>>) target(%dma_start3A_62 : memref<64x16xf32, #tpu.memory_space<hbm>>) target_semaphore(%run_scoped3A : memref<!tpu.dma_semaphore, #tpu.memory_space<semaphore_mem>>)
      %dma_wait3A = arith.constant 0 : i32
      %dma_wait3A_63 = tpu.memref_slice %arg4[%arg0, %add3A_47, %dma_wait3A] : memref<2x10240x16xf32, #tpu.memory_space<hbm>> -> memref<1x64x16xf32, #tpu.memory_space<hbm>>
      %dma_wait3A_64 = tpu.memref_squeeze %dma_wait3A_63 : memref<1x64x16xf32, #tpu.memory_space<hbm>> -> memref<64x16xf32, #tpu.memory_space<hbm>>
      %dma_wait3A_65 = arith.constant 0 : i32
      %dma_wait3A_66 = tpu.memref_slice %arg4[%arg0, %add3A_47, %dma_wait3A_65] : memref<2x10240x16xf32, #tpu.memory_space<hbm>> -> memref<1x64x16xf32, #tpu.memory_space<hbm>>
      %dma_wait3A_67 = tpu.memref_squeeze %dma_wait3A_66 : memref<1x64x16xf32, #tpu.memory_space<hbm>> -> memref<64x16xf32, #tpu.memory_space<hbm>>
      tpu.wait_dma2 semaphore(%run_scoped3A : memref<!tpu.dma_semaphore, #tpu.memory_space<semaphore_mem>>) src(%arg7 : memref<64x16xf32, #tpu.memory_space<vmem>>) dst(%dma_wait3A_67 : memref<64x16xf32, #tpu.memory_space<hbm>>)
      tpu.yield
    }) : () -> ()
    %add3A_48 = arith.constant 320 : i32
    %add3A_49 = arith.addi %mul3A_0, %add3A_48 : i32
    "tpu.region"() ({
      %run_scoped3A = tpu.sem_alloc : memref<!tpu.dma_semaphore, #tpu.memory_space<semaphore_mem>>
      %dma_start3A = arith.constant 0 : i32
      %dma_start3A_58 = tpu.memref_slice %arg8[%add3A_49, %dma_start3A] : memref<10240x16xf32, #tpu.memory_space<vmem_shared>> -> memref<64x16xf32, #tpu.memory_space<vmem_shared>>
      %dma_start3A_59 = arith.constant 0 : i32
      %dma_start3A_60 = tpu.memref_slice %arg8[%add3A_49, %dma_start3A_59] : memref<10240x16xf32, #tpu.memory_space<vmem_shared>> -> memref<64x16xf32, #tpu.memory_space<vmem_shared>>
      tpu.enqueue_dma source(%dma_start3A_60 : memref<64x16xf32, #tpu.memory_space<vmem_shared>>) target(%arg7 : memref<64x16xf32, #tpu.memory_space<vmem>>) target_semaphore(%run_scoped3A : memref<!tpu.dma_semaphore, #tpu.memory_space<semaphore_mem>>)
      %dma_wait3A = arith.constant 0 : i32
      %dma_wait3A_61 = tpu.memref_slice %arg8[%add3A_49, %dma_wait3A] : memref<10240x16xf32, #tpu.memory_space<vmem_shared>> -> memref<64x16xf32, #tpu.memory_space<vmem_shared>>
      %dma_wait3A_62 = arith.constant 0 : i32
      %dma_wait3A_63 = tpu.memref_slice %arg8[%add3A_49, %dma_wait3A_62] : memref<10240x16xf32, #tpu.memory_space<vmem_shared>> -> memref<64x16xf32, #tpu.memory_space<vmem_shared>>
      tpu.wait_dma2 semaphore(%run_scoped3A : memref<!tpu.dma_semaphore, #tpu.memory_space<semaphore_mem>>) src(%dma_wait3A_63 : memref<64x16xf32, #tpu.memory_space<vmem_shared>>) dst(%arg7 : memref<64x16xf32, #tpu.memory_space<vmem>>)
      tpu.yield
    }) : () -> ()
    "tpu.region"() ({
      %run_scoped3A = tpu.sem_alloc : memref<!tpu.dma_semaphore, #tpu.memory_space<semaphore_mem>>
      %dma_start3A = arith.constant 0 : i32
      %dma_start3A_58 = tpu.memref_slice %arg4[%arg0, %add3A_49, %dma_start3A] : memref<2x10240x16xf32, #tpu.memory_space<hbm>> -> memref<1x64x16xf32, #tpu.memory_space<hbm>>
      %dma_start3A_59 = tpu.memref_squeeze %dma_start3A_58 : memref<1x64x16xf32, #tpu.memory_space<hbm>> -> memref<64x16xf32, #tpu.memory_space<hbm>>
      %dma_start3A_60 = arith.constant 0 : i32
      %dma_start3A_61 = tpu.memref_slice %arg4[%arg0, %add3A_49, %dma_start3A_60] : memref<2x10240x16xf32, #tpu.memory_space<hbm>> -> memref<1x64x16xf32, #tpu.memory_space<hbm>>
      %dma_start3A_62 = tpu.memref_squeeze %dma_start3A_61 : memref<1x64x16xf32, #tpu.memory_space<hbm>> -> memref<64x16xf32, #tpu.memory_space<hbm>>
      tpu.enqueue_dma source(%arg7 : memref<64x16xf32, #tpu.memory_space<vmem>>) target(%dma_start3A_62 : memref<64x16xf32, #tpu.memory_space<hbm>>) target_semaphore(%run_scoped3A : memref<!tpu.dma_semaphore, #tpu.memory_space<semaphore_mem>>)
      %dma_wait3A = arith.constant 0 : i32
      %dma_wait3A_63 = tpu.memref_slice %arg4[%arg0, %add3A_49, %dma_wait3A] : memref<2x10240x16xf32, #tpu.memory_space<hbm>> -> memref<1x64x16xf32, #tpu.memory_space<hbm>>
      %dma_wait3A_64 = tpu.memref_squeeze %dma_wait3A_63 : memref<1x64x16xf32, #tpu.memory_space<hbm>> -> memref<64x16xf32, #tpu.memory_space<hbm>>
      %dma_wait3A_65 = arith.constant 0 : i32
      %dma_wait3A_66 = tpu.memref_slice %arg4[%arg0, %add3A_49, %dma_wait3A_65] : memref<2x10240x16xf32, #tpu.memory_space<hbm>> -> memref<1x64x16xf32, #tpu.memory_space<hbm>>
      %dma_wait3A_67 = tpu.memref_squeeze %dma_wait3A_66 : memref<1x64x16xf32, #tpu.memory_space<hbm>> -> memref<64x16xf32, #tpu.memory_space<hbm>>
      tpu.wait_dma2 semaphore(%run_scoped3A : memref<!tpu.dma_semaphore, #tpu.memory_space<semaphore_mem>>) src(%arg7 : memref<64x16xf32, #tpu.memory_space<vmem>>) dst(%dma_wait3A_67 : memref<64x16xf32, #tpu.memory_space<hbm>>)
      tpu.yield
    }) : () -> ()
    %add3A_50 = arith.constant 384 : i32
    %add3A_51 = arith.addi %mul3A_0, %add3A_50 : i32
    "tpu.region"() ({
      %run_scoped3A = tpu.sem_alloc : memref<!tpu.dma_semaphore, #tpu.memory_space<semaphore_mem>>
      %dma_start3A = arith.constant 0 : i32
      %dma_start3A_58 = tpu.memref_slice %arg8[%add3A_51, %dma_start3A] : memref<10240x16xf32, #tpu.memory_space<vmem_shared>> -> memref<64x16xf32, #tpu.memory_space<vmem_shared>>
      %dma_start3A_59 = arith.constant 0 : i32
      %dma_start3A_60 = tpu.memref_slice %arg8[%add3A_51, %dma_start3A_59] : memref<10240x16xf32, #tpu.memory_space<vmem_shared>> -> memref<64x16xf32, #tpu.memory_space<vmem_shared>>
      tpu.enqueue_dma source(%dma_start3A_60 : memref<64x16xf32, #tpu.memory_space<vmem_shared>>) target(%arg7 : memref<64x16xf32, #tpu.memory_space<vmem>>) target_semaphore(%run_scoped3A : memref<!tpu.dma_semaphore, #tpu.memory_space<semaphore_mem>>)
      %dma_wait3A = arith.constant 0 : i32
      %dma_wait3A_61 = tpu.memref_slice %arg8[%add3A_51, %dma_wait3A] : memref<10240x16xf32, #tpu.memory_space<vmem_shared>> -> memref<64x16xf32, #tpu.memory_space<vmem_shared>>
      %dma_wait3A_62 = arith.constant 0 : i32
      %dma_wait3A_63 = tpu.memref_slice %arg8[%add3A_51, %dma_wait3A_62] : memref<10240x16xf32, #tpu.memory_space<vmem_shared>> -> memref<64x16xf32, #tpu.memory_space<vmem_shared>>
      tpu.wait_dma2 semaphore(%run_scoped3A : memref<!tpu.dma_semaphore, #tpu.memory_space<semaphore_mem>>) src(%dma_wait3A_63 : memref<64x16xf32, #tpu.memory_space<vmem_shared>>) dst(%arg7 : memref<64x16xf32, #tpu.memory_space<vmem>>)
      tpu.yield
    }) : () -> ()
    "tpu.region"() ({
      %run_scoped3A = tpu.sem_alloc : memref<!tpu.dma_semaphore, #tpu.memory_space<semaphore_mem>>
      %dma_start3A = arith.constant 0 : i32
      %dma_start3A_58 = tpu.memref_slice %arg4[%arg0, %add3A_51, %dma_start3A] : memref<2x10240x16xf32, #tpu.memory_space<hbm>> -> memref<1x64x16xf32, #tpu.memory_space<hbm>>
      %dma_start3A_59 = tpu.memref_squeeze %dma_start3A_58 : memref<1x64x16xf32, #tpu.memory_space<hbm>> -> memref<64x16xf32, #tpu.memory_space<hbm>>
      %dma_start3A_60 = arith.constant 0 : i32
      %dma_start3A_61 = tpu.memref_slice %arg4[%arg0, %add3A_51, %dma_start3A_60] : memref<2x10240x16xf32, #tpu.memory_space<hbm>> -> memref<1x64x16xf32, #tpu.memory_space<hbm>>
      %dma_start3A_62 = tpu.memref_squeeze %dma_start3A_61 : memref<1x64x16xf32, #tpu.memory_space<hbm>> -> memref<64x16xf32, #tpu.memory_space<hbm>>
      tpu.enqueue_dma source(%arg7 : memref<64x16xf32, #tpu.memory_space<vmem>>) target(%dma_start3A_62 : memref<64x16xf32, #tpu.memory_space<hbm>>) target_semaphore(%run_scoped3A : memref<!tpu.dma_semaphore, #tpu.memory_space<semaphore_mem>>)
      %dma_wait3A = arith.constant 0 : i32
      %dma_wait3A_63 = tpu.memref_slice %arg4[%arg0, %add3A_51, %dma_wait3A] : memref<2x10240x16xf32, #tpu.memory_space<hbm>> -> memref<1x64x16xf32, #tpu.memory_space<hbm>>
      %dma_wait3A_64 = tpu.memref_squeeze %dma_wait3A_63 : memref<1x64x16xf32, #tpu.memory_space<hbm>> -> memref<64x16xf32, #tpu.memory_space<hbm>>
      %dma_wait3A_65 = arith.constant 0 : i32
      %dma_wait3A_66 = tpu.memref_slice %arg4[%arg0, %add3A_51, %dma_wait3A_65] : memref<2x10240x16xf32, #tpu.memory_space<hbm>> -> memref<1x64x16xf32, #tpu.memory_space<hbm>>
      %dma_wait3A_67 = tpu.memref_squeeze %dma_wait3A_66 : memref<1x64x16xf32, #tpu.memory_space<hbm>> -> memref<64x16xf32, #tpu.memory_space<hbm>>
      tpu.wait_dma2 semaphore(%run_scoped3A : memref<!tpu.dma_semaphore, #tpu.memory_space<semaphore_mem>>) src(%arg7 : memref<64x16xf32, #tpu.memory_space<vmem>>) dst(%dma_wait3A_67 : memref<64x16xf32, #tpu.memory_space<hbm>>)
      tpu.yield
    }) : () -> ()
    %add3A_52 = arith.constant 448 : i32
    %add3A_53 = arith.addi %mul3A_0, %add3A_52 : i32
    "tpu.region"() ({
      %run_scoped3A = tpu.sem_alloc : memref<!tpu.dma_semaphore, #tpu.memory_space<semaphore_mem>>
      %dma_start3A = arith.constant 0 : i32
      %dma_start3A_58 = tpu.memref_slice %arg8[%add3A_53, %dma_start3A] : memref<10240x16xf32, #tpu.memory_space<vmem_shared>> -> memref<64x16xf32, #tpu.memory_space<vmem_shared>>
      %dma_start3A_59 = arith.constant 0 : i32
      %dma_start3A_60 = tpu.memref_slice %arg8[%add3A_53, %dma_start3A_59] : memref<10240x16xf32, #tpu.memory_space<vmem_shared>> -> memref<64x16xf32, #tpu.memory_space<vmem_shared>>
      tpu.enqueue_dma source(%dma_start3A_60 : memref<64x16xf32, #tpu.memory_space<vmem_shared>>) target(%arg7 : memref<64x16xf32, #tpu.memory_space<vmem>>) target_semaphore(%run_scoped3A : memref<!tpu.dma_semaphore, #tpu.memory_space<semaphore_mem>>)
      %dma_wait3A = arith.constant 0 : i32
      %dma_wait3A_61 = tpu.memref_slice %arg8[%add3A_53, %dma_wait3A] : memref<10240x16xf32, #tpu.memory_space<vmem_shared>> -> memref<64x16xf32, #tpu.memory_space<vmem_shared>>
      %dma_wait3A_62 = arith.constant 0 : i32
      %dma_wait3A_63 = tpu.memref_slice %arg8[%add3A_53, %dma_wait3A_62] : memref<10240x16xf32, #tpu.memory_space<vmem_shared>> -> memref<64x16xf32, #tpu.memory_space<vmem_shared>>
      tpu.wait_dma2 semaphore(%run_scoped3A : memref<!tpu.dma_semaphore, #tpu.memory_space<semaphore_mem>>) src(%dma_wait3A_63 : memref<64x16xf32, #tpu.memory_space<vmem_shared>>) dst(%arg7 : memref<64x16xf32, #tpu.memory_space<vmem>>)
      tpu.yield
    }) : () -> ()
    "tpu.region"() ({
      %run_scoped3A = tpu.sem_alloc : memref<!tpu.dma_semaphore, #tpu.memory_space<semaphore_mem>>
      %dma_start3A = arith.constant 0 : i32
      %dma_start3A_58 = tpu.memref_slice %arg4[%arg0, %add3A_53, %dma_start3A] : memref<2x10240x16xf32, #tpu.memory_space<hbm>> -> memref<1x64x16xf32, #tpu.memory_space<hbm>>
      %dma_start3A_59 = tpu.memref_squeeze %dma_start3A_58 : memref<1x64x16xf32, #tpu.memory_space<hbm>> -> memref<64x16xf32, #tpu.memory_space<hbm>>
      %dma_start3A_60 = arith.constant 0 : i32
      %dma_start3A_61 = tpu.memref_slice %arg4[%arg0, %add3A_53, %dma_start3A_60] : memref<2x10240x16xf32, #tpu.memory_space<hbm>> -> memref<1x64x16xf32, #tpu.memory_space<hbm>>
      %dma_start3A_62 = tpu.memref_squeeze %dma_start3A_61 : memref<1x64x16xf32, #tpu.memory_space<hbm>> -> memref<64x16xf32, #tpu.memory_space<hbm>>
      tpu.enqueue_dma source(%arg7 : memref<64x16xf32, #tpu.memory_space<vmem>>) target(%dma_start3A_62 : memref<64x16xf32, #tpu.memory_space<hbm>>) target_semaphore(%run_scoped3A : memref<!tpu.dma_semaphore, #tpu.memory_space<semaphore_mem>>)
      %dma_wait3A = arith.constant 0 : i32
      %dma_wait3A_63 = tpu.memref_slice %arg4[%arg0, %add3A_53, %dma_wait3A] : memref<2x10240x16xf32, #tpu.memory_space<hbm>> -> memref<1x64x16xf32, #tpu.memory_space<hbm>>
      %dma_wait3A_64 = tpu.memref_squeeze %dma_wait3A_63 : memref<1x64x16xf32, #tpu.memory_space<hbm>> -> memref<64x16xf32, #tpu.memory_space<hbm>>
      %dma_wait3A_65 = arith.constant 0 : i32
      %dma_wait3A_66 = tpu.memref_slice %arg4[%arg0, %add3A_53, %dma_wait3A_65] : memref<2x10240x16xf32, #tpu.memory_space<hbm>> -> memref<1x64x16xf32, #tpu.memory_space<hbm>>
      %dma_wait3A_67 = tpu.memref_squeeze %dma_wait3A_66 : memref<1x64x16xf32, #tpu.memory_space<hbm>> -> memref<64x16xf32, #tpu.memory_space<hbm>>
      tpu.wait_dma2 semaphore(%run_scoped3A : memref<!tpu.dma_semaphore, #tpu.memory_space<semaphore_mem>>) src(%arg7 : memref<64x16xf32, #tpu.memory_space<vmem>>) dst(%dma_wait3A_67 : memref<64x16xf32, #tpu.memory_space<hbm>>)
      tpu.yield
    }) : () -> ()
    %add3A_54 = arith.constant 512 : i32
    %add3A_55 = arith.addi %mul3A_0, %add3A_54 : i32
    "tpu.region"() ({
      %run_scoped3A = tpu.sem_alloc : memref<!tpu.dma_semaphore, #tpu.memory_space<semaphore_mem>>
      %dma_start3A = arith.constant 0 : i32
      %dma_start3A_58 = tpu.memref_slice %arg8[%add3A_55, %dma_start3A] : memref<10240x16xf32, #tpu.memory_space<vmem_shared>> -> memref<64x16xf32, #tpu.memory_space<vmem_shared>>
      %dma_start3A_59 = arith.constant 0 : i32
      %dma_start3A_60 = tpu.memref_slice %arg8[%add3A_55, %dma_start3A_59] : memref<10240x16xf32, #tpu.memory_space<vmem_shared>> -> memref<64x16xf32, #tpu.memory_space<vmem_shared>>
      tpu.enqueue_dma source(%dma_start3A_60 : memref<64x16xf32, #tpu.memory_space<vmem_shared>>) target(%arg7 : memref<64x16xf32, #tpu.memory_space<vmem>>) target_semaphore(%run_scoped3A : memref<!tpu.dma_semaphore, #tpu.memory_space<semaphore_mem>>)
      %dma_wait3A = arith.constant 0 : i32
      %dma_wait3A_61 = tpu.memref_slice %arg8[%add3A_55, %dma_wait3A] : memref<10240x16xf32, #tpu.memory_space<vmem_shared>> -> memref<64x16xf32, #tpu.memory_space<vmem_shared>>
      %dma_wait3A_62 = arith.constant 0 : i32
      %dma_wait3A_63 = tpu.memref_slice %arg8[%add3A_55, %dma_wait3A_62] : memref<10240x16xf32, #tpu.memory_space<vmem_shared>> -> memref<64x16xf32, #tpu.memory_space<vmem_shared>>
      tpu.wait_dma2 semaphore(%run_scoped3A : memref<!tpu.dma_semaphore, #tpu.memory_space<semaphore_mem>>) src(%dma_wait3A_63 : memref<64x16xf32, #tpu.memory_space<vmem_shared>>) dst(%arg7 : memref<64x16xf32, #tpu.memory_space<vmem>>)
      tpu.yield
    }) : () -> ()
    "tpu.region"() ({
      %run_scoped3A = tpu.sem_alloc : memref<!tpu.dma_semaphore, #tpu.memory_space<semaphore_mem>>
      %dma_start3A = arith.constant 0 : i32
      %dma_start3A_58 = tpu.memref_slice %arg4[%arg0, %add3A_55, %dma_start3A] : memref<2x10240x16xf32, #tpu.memory_space<hbm>> -> memref<1x64x16xf32, #tpu.memory_space<hbm>>
      %dma_start3A_59 = tpu.memref_squeeze %dma_start3A_58 : memref<1x64x16xf32, #tpu.memory_space<hbm>> -> memref<64x16xf32, #tpu.memory_space<hbm>>
      %dma_start3A_60 = arith.constant 0 : i32
      %dma_start3A_61 = tpu.memref_slice %arg4[%arg0, %add3A_55, %dma_start3A_60] : memref<2x10240x16xf32, #tpu.memory_space<hbm>> -> memref<1x64x16xf32, #tpu.memory_space<hbm>>
      %dma_start3A_62 = tpu.memref_squeeze %dma_start3A_61 : memref<1x64x16xf32, #tpu.memory_space<hbm>> -> memref<64x16xf32, #tpu.memory_space<hbm>>
      tpu.enqueue_dma source(%arg7 : memref<64x16xf32, #tpu.memory_space<vmem>>) target(%dma_start3A_62 : memref<64x16xf32, #tpu.memory_space<hbm>>) target_semaphore(%run_scoped3A : memref<!tpu.dma_semaphore, #tpu.memory_space<semaphore_mem>>)
      %dma_wait3A = arith.constant 0 : i32
      %dma_wait3A_63 = tpu.memref_slice %arg4[%arg0, %add3A_55, %dma_wait3A] : memref<2x10240x16xf32, #tpu.memory_space<hbm>> -> memref<1x64x16xf32, #tpu.memory_space<hbm>>
      %dma_wait3A_64 = tpu.memref_squeeze %dma_wait3A_63 : memref<1x64x16xf32, #tpu.memory_space<hbm>> -> memref<64x16xf32, #tpu.memory_space<hbm>>
      %dma_wait3A_65 = arith.constant 0 : i32
      %dma_wait3A_66 = tpu.memref_slice %arg4[%arg0, %add3A_55, %dma_wait3A_65] : memref<2x10240x16xf32, #tpu.memory_space<hbm>> -> memref<1x64x16xf32, #tpu.memory_space<hbm>>
      %dma_wait3A_67 = tpu.memref_squeeze %dma_wait3A_66 : memref<1x64x16xf32, #tpu.memory_space<hbm>> -> memref<64x16xf32, #tpu.memory_space<hbm>>
      tpu.wait_dma2 semaphore(%run_scoped3A : memref<!tpu.dma_semaphore, #tpu.memory_space<semaphore_mem>>) src(%arg7 : memref<64x16xf32, #tpu.memory_space<vmem>>) dst(%dma_wait3A_67 : memref<64x16xf32, #tpu.memory_space<hbm>>)
      tpu.yield
    }) : () -> ()
    %add3A_56 = arith.constant 576 : i32
    %add3A_57 = arith.addi %mul3A_0, %add3A_56 : i32
    "tpu.region"() ({
      %run_scoped3A = tpu.sem_alloc : memref<!tpu.dma_semaphore, #tpu.memory_space<semaphore_mem>>
      %dma_start3A = arith.constant 0 : i32
      %dma_start3A_58 = tpu.memref_slice %arg8[%add3A_57, %dma_start3A] : memref<10240x16xf32, #tpu.memory_space<vmem_shared>> -> memref<64x16xf32, #tpu.memory_space<vmem_shared>>
      %dma_start3A_59 = arith.constant 0 : i32
      %dma_start3A_60 = tpu.memref_slice %arg8[%add3A_57, %dma_start3A_59] : memref<10240x16xf32, #tpu.memory_space<vmem_shared>> -> memref<64x16xf32, #tpu.memory_space<vmem_shared>>
      tpu.enqueue_dma source(%dma_start3A_60 : memref<64x16xf32, #tpu.memory_space<vmem_shared>>) target(%arg7 : memref<64x16xf32, #tpu.memory_space<vmem>>) target_semaphore(%run_scoped3A : memref<!tpu.dma_semaphore, #tpu.memory_space<semaphore_mem>>)
      %dma_wait3A = arith.constant 0 : i32
      %dma_wait3A_61 = tpu.memref_slice %arg8[%add3A_57, %dma_wait3A] : memref<10240x16xf32, #tpu.memory_space<vmem_shared>> -> memref<64x16xf32, #tpu.memory_space<vmem_shared>>
      %dma_wait3A_62 = arith.constant 0 : i32
      %dma_wait3A_63 = tpu.memref_slice %arg8[%add3A_57, %dma_wait3A_62] : memref<10240x16xf32, #tpu.memory_space<vmem_shared>> -> memref<64x16xf32, #tpu.memory_space<vmem_shared>>
      tpu.wait_dma2 semaphore(%run_scoped3A : memref<!tpu.dma_semaphore, #tpu.memory_space<semaphore_mem>>) src(%dma_wait3A_63 : memref<64x16xf32, #tpu.memory_space<vmem_shared>>) dst(%arg7 : memref<64x16xf32, #tpu.memory_space<vmem>>)
      tpu.yield
    }) : () -> ()
    "tpu.region"() ({
      %run_scoped3A = tpu.sem_alloc : memref<!tpu.dma_semaphore, #tpu.memory_space<semaphore_mem>>
      %dma_start3A = arith.constant 0 : i32
      %dma_start3A_58 = tpu.memref_slice %arg4[%arg0, %add3A_57, %dma_start3A] : memref<2x10240x16xf32, #tpu.memory_space<hbm>> -> memref<1x64x16xf32, #tpu.memory_space<hbm>>
      %dma_start3A_59 = tpu.memref_squeeze %dma_start3A_58 : memref<1x64x16xf32, #tpu.memory_space<hbm>> -> memref<64x16xf32, #tpu.memory_space<hbm>>
      %dma_start3A_60 = arith.constant 0 : i32
      %dma_start3A_61 = tpu.memref_slice %arg4[%arg0, %add3A_57, %dma_start3A_60] : memref<2x10240x16xf32, #tpu.memory_space<hbm>> -> memref<1x64x16xf32, #tpu.memory_space<hbm>>
      %dma_start3A_62 = tpu.memref_squeeze %dma_start3A_61 : memref<1x64x16xf32, #tpu.memory_space<hbm>> -> memref<64x16xf32, #tpu.memory_space<hbm>>
      tpu.enqueue_dma source(%arg7 : memref<64x16xf32, #tpu.memory_space<vmem>>) target(%dma_start3A_62 : memref<64x16xf32, #tpu.memory_space<hbm>>) target_semaphore(%run_scoped3A : memref<!tpu.dma_semaphore, #tpu.memory_space<semaphore_mem>>)
      %dma_wait3A = arith.constant 0 : i32
      %dma_wait3A_63 = tpu.memref_slice %arg4[%arg0, %add3A_57, %dma_wait3A] : memref<2x10240x16xf32, #tpu.memory_space<hbm>> -> memref<1x64x16xf32, #tpu.memory_space<hbm>>
      %dma_wait3A_64 = tpu.memref_squeeze %dma_wait3A_63 : memref<1x64x16xf32, #tpu.memory_space<hbm>> -> memref<64x16xf32, #tpu.memory_space<hbm>>
      %dma_wait3A_65 = arith.constant 0 : i32
      %dma_wait3A_66 = tpu.memref_slice %arg4[%arg0, %add3A_57, %dma_wait3A_65] : memref<2x10240x16xf32, #tpu.memory_space<hbm>> -> memref<1x64x16xf32, #tpu.memory_space<hbm>>
      %dma_wait3A_67 = tpu.memref_squeeze %dma_wait3A_66 : memref<1x64x16xf32, #tpu.memory_space<hbm>> -> memref<64x16xf32, #tpu.memory_space<hbm>>
      tpu.wait_dma2 semaphore(%run_scoped3A : memref<!tpu.dma_semaphore, #tpu.memory_space<semaphore_mem>>) src(%arg7 : memref<64x16xf32, #tpu.memory_space<vmem>>) dst(%dma_wait3A_67 : memref<64x16xf32, #tpu.memory_space<hbm>>)
      tpu.yield
    }) : () -> ()
    return
  }
}

module attributes {stable_mosaic.version = 14 : i64} {
  func.func @body(%arg0: i32, %arg1: memref<128x128xf32, #tpu.memory_space<vmem>>, %arg2: memref<128x64xf32, #tpu.memory_space<vmem>>, %arg3: memref<64x16xf32, #tpu.memory_space<vmem>>, %arg4: memref<64x16xf32, #tpu.memory_space<vmem>>, %arg5: memref<128x64xf32, #tpu.memory_space<vmem>>, %arg6: memref<128x16xf32, #tpu.memory_space<vmem>>, %arg7: memref<128x16xf32, #tpu.memory_space<vmem>>, %arg8: memref<1x16xf32, #tpu.memory_space<vmem>>, %arg9: memref<1x16xf32, #tpu.memory_space<vmem>>, %arg10: memref<1x16xf32, #tpu.memory_space<vmem>>) attributes {dimension_semantics = [#tpu.dimension_semantics<arbitrary>], iteration_bounds = array<i64: 80>, scalar_prefetch = 0 : i64, scratch_operands = 2 : i64, tpu.core_type = #tpu.core_type<tc>, window_params = [{transform_indices = @transform_0, window_bounds = array<i64: 128, 128>}, {pipeline_mode = #tpu.pipeline_mode<synchronous>, transform_indices = @transform_1, window_bounds = array<i64: 128, 64>}, {pipeline_mode = #tpu.pipeline_mode<synchronous>, transform_indices = @transform_2, window_bounds = array<i64: 64, 16>}, {pipeline_mode = #tpu.pipeline_mode<synchronous>, transform_indices = @transform_3, window_bounds = array<i64: 64, 16>}, {transform_indices = @transform_4, window_bounds = array<i64: 128, 64>}, {transform_indices = @transform_5, window_bounds = array<i64: 128, 16>}, {transform_indices = @transform_6, window_bounds = array<i64: 128, 16>}, {pipeline_mode = #tpu.pipeline_mode<synchronous>, transform_indices = @transform_7, window_bounds = array<i64: 1, 16>}]} {
    %get3A = arith.constant 0 : index
    %get3A_0 = arith.constant 0 : index
    %get3A_1 = vector.load %arg1[%get3A, %get3A_0] : memref<128x128xf32, #tpu.memory_space<vmem>>, vector<128x128xf32>
    %get3A_2 = arith.constant 0 : index
    %get3A_3 = arith.constant 0 : index
    %get3A_4 = vector.load %arg2[%get3A_2, %get3A_3] : memref<128x64xf32, #tpu.memory_space<vmem>>, vector<128x64xf32>
    %dot_general3A = arith.constant dense<0.000000e+00> : vector<128x64xf32>
    %dot_general3A_5 = tpu.matmul %get3A_1, %get3A_4, %dot_general3A {dimension_numbers = #tpu.dot_dimension_numbers<[1], [0], [0], [1], [0, 0, 1, 1], [], []>, transpose_lhs_hint = false} : vector<128x128xf32>, vector<128x64xf32>, vector<128x64xf32> -> vector<128x64xf32>
    %get3A_6 = arith.constant 0 : index
    %get3A_7 = arith.constant 0 : index
    %get3A_8 = vector.load %arg3[%get3A_6, %get3A_7] : memref<64x16xf32, #tpu.memory_space<vmem>>, vector<64x16xf32>
    %dot_general3A_9 = arith.constant dense<0.000000e+00> : vector<128x16xf32>
    %dot_general3A_10 = tpu.matmul %dot_general3A_5, %get3A_8, %dot_general3A_9 {dimension_numbers = #tpu.dot_dimension_numbers<[1], [0], [0], [1], [0, 0, 1, 1], [], []>, transpose_lhs_hint = false} : vector<128x64xf32>, vector<64x16xf32>, vector<128x16xf32> -> vector<128x16xf32>
    %get3A_11 = arith.constant 0 : index
    %get3A_12 = arith.constant 0 : index
    %get3A_13 = vector.load %arg4[%get3A_11, %get3A_12] : memref<64x16xf32, #tpu.memory_space<vmem>>, vector<64x16xf32>
    %dot_general3A_14 = arith.constant dense<0.000000e+00> : vector<128x16xf32>
    %dot_general3A_15 = tpu.matmul %dot_general3A_5, %get3A_13, %dot_general3A_14 {dimension_numbers = #tpu.dot_dimension_numbers<[1], [0], [0], [1], [0, 0, 1, 1], [], []>, transpose_lhs_hint = false} : vector<128x64xf32>, vector<64x16xf32>, vector<128x16xf32> -> vector<128x16xf32>
    %swap3A = arith.constant 0 : index
    %swap3A_16 = arith.constant 0 : index
    %swap3A_17 = vector.load %arg5[%swap3A, %swap3A_16] : memref<128x64xf32, #tpu.memory_space<vmem>>, vector<128x64xf32>
    tpu.vector_store %arg5[%swap3A, %swap3A_16], %dot_general3A_5 {strides = array<i32>} : memref<128x64xf32, #tpu.memory_space<vmem>>, vector<128x64xf32>,
    %swap3A_18 = arith.constant 0 : index
    %swap3A_19 = arith.constant 0 : index
    %swap3A_20 = vector.load %arg6[%swap3A_18, %swap3A_19] : memref<128x16xf32, #tpu.memory_space<vmem>>, vector<128x16xf32>
    tpu.vector_store %arg6[%swap3A_18, %swap3A_19], %dot_general3A_10 {strides = array<i32>} : memref<128x16xf32, #tpu.memory_space<vmem>>, vector<128x16xf32>,
    %swap3A_21 = arith.constant 0 : index
    %swap3A_22 = arith.constant 0 : index
    %swap3A_23 = vector.load %arg7[%swap3A_21, %swap3A_22] : memref<128x16xf32, #tpu.memory_space<vmem>>, vector<128x16xf32>
    tpu.vector_store %arg7[%swap3A_21, %swap3A_22], %dot_general3A_15 {strides = array<i32>} : memref<128x16xf32, #tpu.memory_space<vmem>>, vector<128x16xf32>,
    %eq3A = arith.constant 0 : i32
    %eq3A_24 = arith.cmpi eq, %arg0, %eq3A : i32
    %convert_element_type3A = arith.extui %eq3A_24 : i1 to i32
    %cond3A = arith.constant 0 : i32
    %cond3A_25 = arith.cmpi ne, %convert_element_type3A, %cond3A : i32
    scf.if %cond3A_25 {
      %broadcast_in_dim3A_48 = arith.constant -1.000000e+30 : f32
      %broadcast_in_dim3A_49 = vector.broadcast %broadcast_in_dim3A_48 : f32 to vector<1x16xf32>
      %swap3A_50 = arith.constant 0 : index
      %swap3A_51 = arith.constant 0 : index
      %swap3A_52 = vector.load %arg9[%swap3A_50, %swap3A_51] : memref<1x16xf32, #tpu.memory_space<vmem>>, vector<1x16xf32>
      tpu.vector_store %arg9[%swap3A_50, %swap3A_51], %broadcast_in_dim3A_49 {strides = array<i32>} : memref<1x16xf32, #tpu.memory_space<vmem>>, vector<1x16xf32>,
      %broadcast_in_dim3A_53 = arith.constant -1.000000e+30 : f32
      %broadcast_in_dim3A_54 = vector.broadcast %broadcast_in_dim3A_53 : f32 to vector<1x16xf32>
      %swap3A_55 = arith.constant 0 : index
      %swap3A_56 = arith.constant 0 : index
      %swap3A_57 = vector.load %arg10[%swap3A_55, %swap3A_56] : memref<1x16xf32, #tpu.memory_space<vmem>>, vector<1x16xf32>
      tpu.vector_store %arg10[%swap3A_55, %swap3A_56], %broadcast_in_dim3A_54 {strides = array<i32>} : memref<1x16xf32, #tpu.memory_space<vmem>>, vector<1x16xf32>,
    } else {
    }
    %get3A_26 = arith.constant 0 : index
    %get3A_27 = arith.constant 0 : index
    %get3A_28 = vector.load %arg9[%get3A_26, %get3A_27] : memref<1x16xf32, #tpu.memory_space<vmem>>, vector<1x16xf32>
    %reduce_max3A = arith.constant dense<0xFF800000> : vector<16xf32>
    %reduce_max3A_29 = vector.multi_reduction <maximumf>, %dot_general3A_10, %reduce_max3A [0] : vector<128x16xf32> to vector<16xf32>
    %broadcast_in_dim3A = vector.shape_cast %reduce_max3A_29 : vector<16xf32> to vector<1x16xf32>
    %max3A = arith.maximumf %get3A_28, %broadcast_in_dim3A : vector<1x16xf32>
    %swap3A_30 = arith.constant 0 : index
    %swap3A_31 = arith.constant 0 : index
    %swap3A_32 = vector.load %arg9[%swap3A_30, %swap3A_31] : memref<1x16xf32, #tpu.memory_space<vmem>>, vector<1x16xf32>
    tpu.vector_store %arg9[%swap3A_30, %swap3A_31], %max3A {strides = array<i32>} : memref<1x16xf32, #tpu.memory_space<vmem>>, vector<1x16xf32>,
    %get3A_33 = arith.constant 0 : index
    %get3A_34 = arith.constant 0 : index
    %get3A_35 = vector.load %arg10[%get3A_33, %get3A_34] : memref<1x16xf32, #tpu.memory_space<vmem>>, vector<1x16xf32>
    %reduce_max3A_36 = arith.constant dense<0xFF800000> : vector<16xf32>
    %reduce_max3A_37 = vector.multi_reduction <maximumf>, %dot_general3A_15, %reduce_max3A_36 [0] : vector<128x16xf32> to vector<16xf32>
    %broadcast_in_dim3A_38 = vector.shape_cast %reduce_max3A_37 : vector<16xf32> to vector<1x16xf32>
    %max3A_39 = arith.maximumf %get3A_35, %broadcast_in_dim3A_38 : vector<1x16xf32>
    %swap3A_40 = arith.constant 0 : index
    %swap3A_41 = arith.constant 0 : index
    %swap3A_42 = vector.load %arg10[%swap3A_40, %swap3A_41] : memref<1x16xf32, #tpu.memory_space<vmem>>, vector<1x16xf32>
    tpu.vector_store %arg10[%swap3A_40, %swap3A_41], %max3A_39 {strides = array<i32>} : memref<1x16xf32, #tpu.memory_space<vmem>>, vector<1x16xf32>,
    %eq3A_43 = arith.constant 79 : i32
    %eq3A_44 = arith.cmpi eq, %arg0, %eq3A_43 : i32
    %convert_element_type3A_45 = arith.extui %eq3A_44 : i1 to i32
    %cond3A_46 = arith.constant 0 : i32
    %cond3A_47 = arith.cmpi ne, %convert_element_type3A_45, %cond3A_46 : i32
    scf.if %cond3A_47 {
      %get3A_48 = arith.constant 0 : index
      %get3A_49 = arith.constant 0 : index
      %get3A_50 = vector.load %arg9[%get3A_48, %get3A_49] : memref<1x16xf32, #tpu.memory_space<vmem>>, vector<1x16xf32>
      %get3A_51 = arith.constant 0 : index
      %get3A_52 = arith.constant 0 : index
      %get3A_53 = vector.load %arg10[%get3A_51, %get3A_52] : memref<1x16xf32, #tpu.memory_space<vmem>>, vector<1x16xf32>
      %add3A = arith.addf %get3A_50, %get3A_53 : vector<1x16xf32>
      %mul3A = arith.constant 2.000000e-01 : f32
      %mul3A_54 = vector.broadcast %mul3A : f32 to vector<1x16xf32>
      %mul3A_55 = arith.mulf %mul3A_54, %add3A : vector<1x16xf32>
      %max3A_56 = arith.maximumf %add3A, %mul3A_55 : vector<1x16xf32>
      %swap3A_57 = arith.constant 0 : index
      %swap3A_58 = arith.constant 0 : index
      %swap3A_59 = vector.load %arg8[%swap3A_57, %swap3A_58] : memref<1x16xf32, #tpu.memory_space<vmem>>, vector<1x16xf32>
      tpu.vector_store %arg8[%swap3A_57, %swap3A_58], %max3A_56 {strides = array<i32>} : memref<1x16xf32, #tpu.memory_space<vmem>>, vector<1x16xf32>,
    } else {
    }
    return
  }
  func.func @transform_0(%arg0: i32) -> (i32, i32) {
    %c0_i32 = arith.constant 0 : i32
    %c0_i32_0 = arith.constant 0 : i32
    return %arg0, %c0_i32 : i32, i32
  }
  func.func @transform_1(%arg0: i32) -> (i32, i32) {
    %c0_i32 = arith.constant 0 : i32
    %c0_i32_0 = arith.constant 0 : i32
    %c0_i32_1 = arith.constant 0 : i32
    return %c0_i32, %c0_i32_0 : i32, i32
  }
  func.func @transform_2(%arg0: i32) -> (i32, i32) {
    %c0_i32 = arith.constant 0 : i32
    %c0_i32_0 = arith.constant 0 : i32
    %c0_i32_1 = arith.constant 0 : i32
    return %c0_i32, %c0_i32_0 : i32, i32
  }
  func.func @transform_3(%arg0: i32) -> (i32, i32) {
    %c0_i32 = arith.constant 0 : i32
    %c0_i32_0 = arith.constant 0 : i32
    %c0_i32_1 = arith.constant 0 : i32
    return %c0_i32, %c0_i32_0 : i32, i32
  }
  func.func @transform_4(%arg0: i32) -> (i32, i32) {
    %c0_i32 = arith.constant 0 : i32
    %c0_i32_0 = arith.constant 0 : i32
    return %arg0, %c0_i32 : i32, i32
  }
  func.func @transform_5(%arg0: i32) -> (i32, i32) {
    %c0_i32 = arith.constant 0 : i32
    %c0_i32_0 = arith.constant 0 : i32
    return %arg0, %c0_i32 : i32, i32
  }
  func.func @transform_6(%arg0: i32) -> (i32, i32) {
    %c0_i32 = arith.constant 0 : i32
    %c0_i32_0 = arith.constant 0 : i32
    return %arg0, %c0_i32 : i32, i32
  }
  func.func @transform_7(%arg0: i32) -> (i32, i32) {
    %c0_i32 = arith.constant 0 : i32
    %c0_i32_0 = arith.constant 0 : i32
    %c0_i32_1 = arith.constant 0 : i32
    return %c0_i32, %c0_i32_0 : i32, i32
  }
}

module attributes {stable_mosaic.version = 14 : i64} {
  func.func @body(%arg0: i32, %arg1: memref<512x16xf32, #tpu.memory_space<vmem>>, %arg2: memref<512x16xf32, #tpu.memory_space<vmem>>, %arg3: memref<512x64xf32, #tpu.memory_space<vmem>>, %arg4: memref<1x16xf32, #tpu.memory_space<vmem>>, %arg5: memref<16x64xf32, #tpu.memory_space<vmem>>, %arg6: memref<512x80xf32, #tpu.memory_space<vmem>>) attributes {dimension_semantics = [#tpu.dimension_semantics<arbitrary>], iteration_bounds = array<i64: 648>, scalar_prefetch = 0 : i64, scratch_operands = 0 : i64, tpu.core_type = #tpu.core_type<tc>, window_params = [{transform_indices = @transform_0, window_bounds = array<i64: 512, 16>}, {transform_indices = @transform_1, window_bounds = array<i64: 512, 16>}, {transform_indices = @transform_2, window_bounds = array<i64: 512, 64>}, {pipeline_mode = #tpu.pipeline_mode<synchronous>, transform_indices = @transform_3, window_bounds = array<i64: 1, 16>}, {pipeline_mode = #tpu.pipeline_mode<synchronous>, transform_indices = @transform_4, window_bounds = array<i64: 16, 64>}, {transform_indices = @transform_5, window_bounds = array<i64: 512, 80>}]} {
    %get3A = arith.constant 0 : index
    %get3A_0 = arith.constant 0 : index
    %get3A_1 = vector.load %arg1[%get3A, %get3A_0] : memref<512x16xf32, #tpu.memory_space<vmem>>, vector<512x16xf32>
    %get3A_2 = arith.constant 0 : index
    %get3A_3 = arith.constant 0 : index
    %get3A_4 = vector.load %arg2[%get3A_2, %get3A_3] : memref<512x16xf32, #tpu.memory_space<vmem>>, vector<512x16xf32>
    %add3A = arith.addf %get3A_1, %get3A_4 : vector<512x16xf32>
    %mul3A = arith.constant 2.000000e-01 : f32
    %mul3A_5 = vector.broadcast %mul3A : f32 to vector<512x16xf32>
    %mul3A_6 = arith.mulf %mul3A_5, %add3A : vector<512x16xf32>
    %max3A = arith.maximumf %add3A, %mul3A_6 : vector<512x16xf32>
    %get3A_7 = arith.constant 0 : index
    %get3A_8 = arith.constant 0 : index
    %get3A_9 = vector.load %arg4[%get3A_7, %get3A_8] : memref<1x16xf32, #tpu.memory_space<vmem>>, vector<1x16xf32>
    %sub3A = vector.broadcast %get3A_9 : vector<1x16xf32> to vector<512x16xf32>
    %sub3A_10 = arith.subf %max3A, %sub3A : vector<512x16xf32>
    %exp3A = math.exp %sub3A_10 : vector<512x16xf32>
    %get3A_11 = arith.constant 0 : index
    %get3A_12 = arith.constant 0 : index
    %get3A_13 = vector.load %arg5[%get3A_11, %get3A_12] : memref<16x64xf32, #tpu.memory_space<vmem>>, vector<16x64xf32>
    %dot_general3A = arith.constant dense<0.000000e+00> : vector<512x64xf32>
    %dot_general3A_14 = tpu.matmul %exp3A, %get3A_13, %dot_general3A {dimension_numbers = #tpu.dot_dimension_numbers<[1], [0], [0], [1], [0, 0, 1, 1], [], []>, transpose_lhs_hint = false} : vector<512x16xf32>, vector<16x64xf32>, vector<512x64xf32> -> vector<512x64xf32>
    %get3A_15 = arith.constant 0 : index
    %get3A_16 = arith.constant 0 : index
    %get3A_17 = vector.load %arg3[%get3A_15, %get3A_16] : memref<512x64xf32, #tpu.memory_space<vmem>>, vector<512x64xf32>
    %mul3A_18 = arith.mulf %get3A_17, %dot_general3A_14 : vector<512x64xf32>
    %concatenate3A = tpu.concatenate %mul3A_18, %exp3A in 1 : vector<512x64xf32>, vector<512x16xf32> -> vector<512x80xf32>
    %swap3A = arith.constant 0 : index
    %swap3A_19 = arith.constant 0 : index
    %swap3A_20 = vector.load %arg6[%swap3A, %swap3A_19] : memref<512x80xf32, #tpu.memory_space<vmem>>, vector<512x80xf32>
    tpu.vector_store %arg6[%swap3A, %swap3A_19], %concatenate3A {strides = array<i32>} : memref<512x80xf32, #tpu.memory_space<vmem>>, vector<512x80xf32>,
    return
  }
  func.func @transform_0(%arg0: i32) -> (i32, i32) {
    %c0_i32 = arith.constant 0 : i32
    %c0_i32_0 = arith.constant 0 : i32
    return %arg0, %c0_i32 : i32, i32
  }
  func.func @transform_1(%arg0: i32) -> (i32, i32) {
    %c0_i32 = arith.constant 0 : i32
    %c0_i32_0 = arith.constant 0 : i32
    return %arg0, %c0_i32 : i32, i32
  }
  func.func @transform_2(%arg0: i32) -> (i32, i32) {
    %c0_i32 = arith.constant 0 : i32
    %c0_i32_0 = arith.constant 0 : i32
    return %arg0, %c0_i32 : i32, i32
  }
  func.func @transform_3(%arg0: i32) -> (i32, i32) {
    %c0_i32 = arith.constant 0 : i32
    %c0_i32_0 = arith.constant 0 : i32
    %c0_i32_1 = arith.constant 0 : i32
    return %c0_i32, %c0_i32_0 : i32, i32
  }
  func.func @transform_4(%arg0: i32) -> (i32, i32) {
    %c0_i32 = arith.constant 0 : i32
    %c0_i32_0 = arith.constant 0 : i32
    %c0_i32_1 = arith.constant 0 : i32
    return %c0_i32, %c0_i32_0 : i32, i32
  }
  func.func @transform_5(%arg0: i32) -> (i32, i32) {
    %c0_i32 = arith.constant 0 : i32
    %c0_i32_0 = arith.constant 0 : i32
    return %arg0, %c0_i32 : i32, i32
  }
}

module attributes {stable_mosaic.version = 14 : i64} {
  func.func @body(%arg0: i32, %arg1: memref<128x80xf32, #tpu.memory_space<vmem>>, %arg2: memref<128x80xf32, #tpu.memory_space<vmem>>, %arg3: memref<1x64xf32, #tpu.memory_space<vmem>>, %arg4: memref<64x16xf32, #tpu.memory_space<vmem>>, %arg5: memref<64x16xf32, #tpu.memory_space<vmem>>, %arg6: memref<8x64xf32, #tpu.memory_space<vmem>>, %arg7: memref<128x16xf32, #tpu.memory_space<vmem>>, %arg8: memref<128x16xf32, #tpu.memory_space<vmem>>, %arg9: memref<1x16xf32, #tpu.memory_space<vmem>>, %arg10: memref<1x16xf32, #tpu.memory_space<vmem>>, %arg11: memref<1x16xf32, #tpu.memory_space<vmem>>) attributes {dimension_semantics = [#tpu.dimension_semantics<arbitrary>], iteration_bounds = array<i64: 80>, scalar_prefetch = 0 : i64, scratch_operands = 2 : i64, tpu.core_type = #tpu.core_type<tc>, window_params = [{transform_indices = @transform_0, window_bounds = array<i64: 128, 80>}, {transform_indices = @transform_1, window_bounds = array<i64: 128, 80>}, {pipeline_mode = #tpu.pipeline_mode<synchronous>, transform_indices = @transform_2, window_bounds = array<i64: 1, 64>}, {pipeline_mode = #tpu.pipeline_mode<synchronous>, transform_indices = @transform_3, window_bounds = array<i64: 64, 16>}, {pipeline_mode = #tpu.pipeline_mode<synchronous>, transform_indices = @transform_4, window_bounds = array<i64: 64, 16>}, {pipeline_mode = #tpu.pipeline_mode<synchronous>, transform_indices = @transform_5, window_bounds = array<i64: 8, 64>}, {transform_indices = @transform_6, window_bounds = array<i64: 128, 16>}, {transform_indices = @transform_7, window_bounds = array<i64: 128, 16>}, {pipeline_mode = #tpu.pipeline_mode<synchronous>, transform_indices = @transform_8, window_bounds = array<i64: 1, 16>}]} {
    %get3A = arith.constant 0 : index
    %get3A_0 = arith.constant 0 : index
    %get3A_1 = vector.load %arg1[%get3A, %get3A_0] : memref<128x80xf32, #tpu.memory_space<vmem>>, vector<128x80xf32>
    %get3A_2 = arith.constant 0 : index
    %get3A_3 = arith.constant 0 : index
    %get3A_4 = vector.load %arg2[%get3A_2, %get3A_3] : memref<128x80xf32, #tpu.memory_space<vmem>>, vector<128x80xf32>
    %add3A = arith.addf %get3A_1, %get3A_4 : vector<128x80xf32>
    %slice3A = vector.extract_strided_slice %add3A {offsets = [0, 64], sizes = [128, 8], strides = [1, 1]} : vector<128x80xf32> to vector<128x8xf32>
    %get3A_5 = arith.constant 0 : index
    %get3A_6 = arith.constant 0 : index
    %get3A_7 = vector.load %arg6[%get3A_5, %get3A_6] : memref<8x64xf32, #tpu.memory_space<vmem>>, vector<8x64xf32>
    %dot_general3A = arith.constant dense<0.000000e+00> : vector<128x64xf32>
    %dot_general3A_8 = tpu.matmul %slice3A, %get3A_7, %dot_general3A {dimension_numbers = #tpu.dot_dimension_numbers<[1], [0], [0], [1], [0, 0, 1, 1], [], []>, transpose_lhs_hint = false} : vector<128x8xf32>, vector<8x64xf32>, vector<128x64xf32> -> vector<128x64xf32>
    %slice3A_9 = vector.extract_strided_slice %add3A {offsets = [0, 0], sizes = [128, 64], strides = [1, 1]} : vector<128x80xf32> to vector<128x64xf32>
    %max3A = arith.constant 1.000000e-30 : f32
    %max3A_10 = vector.broadcast %max3A : f32 to vector<128x64xf32>
    %max3A_11 = arith.maximumf %dot_general3A_8, %max3A_10 : vector<128x64xf32>
    %div3A = arith.divf %slice3A_9, %max3A_11 : vector<128x64xf32>
    %get3A_12 = arith.constant 0 : index
    %get3A_13 = arith.constant 0 : index
    %get3A_14 = vector.load %arg3[%get3A_12, %get3A_13] : memref<1x64xf32, #tpu.memory_space<vmem>>, vector<1x64xf32>
    %add3A_15 = vector.broadcast %get3A_14 : vector<1x64xf32> to vector<128x64xf32>
    %add3A_16 = arith.addf %div3A, %add3A_15 : vector<128x64xf32>
    %gt3A = arith.constant 0.000000e+00 : f32
    %gt3A_17 = vector.broadcast %gt3A : f32 to vector<128x64xf32>
    %gt3A_18 = arith.cmpf ogt, %add3A_16, %gt3A_17 : vector<128x64xf32>
    %min3A = arith.constant 0.000000e+00 : f32
    %min3A_19 = vector.broadcast %min3A : f32 to vector<128x64xf32>
    %min3A_20 = arith.minimumf %add3A_16, %min3A_19 : vector<128x64xf32>
    %exp3A = math.exp %min3A_20 : vector<128x64xf32>
    %sub3A = arith.constant 1.000000e+00 : f32
    %sub3A_21 = vector.broadcast %sub3A : f32 to vector<128x64xf32>
    %sub3A_22 = arith.subf %exp3A, %sub3A_21 : vector<128x64xf32>
    %select_n3A = arith.select %gt3A_18, %add3A_16, %sub3A_22 : vector<128x64xi1>, vector<128x64xf32>
    %get3A_23 = arith.constant 0 : index
    %get3A_24 = arith.constant 0 : index
    %get3A_25 = vector.load %arg4[%get3A_23, %get3A_24] : memref<64x16xf32, #tpu.memory_space<vmem>>, vector<64x16xf32>
    %dot_general3A_26 = arith.constant dense<0.000000e+00> : vector<128x16xf32>
    %dot_general3A_27 = tpu.matmul %select_n3A, %get3A_25, %dot_general3A_26 {dimension_numbers = #tpu.dot_dimension_numbers<[1], [0], [0], [1], [0, 0, 1, 1], [], []>, transpose_lhs_hint = false} : vector<128x64xf32>, vector<64x16xf32>, vector<128x16xf32> -> vector<128x16xf32>
    %iota3A = tpu.iota {dimensions = array<i32: 1>} : vector<128x16xi32>
    %eq3A = arith.constant 8 : i32
    %eq3A_28 = vector.broadcast %eq3A : i32 to vector<128x16xi32>
    %eq3A_29 = arith.cmpi eq, %iota3A, %eq3A_28 : vector<128x16xi32>
    %jit3A = arith.constant 1.000000e+00 : f32
    %jit3A_30 = arith.constant 0.000000e+00 : f32
    %broadcast_in_dim3A = vector.broadcast %jit3A : f32 to vector<128x16xf32>
    %broadcast_in_dim3A_31 = vector.broadcast %jit3A_30 : f32 to vector<128x16xf32>
    %select_n3A_32 = arith.select %eq3A_29, %broadcast_in_dim3A, %broadcast_in_dim3A_31 : vector<128x16xi1>, vector<128x16xf32>
    %add3A_33 = arith.addf %dot_general3A_27, %select_n3A_32 : vector<128x16xf32>
    %get3A_34 = arith.constant 0 : index
    %get3A_35 = arith.constant 0 : index
    %get3A_36 = vector.load %arg5[%get3A_34, %get3A_35] : memref<64x16xf32, #tpu.memory_space<vmem>>, vector<64x16xf32>
    %dot_general3A_37 = arith.constant dense<0.000000e+00> : vector<128x16xf32>
    %dot_general3A_38 = tpu.matmul %select_n3A, %get3A_36, %dot_general3A_37 {dimension_numbers = #tpu.dot_dimension_numbers<[1], [0], [0], [1], [0, 0, 1, 1], [], []>, transpose_lhs_hint = false} : vector<128x64xf32>, vector<64x16xf32>, vector<128x16xf32> -> vector<128x16xf32>
    %swap3A = arith.constant 0 : index
    %swap3A_39 = arith.constant 0 : index
    %swap3A_40 = vector.load %arg7[%swap3A, %swap3A_39] : memref<128x16xf32, #tpu.memory_space<vmem>>, vector<128x16xf32>
    tpu.vector_store %arg7[%swap3A, %swap3A_39], %add3A_33 {strides = array<i32>} : memref<128x16xf32, #tpu.memory_space<vmem>>, vector<128x16xf32>,
    %swap3A_41 = arith.constant 0 : index
    %swap3A_42 = arith.constant 0 : index
    %swap3A_43 = vector.load %arg8[%swap3A_41, %swap3A_42] : memref<128x16xf32, #tpu.memory_space<vmem>>, vector<128x16xf32>
    tpu.vector_store %arg8[%swap3A_41, %swap3A_42], %dot_general3A_38 {strides = array<i32>} : memref<128x16xf32, #tpu.memory_space<vmem>>, vector<128x16xf32>,
    %mul3A = arith.constant 128 : i32
    %mul3A_44 = arith.muli %arg0, %mul3A : i32
    %iota3A_45 = tpu.iota {dimensions = array<i32: 0>} : vector<128x16xi32>
    %add3A_46 = vector.broadcast %mul3A_44 : i32 to vector<128x16xi32>
    %add3A_47 = arith.addi %add3A_46, %iota3A_45 : vector<128x16xi32>
    %lt3A = arith.constant 10000 : i32
    %lt3A_48 = vector.broadcast %lt3A : i32 to vector<128x16xi32>
    %lt3A_49 = arith.cmpi slt, %add3A_47, %lt3A_48 : vector<128x16xi32>
    %eq3A_50 = arith.constant 0 : i32
    %eq3A_51 = arith.cmpi eq, %arg0, %eq3A_50 : i32
    %convert_element_type3A = arith.extui %eq3A_51 : i1 to i32
    %cond3A = arith.constant 0 : i32
    %cond3A_52 = arith.cmpi ne, %convert_element_type3A, %cond3A : i32
    scf.if %cond3A_52 {
      %broadcast_in_dim3A_83 = arith.constant -1.000000e+30 : f32
      %broadcast_in_dim3A_84 = vector.broadcast %broadcast_in_dim3A_83 : f32 to vector<1x16xf32>
      %swap3A_85 = arith.constant 0 : index
      %swap3A_86 = arith.constant 0 : index
      %swap3A_87 = vector.load %arg10[%swap3A_85, %swap3A_86] : memref<1x16xf32, #tpu.memory_space<vmem>>, vector<1x16xf32>
      tpu.vector_store %arg10[%swap3A_85, %swap3A_86], %broadcast_in_dim3A_84 {strides = array<i32>} : memref<1x16xf32, #tpu.memory_space<vmem>>, vector<1x16xf32>,
      %broadcast_in_dim3A_88 = arith.constant -1.000000e+30 : f32
      %broadcast_in_dim3A_89 = vector.broadcast %broadcast_in_dim3A_88 : f32 to vector<1x16xf32>
      %swap3A_90 = arith.constant 0 : index
      %swap3A_91 = arith.constant 0 : index
      %swap3A_92 = vector.load %arg11[%swap3A_90, %swap3A_91] : memref<1x16xf32, #tpu.memory_space<vmem>>, vector<1x16xf32>
      tpu.vector_store %arg11[%swap3A_90, %swap3A_91], %broadcast_in_dim3A_89 {strides = array<i32>} : memref<1x16xf32, #tpu.memory_space<vmem>>, vector<1x16xf32>,
    } else {
    }
    %get3A_53 = arith.constant 0 : index
    %get3A_54 = arith.constant 0 : index
    %get3A_55 = vector.load %arg10[%get3A_53, %get3A_54] : memref<1x16xf32, #tpu.memory_space<vmem>>, vector<1x16xf32>
    %jit3A_56 = arith.constant -1.000000e+30 : f32
    %broadcast_in_dim3A_57 = vector.broadcast %jit3A_56 : f32 to vector<128x16xf32>
    %select_n3A_58 = arith.select %lt3A_49, %add3A_33, %broadcast_in_dim3A_57 : vector<128x16xi1>, vector<128x16xf32>
    %reduce_max3A = arith.constant dense<0xFF800000> : vector<16xf32>
    %reduce_max3A_59 = vector.multi_reduction <maximumf>, %select_n3A_58, %reduce_max3A [0] : vector<128x16xf32> to vector<16xf32>
    %broadcast_in_dim3A_60 = vector.shape_cast %reduce_max3A_59 : vector<16xf32> to vector<1x16xf32>
    %max3A_61 = arith.maximumf %get3A_55, %broadcast_in_dim3A_60 : vector<1x16xf32>
    %swap3A_62 = arith.constant 0 : index
    %swap3A_63 = arith.constant 0 : index
    %swap3A_64 = vector.load %arg10[%swap3A_62, %swap3A_63] : memref<1x16xf32, #tpu.memory_space<vmem>>, vector<1x16xf32>
    tpu.vector_store %arg10[%swap3A_62, %swap3A_63], %max3A_61 {strides = array<i32>} : memref<1x16xf32, #tpu.memory_space<vmem>>, vector<1x16xf32>,
    %get3A_65 = arith.constant 0 : index
    %get3A_66 = arith.constant 0 : index
    %get3A_67 = vector.load %arg11[%get3A_65, %get3A_66] : memref<1x16xf32, #tpu.memory_space<vmem>>, vector<1x16xf32>
    %jit3A_68 = arith.constant -1.000000e+30 : f32
    %broadcast_in_dim3A_69 = vector.broadcast %jit3A_68 : f32 to vector<128x16xf32>
    %select_n3A_70 = arith.select %lt3A_49, %dot_general3A_38, %broadcast_in_dim3A_69 : vector<128x16xi1>, vector<128x16xf32>
    %reduce_max3A_71 = arith.constant dense<0xFF800000> : vector<16xf32>
    %reduce_max3A_72 = vector.multi_reduction <maximumf>, %select_n3A_70, %reduce_max3A_71 [0] : vector<128x16xf32> to vector<16xf32>
    %broadcast_in_dim3A_73 = vector.shape_cast %reduce_max3A_72 : vector<16xf32> to vector<1x16xf32>
    %max3A_74 = arith.maximumf %get3A_67, %broadcast_in_dim3A_73 : vector<1x16xf32>
    %swap3A_75 = arith.constant 0 : index
    %swap3A_76 = arith.constant 0 : index
    %swap3A_77 = vector.load %arg11[%swap3A_75, %swap3A_76] : memref<1x16xf32, #tpu.memory_space<vmem>>, vector<1x16xf32>
    tpu.vector_store %arg11[%swap3A_75, %swap3A_76], %max3A_74 {strides = array<i32>} : memref<1x16xf32, #tpu.memory_space<vmem>>, vector<1x16xf32>,
    %eq3A_78 = arith.constant 79 : i32
    %eq3A_79 = arith.cmpi eq, %arg0, %eq3A_78 : i32
    %convert_element_type3A_80 = arith.extui %eq3A_79 : i1 to i32
    %cond3A_81 = arith.constant 0 : i32
    %cond3A_82 = arith.cmpi ne, %convert_element_type3A_80, %cond3A_81 : i32
    scf.if %cond3A_82 {
      %iota3A_83 = tpu.iota {dimensions = array<i32: 1>} : vector<1x16xi32>
      %eq3A_84 = arith.constant 7 : i32
      %eq3A_85 = vector.broadcast %eq3A_84 : i32 to vector<1x16xi32>
      %eq3A_86 = arith.cmpi eq, %iota3A_83, %eq3A_85 : vector<1x16xi32>
      %get3A_87 = arith.constant 0 : index
      %get3A_88 = arith.constant 0 : index
      %get3A_89 = vector.load %arg10[%get3A_87, %get3A_88] : memref<1x16xf32, #tpu.memory_space<vmem>>, vector<1x16xf32>
      %jit3A_90 = arith.constant -1.000000e+30 : f32
      %broadcast_in_dim3A_91 = vector.broadcast %jit3A_90 : f32 to vector<1x16xf32>
      %select_n3A_92 = arith.select %eq3A_86, %get3A_89, %broadcast_in_dim3A_91 : vector<1x16xi1>, vector<1x16xf32>
      %reduce_max3A_93 = vector.shape_cast %select_n3A_92 : vector<1x16xf32> to vector<1x1x16xf32>
      %reduce_max3A_94 = arith.constant dense<0xFF800000> : vector<1xf32>
      %reduce_max3A_95 = vector.multi_reduction <maximumf>, %reduce_max3A_93, %reduce_max3A_94 [1, 2] : vector<1x1x16xf32> to vector<1xf32>
      %reduce_max3A_96 = vector.shape_cast %reduce_max3A_95 : vector<1xf32> to vector<1x1x1xf32>
      %reduce_max3A_97 = vector.extract %reduce_max3A_96[0, 0, 0] : f32 from vector<1x1x1xf32>
      %eq3A_98 = arith.constant 0 : i32
      %eq3A_99 = vector.broadcast %eq3A_98 : i32 to vector<1x16xi32>
      %eq3A_100 = arith.cmpi eq, %iota3A_83, %eq3A_99 : vector<1x16xi32>
      %get3A_101 = arith.constant 0 : index
      %get3A_102 = arith.constant 0 : index
      %get3A_103 = vector.load %arg11[%get3A_101, %get3A_102] : memref<1x16xf32, #tpu.memory_space<vmem>>, vector<1x16xf32>
      %jit3A_104 = arith.constant -1.000000e+30 : f32
      %broadcast_in_dim3A_105 = vector.broadcast %jit3A_104 : f32 to vector<1x16xf32>
      %select_n3A_106 = arith.select %eq3A_100, %get3A_103, %broadcast_in_dim3A_105 : vector<1x16xi1>, vector<1x16xf32>
      %reduce_max3A_107 = vector.shape_cast %select_n3A_106 : vector<1x16xf32> to vector<1x1x16xf32>
      %reduce_max3A_108 = arith.constant dense<0xFF800000> : vector<1xf32>
      %reduce_max3A_109 = vector.multi_reduction <maximumf>, %reduce_max3A_107, %reduce_max3A_108 [1, 2] : vector<1x1x16xf32> to vector<1xf32>
      %reduce_max3A_110 = vector.shape_cast %reduce_max3A_109 : vector<1xf32> to vector<1x1x1xf32>
      %reduce_max3A_111 = vector.extract %reduce_max3A_110[0, 0, 0] : f32 from vector<1x1x1xf32>
      %add3A_112 = arith.addf %reduce_max3A_97, %reduce_max3A_111 : f32
      %mul3A_113 = arith.constant 2.000000e-01 : f32
      %mul3A_114 = arith.mulf %mul3A_113, %add3A_112 : f32
      %max3A_115 = arith.maximumf %add3A_112, %mul3A_114 : f32
      %broadcast_in_dim3A_116 = vector.broadcast %max3A_115 : f32 to vector<1x16xf32>
      %swap3A_117 = arith.constant 0 : index
      %swap3A_118 = arith.constant 0 : index
      %swap3A_119 = vector.load %arg9[%swap3A_117, %swap3A_118] : memref<1x16xf32, #tpu.memory_space<vmem>>, vector<1x16xf32>
      tpu.vector_store %arg9[%swap3A_117, %swap3A_118], %broadcast_in_dim3A_116 {strides = array<i32>} : memref<1x16xf32, #tpu.memory_space<vmem>>, vector<1x16xf32>,
    } else {
    }
    return
  }
  func.func @transform_0(%arg0: i32) -> (i32, i32) {
    %c0_i32 = arith.constant 0 : i32
    %c0_i32_0 = arith.constant 0 : i32
    return %arg0, %c0_i32 : i32, i32
  }
  func.func @transform_1(%arg0: i32) -> (i32, i32) {
    %c0_i32 = arith.constant 0 : i32
    %c0_i32_0 = arith.constant 0 : i32
    return %arg0, %c0_i32 : i32, i32
  }
  func.func @transform_2(%arg0: i32) -> (i32, i32) {
    %c0_i32 = arith.constant 0 : i32
    %c0_i32_0 = arith.constant 0 : i32
    %c0_i32_1 = arith.constant 0 : i32
    return %c0_i32, %c0_i32_0 : i32, i32
  }
  func.func @transform_3(%arg0: i32) -> (i32, i32) {
    %c0_i32 = arith.constant 0 : i32
    %c0_i32_0 = arith.constant 0 : i32
    %c0_i32_1 = arith.constant 0 : i32
    return %c0_i32, %c0_i32_0 : i32, i32
  }
  func.func @transform_4(%arg0: i32) -> (i32, i32) {
    %c0_i32 = arith.constant 0 : i32
    %c0_i32_0 = arith.constant 0 : i32
    %c0_i32_1 = arith.constant 0 : i32
    return %c0_i32, %c0_i32_0 : i32, i32
  }
  func.func @transform_5(%arg0: i32) -> (i32, i32) {
    %c0_i32 = arith.constant 0 : i32
    %c0_i32_0 = arith.constant 0 : i32
    %c0_i32_1 = arith.constant 0 : i32
    return %c0_i32, %c0_i32_0 : i32, i32
  }
  func.func @transform_6(%arg0: i32) -> (i32, i32) {
    %c0_i32 = arith.constant 0 : i32
    %c0_i32_0 = arith.constant 0 : i32
    return %arg0, %c0_i32 : i32, i32
  }
  func.func @transform_7(%arg0: i32) -> (i32, i32) {
    %c0_i32 = arith.constant 0 : i32
    %c0_i32_0 = arith.constant 0 : i32
    return %arg0, %c0_i32 : i32, i32
  }
  func.func @transform_8(%arg0: i32) -> (i32, i32) {
    %c0_i32 = arith.constant 0 : i32
    %c0_i32_0 = arith.constant 0 : i32
    %c0_i32_1 = arith.constant 0 : i32
    return %c0_i32, %c0_i32_0 : i32, i32
  }
}

module attributes {stable_mosaic.version = 14 : i64} {
  func.func @body(%arg0: i32, %arg1: memref<512x16xf32, #tpu.memory_space<vmem>>, %arg2: memref<512x16xf32, #tpu.memory_space<vmem>>, %arg3: memref<1x16xf32, #tpu.memory_space<vmem>>, %arg4: memref<16x16xf32, #tpu.memory_space<vmem>>, %arg5: memref<512x16xf32, #tpu.memory_space<vmem>>) attributes {dimension_semantics = [#tpu.dimension_semantics<arbitrary>], iteration_bounds = array<i64: 648>, scalar_prefetch = 0 : i64, scratch_operands = 0 : i64, tpu.core_type = #tpu.core_type<tc>, window_params = [{transform_indices = @transform_0, window_bounds = array<i64: 512, 16>}, {transform_indices = @transform_1, window_bounds = array<i64: 512, 16>}, {pipeline_mode = #tpu.pipeline_mode<synchronous>, transform_indices = @transform_2, window_bounds = array<i64: 1, 16>}, {pipeline_mode = #tpu.pipeline_mode<synchronous>, transform_indices = @transform_3, window_bounds = array<i64: 16, 16>}, {transform_indices = @transform_4, window_bounds = array<i64: 512, 16>}]} {
    %get3A = arith.constant 0 : index
    %get3A_0 = arith.constant 0 : index
    %get3A_1 = vector.load %arg1[%get3A, %get3A_0] : memref<512x16xf32, #tpu.memory_space<vmem>>, vector<512x16xf32>
    %get3A_2 = arith.constant 0 : index
    %get3A_3 = arith.constant 0 : index
    %get3A_4 = vector.load %arg2[%get3A_2, %get3A_3] : memref<512x16xf32, #tpu.memory_space<vmem>>, vector<512x16xf32>
    %add3A = arith.addf %get3A_1, %get3A_4 : vector<512x16xf32>
    %mul3A = arith.constant 2.000000e-01 : f32
    %mul3A_5 = vector.broadcast %mul3A : f32 to vector<512x16xf32>
    %mul3A_6 = arith.mulf %mul3A_5, %add3A : vector<512x16xf32>
    %max3A = arith.maximumf %add3A, %mul3A_6 : vector<512x16xf32>
    %get3A_7 = arith.constant 0 : index
    %get3A_8 = arith.constant 0 : index
    %get3A_9 = vector.load %arg3[%get3A_7, %get3A_8] : memref<1x16xf32, #tpu.memory_space<vmem>>, vector<1x16xf32>
    %sub3A = vector.broadcast %get3A_9 : vector<1x16xf32> to vector<512x16xf32>
    %sub3A_10 = arith.subf %max3A, %sub3A : vector<512x16xf32>
    %exp3A = math.exp %sub3A_10 : vector<512x16xf32>
    %get3A_11 = arith.constant 0 : index
    %get3A_12 = arith.constant 0 : index
    %get3A_13 = vector.load %arg4[%get3A_11, %get3A_12] : memref<16x16xf32, #tpu.memory_space<vmem>>, vector<16x16xf32>
    %dot_general3A = arith.constant dense<0.000000e+00> : vector<512x16xf32>
    %dot_general3A_14 = tpu.matmul %exp3A, %get3A_13, %dot_general3A {dimension_numbers = #tpu.dot_dimension_numbers<[1], [0], [0], [1], [0, 0, 1, 1], [], []>, transpose_lhs_hint = false} : vector<512x16xf32>, vector<16x16xf32>, vector<512x16xf32> -> vector<512x16xf32>
    %get3A_15 = arith.constant 0 : index
    %get3A_16 = arith.constant 0 : index
    %get3A_17 = vector.load %arg1[%get3A_15, %get3A_16] : memref<512x16xf32, #tpu.memory_space<vmem>>, vector<512x16xf32>
    %mul3A_18 = arith.mulf %get3A_17, %dot_general3A_14 : vector<512x16xf32>
    %swap3A = arith.constant 0 : index
    %swap3A_19 = arith.constant 0 : index
    %swap3A_20 = vector.load %arg5[%swap3A, %swap3A_19] : memref<512x16xf32, #tpu.memory_space<vmem>>, vector<512x16xf32>
    tpu.vector_store %arg5[%swap3A, %swap3A_19], %mul3A_18 {strides = array<i32>} : memref<512x16xf32, #tpu.memory_space<vmem>>, vector<512x16xf32>,
    return
  }
  func.func @transform_0(%arg0: i32) -> (i32, i32) {
    %c0_i32 = arith.constant 0 : i32
    %c0_i32_0 = arith.constant 0 : i32
    return %arg0, %c0_i32 : i32, i32
  }
  func.func @transform_1(%arg0: i32) -> (i32, i32) {
    %c0_i32 = arith.constant 0 : i32
    %c0_i32_0 = arith.constant 0 : i32
    return %arg0, %c0_i32 : i32, i32
  }
  func.func @transform_2(%arg0: i32) -> (i32, i32) {
    %c0_i32 = arith.constant 0 : i32
    %c0_i32_0 = arith.constant 0 : i32
    %c0_i32_1 = arith.constant 0 : i32
    return %c0_i32, %c0_i32_0 : i32, i32
  }
  func.func @transform_3(%arg0: i32) -> (i32, i32) {
    %c0_i32 = arith.constant 0 : i32
    %c0_i32_0 = arith.constant 0 : i32
    %c0_i32_1 = arith.constant 0 : i32
    return %c0_i32, %c0_i32_0 : i32, i32
  }
  func.func @transform_4(%arg0: i32) -> (i32, i32) {
    %c0_i32 = arith.constant 0 : i32
    %c0_i32_0 = arith.constant 0 : i32
    return %arg0, %c0_i32 : i32, i32
  }
}

module attributes {stable_mosaic.version = 14 : i64} {
  func.func @body(%arg0: i32, %arg1: memref<128x16xf32, #tpu.memory_space<vmem>>, %arg2: memref<128x16xf32, #tpu.memory_space<vmem>>, %arg3: memref<1x16xf32, #tpu.memory_space<vmem>>, %arg4: memref<128x16xf32, #tpu.memory_space<vmem>>) attributes {dimension_semantics = [#tpu.dimension_semantics<arbitrary>], iteration_bounds = array<i64: 80>, scalar_prefetch = 0 : i64, scratch_operands = 0 : i64, tpu.core_type = #tpu.core_type<tc>, window_params = [{transform_indices = @transform_0, window_bounds = array<i64: 128, 16>}, {transform_indices = @transform_1, window_bounds = array<i64: 128, 16>}, {pipeline_mode = #tpu.pipeline_mode<synchronous>, transform_indices = @transform_2, window_bounds = array<i64: 1, 16>}, {transform_indices = @transform_3, window_bounds = array<i64: 128, 16>}]} {
    %get3A = arith.constant 0 : index
    %get3A_0 = arith.constant 0 : index
    %get3A_1 = vector.load %arg1[%get3A, %get3A_0] : memref<128x16xf32, #tpu.memory_space<vmem>>, vector<128x16xf32>
    %get3A_2 = arith.constant 0 : index
    %get3A_3 = arith.constant 0 : index
    %get3A_4 = vector.load %arg2[%get3A_2, %get3A_3] : memref<128x16xf32, #tpu.memory_space<vmem>>, vector<128x16xf32>
    %add3A = arith.addf %get3A_1, %get3A_4 : vector<128x16xf32>
    %iota3A = tpu.iota {dimensions = array<i32: 0>} : vector<16x16xi32>
    %eq3A = arith.constant 8 : i32
    %eq3A_5 = vector.broadcast %eq3A : i32 to vector<16x16xi32>
    %eq3A_6 = arith.cmpi eq, %iota3A, %eq3A_5 : vector<16x16xi32>
    %jit3A = arith.constant 1.000000e+00 : f32
    %jit3A_7 = arith.constant 0.000000e+00 : f32
    %broadcast_in_dim3A = vector.broadcast %jit3A : f32 to vector<16x16xf32>
    %broadcast_in_dim3A_8 = vector.broadcast %jit3A_7 : f32 to vector<16x16xf32>
    %select_n3A = arith.select %eq3A_6, %broadcast_in_dim3A, %broadcast_in_dim3A_8 : vector<16x16xi1>, vector<16x16xf32>
    %dot_general3A = arith.constant dense<0.000000e+00> : vector<128x16xf32>
    %dot_general3A_9 = tpu.matmul %add3A, %select_n3A, %dot_general3A {dimension_numbers = #tpu.dot_dimension_numbers<[1], [0], [0], [1], [0, 0, 1, 1], [], []>, transpose_lhs_hint = false} : vector<128x16xf32>, vector<16x16xf32>, vector<128x16xf32> -> vector<128x16xf32>
    %max3A = arith.constant 1.000000e-30 : f32
    %max3A_10 = vector.broadcast %max3A : f32 to vector<128x16xf32>
    %max3A_11 = arith.maximumf %dot_general3A_9, %max3A_10 : vector<128x16xf32>
    %div3A = arith.divf %add3A, %max3A_11 : vector<128x16xf32>
    %get3A_12 = arith.constant 0 : index
    %get3A_13 = arith.constant 0 : index
    %get3A_14 = vector.load %arg3[%get3A_12, %get3A_13] : memref<1x16xf32, #tpu.memory_space<vmem>>, vector<1x16xf32>
    %add3A_15 = vector.broadcast %get3A_14 : vector<1x16xf32> to vector<128x16xf32>
    %add3A_16 = arith.addf %div3A, %add3A_15 : vector<128x16xf32>
    %iota3A_17 = tpu.iota {dimensions = array<i32: 1>} : vector<128x16xi32>
    %lt3A = arith.constant 7 : i32
    %lt3A_18 = vector.broadcast %lt3A : i32 to vector<128x16xi32>
    %lt3A_19 = arith.cmpi slt, %iota3A_17, %lt3A_18 : vector<128x16xi32>
    %jit3A_20 = arith.constant -1.000000e+30 : f32
    %broadcast_in_dim3A_21 = vector.broadcast %jit3A_20 : f32 to vector<128x16xf32>
    %select_n3A_22 = arith.select %lt3A_19, %add3A_16, %broadcast_in_dim3A_21 : vector<128x16xi1>, vector<128x16xf32>
    %reduce_max3A = arith.constant dense<0xFF800000> : vector<128xf32>
    %reduce_max3A_23 = vector.multi_reduction <maximumf>, %select_n3A_22, %reduce_max3A [1] : vector<128x16xf32> to vector<128xf32>
    %broadcast_in_dim3A_24 = vector.shape_cast %reduce_max3A_23 : vector<128xf32> to vector<128x1xf32>
    %sub3A = vector.broadcast %broadcast_in_dim3A_24 : vector<128x1xf32> to vector<128x16xf32>
    %sub3A_25 = arith.subf %add3A_16, %sub3A : vector<128x16xf32>
    %exp3A = math.exp %sub3A_25 : vector<128x16xf32>
    %jit3A_26 = arith.constant 0.000000e+00 : f32
    %broadcast_in_dim3A_27 = vector.broadcast %jit3A_26 : f32 to vector<128x16xf32>
    %select_n3A_28 = arith.select %lt3A_19, %exp3A, %broadcast_in_dim3A_27 : vector<128x16xi1>, vector<128x16xf32>
    %reduce_sum3A = arith.constant dense<0.000000e+00> : vector<128xf32>
    %reduce_sum3A_29 = vector.multi_reduction <add>, %select_n3A_28, %reduce_sum3A [1] : vector<128x16xf32> to vector<128xf32>
    %broadcast_in_dim3A_30 = vector.shape_cast %reduce_sum3A_29 : vector<128xf32> to vector<128x1xf32>
    %sub3A_31 = vector.broadcast %broadcast_in_dim3A_24 : vector<128x1xf32> to vector<128x16xf32>
    %sub3A_32 = arith.subf %add3A_16, %sub3A_31 : vector<128x16xf32>
    %log3A = math.log %broadcast_in_dim3A_30 : vector<128x1xf32>
    %sub3A_33 = vector.broadcast %log3A : vector<128x1xf32> to vector<128x16xf32>
    %sub3A_34 = arith.subf %sub3A_32, %sub3A_33 : vector<128x16xf32>
    %swap3A = arith.constant 0 : index
    %swap3A_35 = arith.constant 0 : index
    %swap3A_36 = vector.load %arg4[%swap3A, %swap3A_35] : memref<128x16xf32, #tpu.memory_space<vmem>>, vector<128x16xf32>
    tpu.vector_store %arg4[%swap3A, %swap3A_35], %sub3A_34 {strides = array<i32>} : memref<128x16xf32, #tpu.memory_space<vmem>>, vector<128x16xf32>,
    return
  }
  func.func @transform_0(%arg0: i32) -> (i32, i32) {
    %c0_i32 = arith.constant 0 : i32
    %c0_i32_0 = arith.constant 0 : i32
    return %arg0, %c0_i32 : i32, i32
  }
  func.func @transform_1(%arg0: i32) -> (i32, i32) {
    %c0_i32 = arith.constant 0 : i32
    %c0_i32_0 = arith.constant 0 : i32
    return %arg0, %c0_i32 : i32, i32
  }
  func.func @transform_2(%arg0: i32) -> (i32, i32) {
    %c0_i32 = arith.constant 0 : i32
    %c0_i32_0 = arith.constant 0 : i32
    %c0_i32_1 = arith.constant 0 : i32
    return %c0_i32, %c0_i32_0 : i32, i32
  }
  func.func @transform_3(%arg0: i32) -> (i32, i32) {
    %c0_i32 = arith.constant 0 : i32
    %c0_i32_0 = arith.constant 0 : i32
    return %arg0, %c0_i32 : i32, i32
  }
}

</mosaic_0001>

<sc_bundles>
// kernel: kernel.12.cloned.1.call-start
scs
__scs_entry_jumppad:
0x0: {  	(pc) =	sbr.rel $0x88, $3  }
0x1: {  	(tag) =	ssettag $0x0;
	lr =	simm.s32 $0x1  }
0x2: {  	[smem:$0x3F97] =	sst lr;
	_ =	strace $0xD0000000  }
0x3: {  	_ = 	snop  }
0x4: {  	_ = 	snop  }
0x5: {  	_ = 	snop  }
0x6: {  	_ = 	snop  }
0x7: {  	_ = 	snop  }
__scs_overlays_trampoline_lowered:
0x8: {  	[smem:$0x3FA6] =	sst s0  }
0x9: {  	[smem:$0x3FA7] =	sst s1  }
0xa: {  	[smem:$0x3FA8] =	sst s2  }
0xb: {  	[smem:$0x3FA9] =	sst s3  }
0xc: {  	[smem:$0x3FAA] =	sst s4  }
0xd: {  	[smem:$0x3FAB] =	sst s5  }
0xe: {  	[smem:$0x3FAC] =	sst s6  }
0xf: {  	[smem:$0x3FAD] =	sst s7  }
0x10: {  	[smem:$0x3FAE] =	sst s8  }
0x11: {  	[smem:$0x3FAF] =	sst s9;
	s0 =	simm.s32 @!p0 $0x0  }
0x12: {  	s1 =	sld [smem:$0x3F95];
	s0 =	simm.s32 @p0 $0x1  }
0x13: {  	[smem:$0x3FB0] =	sst s0;
	s0 =	simm.s32 @!p1 $0x0  }
0x14: {  	s2 =	sld [smem:$0x3F94];
	s0 =	simm.s32 @p1 $0x1  }
0x15: {  	[smem:$0x3FB1] =	sst s0;
	s0 =	simm.s32 @!p2 $0x0  }
0x16: {  	s3 =	sld [smem:$0x3FDB];
	s0 =	simm.s32 @p2 $0x1  }
0x17: {  	s4 =	simm.s32 $0x1BF5;
	[smem:$0x3FB3] =	sst s0  }
0x18: {  	s0 =	sld [smem:$0x3F96];
	_ =	swait.ge [sflag:s4], $0x0  }
0x19: {  	s7 =	sld [smem:$0x3F97]  }
0x1a: {  	s8 =	sadd.s32 $0xFFFFE003, lr  }
0x1b: {  	s9 =	sadd.s32 $0xFFFFFEF7, lr;
	s5 =	simm.s32 $0xFFFFFFFF;
	p2 =	slt.u32 s8, $0xFFFFF086  }
0x1c: {  	p1 =	slt.u32 s9, $0xF7A;
	s5 =	simm.s32 @!p2 $0x0  }
0x1d: {  	s5 =	simm.s32 @p1 $0x1;
	p0 =	seq.s32 s7, s2  }
0x1e: {  	s7 =	smul.u32 @!p0 $0xF7A, s2;
	p2 =	seq.s32 @!p0 s5, $0x0  }
0x1f: {  	s9 =	smul.u32 $0xF7A, s1;
	s8 =	simm.s32 @!p0 $0x1BF5;
	p2 =	por !p2, p0  }
0x20: {  	[sflag:s8] =	ssyncset.s32 @!p0 $0xFFFFF086;
	s6 =	sadd.s32 @!p0 s3, s7;
	s7 =	simm.s32 @!p0 $0x108  }
0x21: {  	s3 =	sadd.s32 s3, s9;
	s6 =	sadd.s32 @!p0 $0x88, s6;
	s7 =	simm.s32 @p2 $0x1082  }
0x22: {  	[simem:s7], [sflag:s8] =	dma.local @!p0 [hbm:s6], $0xF7A  }
0x23: {  	s9 =	sor.u32 $0xD0000000, s2;
	s6 =	simm.s32 $0x108;
	_ =	swait.ge @!p0 [sflag:s8], $0x0  }
0x24: {  	s3 =	sadd.s32 $0x88, s3;
	s6 =	simm.s32 @!p1 $0x1082;
	[sflag:s4] =	ssyncset.s32 $0xFFFFF086  }
0x25: {  	[simem:s6], [sflag:s4] =	dma.local [hbm:s3], $0xF7A  }
0x26: {  	[smem:$0x3F97] =	sst s1;
	(tag) =	ssettag s2;
	_ =	strace s9  }
0x27: {  	s1 =	sld [smem:$0x3FA7]  }
0x28: {  	s2 =	sld [smem:$0x3FA8]  }
0x29: {  	s4 =	sld [smem:$0x3FAA]  }
0x2a: {  	p0 =	seq.s32 s5, $0x0;
	s5 =	sld [smem:$0x3FAB]  }
0x2b: {  	s6 =	sld [smem:$0x3FAC]  }
0x2c: {  	s7 =	sld [smem:$0x3FAD]  }
0x2d: {  	s3 =	simm.s32 $0x108;
	s8 =	sld [smem:$0x3FAE]  }
0x2e: {  	s3 =	simm.s32 @!p0 $0x1082;
	s9 =	sld [smem:$0x3FAF]  }
0x2f: {  	lr =	sadd.s32 s0, s3;
	s0 =	sld [smem:$0x3FA6]  }
0x30: {  	s3 =	sld [smem:$0x3FA9]  }
0x31: {  	[smem:$0x3FB2] =	sst s10  }
0x32: {  	s10 =	sld [smem:$0x3FB0];
	_ =	sdelay $0x3  }
0x33: {  	p0 =	seq.s32 s10, $0x1;
	s10 =	sld [smem:$0x3FB2];
	_ =	sdelay $0x3  }
0x34: {  	[smem:$0x3FB2] =	sst s10  }
0x35: {  	s10 =	sld [smem:$0x3FB1];
	_ =	sdelay $0x3  }
0x36: {  	p1 =	seq.s32 s10, $0x1;
	s10 =	sld [smem:$0x3FB2];
	_ =	sdelay $0x3  }
0x37: {  	[smem:$0x3FB2] =	sst s10  }
0x38: {  	s10 =	sld [smem:$0x3FB3]  }
0x39: {  	_ = 	snop;
	(pc) =	sbr.ind lr, $3  }
0x3a: {  	_ = 	snop  }
0x3b: {  	_ = 	snop  }
0x3c: {  	p2 =	seq.s32 s10, $0x1;
	s10 =	sld [smem:$0x3FB2]  }
0x3d: {  	_ =	shalt  }
0x3e: {  	_ =	shalt  }
0x3f: {  	_ =	shalt  }
0x40: {  	_ =	shalt  }
0x41: {  	_ =	shalt  }
0x42: {  	_ =	shalt  }
0x43: {  	_ =	shalt  }
0x44: {  	_ =	shalt  }
0x45: {  	_ =	shalt  }
0x46: {  	_ =	shalt  }
0x47: {  	_ =	shalt  }
0x48: {  	_ =	shalt  }
0x49: {  	_ =	shalt  }
0x4a: {  	_ =	shalt  }
0x4b: {  	_ =	shalt  }
0x4c: {  	_ =	shalt  }
0x4d: {  	_ =	shalt  }
0x4e: {  	_ =	shalt  }
0x4f: {  	_ =	shalt  }
0x50: {  	_ =	shalt  }
0x51: {  	_ =	shalt  }
0x52: {  	_ =	shalt  }
0x53: {  	_ =	shalt  }
0x54: {  	_ =	shalt  }
0x55: {  	_ =	shalt  }
0x56: {  	_ =	shalt  }
0x57: {  	_ =	shalt  }
0x58: {  	_ =	shalt  }
0x59: {  	_ =	shalt  }
0x5a: {  	_ =	shalt  }
0x5b: {  	_ =	shalt  }
0x5c: {  	_ =	shalt  }
0x5d: {  	_ =	shalt  }
0x5e: {  	_ =	shalt  }
0x5f: {  	_ =	shalt  }
0x60: {  	_ =	shalt  }
0x61: {  	_ =	shalt  }
0x62: {  	_ =	shalt  }
0x63: {  	_ =	shalt  }
0x64: {  	_ =	shalt  }
0x65: {  	_ =	shalt  }
0x66: {  	_ =	shalt  }
0x67: {  	_ =	shalt  }
0x68: {  	_ =	shalt  }
0x69: {  	_ =	shalt  }
0x6a: {  	_ =	shalt  }
0x6b: {  	_ =	shalt  }
0x6c: {  	_ =	shalt  }
0x6d: {  	_ =	shalt  }
0x6e: {  	_ =	shalt  }
0x6f: {  	_ =	shalt  }
0x70: {  	_ =	shalt  }
0x71: {  	_ =	shalt  }
0x72: {  	_ =	shalt  }
0x73: {  	_ =	shalt  }
0x74: {  	_ =	shalt  }
0x75: {  	_ =	shalt  }
0x76: {  	_ =	shalt  }
0x77: {  	_ =	shalt  }
0x78: {  	_ =	shalt  }
0x79: {  	_ =	shalt  }
0x7a: {  	_ =	shalt  }
0x7b: {  	_ =	shalt  }
0x7c: {  	_ =	shalt  }
0x7d: {  	_ =	shalt  }
0x7e: {  	_ =	shalt  }
0x7f: {  	_ =	shalt  }
0x80: {  	_ =	shalt  }
0x81: {  	_ =	shalt  }
0x82: {  	_ =	shalt  }
0x83: {  	_ =	shalt  }
0x84: {  	_ =	shalt  }
0x85: {  	_ =	shalt  }
0x86: {  	_ =	shalt  }
0x87: {  	_ =	shalt  }
.Lfunc_end0:
.L_simem_size_0:
called_computation.1_lowered:
.L_overlay_start_0:
0x88: {  	s2 =	sld [smem:$0x3FD9]  }
0x89: {  	s3 =	sld [smem:$0x3FFE];
	_ =	sdelay $0x1  }
0x8a: {  	s1 =	srdreg.scid  }
0x8b: {  	s0 =	sand.u32 $0x1, s1  }
0x8c: {  	s16 =	sshll.u32 s0, $0xA;
	s2 =	sadd.s32 s3, s2  }
0x8d: {  	s2 =	sadd.s32 s2, s16  }
0x8e: {  	[smem:$0x3FBE] =	sst s2  }
0x8f: {  	_ = 	snop  }
0x90: {  	(tm) =	ssettm $0x1  }
0x91: {  	s17 =	sld [smem:$0x3FFB];
	_ =	sdelay $0x3  }
0x92: {  	_ =	strace s17  }
0x93: {  	s2 =	sld [smem:$0x3FFC];
	_ =	sdelay $0x3  }
0x94: {  	_ =	strace s2  }
0x95: {  	s2 =	sld [smem:$0x3FFD];
	_ =	sdelay $0x3  }
0x96: {  	_ =	strace s2  }
0x97: {  	_ =	strace $0x8FFFFFFF  }
0x98: {  	s18 =	sld [smem:$0x3FDB];
	_ =	sdelay $0x1  }
0x99: {  	s19 =	simm.s32 $_scs_section_size  }
0x9a: {  	s4 =	simm.s32 $_size__tile_overlayer_lowered;
	s5 =	simm.s32 $_tile_overlayer_lowered  }
0x9b: {  	s22 =	simm.s32 $0x1BFF;
	s21 =	sshll.u32 s5, $0x1;
	s2 =	sadd.s32 s19, s18  }
0x9c: {  	s6 =	simm.s32 $0x0;
	s20 =	sshll.u32 s4, $0x1;
	s4 =	sadd.s32 s21, s2  }
0x9d: {  	[timem:s6], [sflag:s22] =	dma.local [hbm:s4], s20  }
0x9e: {  	_ =	swait.ge [sflag:s22], s20  }
0x9f: {  	s3 =	ssub.s32 $0x0, s20;
	[sflag:s22] =	ssyncset.done $0x0  }
0xa0: {  	[sflag:s22] =	ssyncadd.s32 s3;
	_ =	sdelay $0x1  }
0xa1: {  	s23 =	simm.s32 $0x1B8B  }
0xa2: {  	_ =	swait.ge [sflag:s23], $0x1  }
0xa3: {  	[sflag:s23] =	ssyncset.done $0x0  }
0xa4: {  	s25 =	simm.s32 $0x1B8E;
	s24 =	sld [smem:$0x3FFE];
	[sflag:s23] =	ssyncadd.s32 $0xFFFFFFFF  }
0xa5: {  	s26 =	simm.s32 $execute0_lowered;
	[smem:$0x3FD2] =	sst s25  }
0xa6: {  	s4 =	sshll.u32 s26, $0x1;
	_ =	strace $0x80000049;
	[dreg:$0x1] =	wrdreg $0xFFFFFFFF  }
0xa7: {  	s28 =	simm.s32 $_size_execute0_lowered;
	s2 =	sadd.s32 s2, s4;
	[dreg:$0x0] =	wrdreg $0x0  }
0xa8: {  	s4 =	sshll.u32 s28, $0x1;
	[dreg:$0x2] =	wrdreg s2  }
0xa9: {  	[dreg:$0x3] =	wrdreg s4  }
0xaa: {  	[dreg:$0x4] =	wrdreg $0xC0  }
0xab: {  	_ =	task [dreg:s6], $0x5FFFF  }
0xac: {  	[dreg:$0x1] =	wrdreg $0xFFFFFFFF  }
0xad: {  	[dreg:$0x0] =	wrdreg $0x60  }
0xae: {  	[dreg:$0x2] =	wrdreg s24  }
0xaf: {  	[dreg:$0x3] =	wrdreg $0x60800  }
0xb0: {  	[dreg:$0x4] =	wrdreg $0x9  }
0xb1: {  	_ =	task.clear_ibuf [dreg:s6], $0x5FFFF;
	_ =	strace $0x90000049  }
0xb2: {  	s29 =	simm.s32 $0x9;
	_ =	strace $0x8000004B  }
0xb3: {  	_ =	swait.ge [sflag:s29], $0x1  }
0xb4: {  	[sflag:s29] =	ssyncadd.s32 $0xFFFFFFFF  }
0xb5: {  	_ =	strace $0x9000004B  }
0xb6: {  	_ =	sfence  }
0xb7: {  	s30 =	sld [smem:$0x0];
	_ =	sdelay $0x2  }
0xb8: {  	s31 =	sshll.u32 s1, $0xD;
	s1 =	sshrl.u32 s1, $0x2  }
0xb9: {  	s3 =	sand.u32 $0x4000, s31;
	s1 =	sadd.s32 s1, s30  }
0xba: {  	s0 =	sor.u32 s3, s0;
	s1 =	sshll.u32 s1, $0x11  }
0xbb: {  	s0 =	sor.u32 s1, s0  }
0xbc: {  	s0 =	sadd.s32 $0x8F2B, s0  }
0xbd: {  	[sflag:s0] =	ssyncadd.remote.s32 $0x1  }
0xbe: {  	_ =	sfence.sel $0xFFFF  }
0xbf: {  	[dreg:$0x0] =	wrdreg $0xFFFFFFFF;
	(pc) =	sbr.abs _section_cstart, $3  }
0xc0: {  	[dreg:$0x1] =	wrdreg $0xFFFFFFFF  }
0xc1: {  	_ =	task.clear_ibuf [dreg:s6], $0x2FFFF;
	_ =	strace $0x9FFFFFFF  }
0xc2: {  	(tm) =	ssettm $0x7FFFFFFF  }
0xc3: {  	_ =	shalt  }
tec
execute0_lowered:
.L_overlay_start_1:
0x0: {  	(tag) =	ssettag $0x1  }
0x1: {  	s13 =	stileid.u32  }
0x2: {  	s0 =	srdreg.scid;
	s3 =	smul.u32 $0x2880, s13  }
0x3: {  	s4 =	rddreg [dreg:$0x0];
	s1 =	simm.s32 $0x0;
	s6 =	smul.u32 $0x14000, s13  }
0x4: {  	s28 =	simm.s32 $0x4080;
	s0 =	sand.u32 $0x1, s0;
	s14 =	smul.u32 $0x50000, s13  }
0x5: {  	s29 =	simm.s32 $0x1;
	s30 =	simm.s32 $0x80;
	s2 =	smul.u32 $0x28800, s0  }
0x6: {  	s31 =	simm.s32 $0x0;
	[smem:$0x7FF] =	sst s1;
	s5 =	smul.u32 $0x288000, s0  }
0x7: {  	s12 =	sadd.s32 $0xF600, s4;
	s25 =	ssub.s32 $0x2, s0;
	s0 =	smul.u32 $0x140000, s0  }
0x8: {  	s15 =	sor.u32 $0x2000, s6;
	s16 =	sadd.s32 $0x4000, s6;
	s17 =	sadd.s32 $0x6000, s6  }
0x9: {  	s18 =	sadd.s32 $0x8000, s6;
	s19 =	sadd.s32 $0xA000, s6;
	s20 =	sadd.s32 $0xC000, s6  }
0xa: {  	s21 =	sadd.s32 $0xE000, s6;
	s22 =	sadd.s32 $0x10000, s6;
	s23 =	sadd.s32 $0x12000, s6  }
0xb: {  	s2 =	sadd.s32 s3, s2;
	s10 =	sadd.s32 s5, s4;
	s5 =	sshrl.u32 s25, $0x1  }
0xc: {  	s7 =	sadd.s32 s6, s0;
	s8 =	sadd.s32 s0, s15;
	s11 =	sadd.s32 s0, s16  }
0xd: {  	s24 =	sadd.s32 s0, s17;
	s6 =	sadd.s32 s0, s18;
	s2 =	sshrl.u32 s2, $0x3  }
0xe: {  	s3 =	sshrl.u32 s7, $0x3;
	s9 =	sshrl.u32 s8, $0x3;
	s6 =	sshrl.u32 s6, $0x3  }
0xf: {  	s7 =	sadd.s32 s0, s19;
	s8 =	sadd.s32 s0, s20;
	s26 =	sadd.s32 s2, s4  }
0x10: {  	s2 =	ssub.s32 s25, s5;
	s3 =	sadd.s32 s12, s3;
	s4 =	sshrl.u32 s11, $0x3  }
0x11: {  	s5 =	sshrl.u32 s24, $0x3;
	s6 =	sadd.s32 s12, s6;
	s7 =	sshrl.u32 s7, $0x3  }
0x12: {  	s8 =	sshrl.u32 s8, $0x3;
	s24 =	smul.u32 $0x28800, s13;
	s13 =	rddreg [dreg:$0x1]  }
0x13: {  	s11 =	sadd.s32 s0, s22;
	[dreg:$0x3] =	wrdreg s3;
	s3 =	sadd.s32 s12, s9  }
0x14: {  	s25 =	sadd.s32 s12, s4;
	s5 =	sadd.s32 s12, s5;
	s9 =	sadd.s32 s0, s21  }
0x15: {  	s7 =	sadd.s32 s12, s7;
	s8 =	sadd.s32 s12, s8;
	s0 =	sadd.s32 s0, s23  }
0x16: {  	s11 =	sshrl.u32 s11, $0x3;
	s15 =	sadd.s32 s15, s13;
	s16 =	sadd.s32 s16, s13  }
0x17: {  	s17 =	sadd.s32 s17, s13;
	s18 =	sadd.s32 s18, s13;
	s19 =	sadd.s32 s19, s13  }
0x18: {  	s20 =	sadd.s32 s20, s13;
	s21 =	sadd.s32 s21, s13;
	s22 =	sadd.s32 s22, s13  }
0x19: {  	s23 =	sadd.s32 s23, s13;
	s26 =	sadd.s32 $0x5400, s26;
	[dreg:$0x4] =	wrdreg s3  }
0x1a: {  	[dreg:$0x5] =	wrdreg s25;
	s9 =	sshrl.u32 s9, $0x3;
	s0 =	sshrl.u32 s0, $0x3  }
0x1b: {  	s11 =	sadd.s32 s12, s11;
	s4 =	sadd.s32 s24, s10;
	s25 =	sshrl.u32 s14, $0x2  }
0x1c: {  	s24 =	smax.u32 s2, $0x1;
	s9 =	sadd.s32 s12, s9;
	s12 =	sadd.s32 s12, s0  }
0x1d: {  	v0 =	vimm.f32 $0.0e+00;
	_ =	strace $0x8000004A;
	s14 =	sadd.s32 s25, s13;
	s25 =	sadd.s32 $0xA99000, s4  }
.LBB2_1:
0x1e: {  	s0 =	simm.s32 $0x200;
	s2 =	simm.s32 $0x0  }
.LBB2_2:
0x1f: {  	p0 =	sne.s32 s0, $0x7E00;
	[tilespmem:s2+$0x4080] =	vst v0;
	s2 =	smov.u32 s0;
	s0 =	sadd.s32 $0x200, s0  }
.Ltmp0:
0x20: {  	(pc) =	sbr.rel @p0 .LBB2_2-.Ltmp0, $2  }
0x21: {  	_ =	sdelay $0x2  }
0x22: {  	s2 =	sshra.s32 s2, $0x2  }
0x23: {  	[tilespmem:s2+$0x4080] =	vst v0  }
0x24: {  	[spmem:s14] =	stream.linear.scatter [tilespmem:s28], [sflag:$0x1], $0x2000, $0x38;
	[tilespmem:$0x8880] =	vst v63  }
0x25: {  	_ =	swait.ge [sflag:s29], $0x2000  }
0x26: {  	[sflag:s29] =	ssyncset.done $0x0  }
0x27: {  	[sflag:s29] =	ssyncadd.s32 $0xFFFFE000  }
0x28: {  	[spmem:s15] =	stream.linear.scatter [tilespmem:s28], [sflag:$0x1], $0x2000, $0x38;
	[tilespmem:$0x8880] =	vst v63  }
0x29: {  	_ =	swait.ge [sflag:s29], $0x2000  }
0x2a: {  	[sflag:s29] =	ssyncset.done $0x0  }
0x2b: {  	[sflag:s29] =	ssyncadd.s32 $0xFFFFE000  }
0x2c: {  	[spmem:s16] =	stream.linear.scatter [tilespmem:s28], [sflag:$0x1], $0x2000, $0x38;
	[tilespmem:$0x8880] =	vst v63  }
0x2d: {  	_ =	swait.ge [sflag:s29], $0x2000  }
0x2e: {  	[sflag:s29] =	ssyncset.done $0x0  }
0x2f: {  	[sflag:s29] =	ssyncadd.s32 $0xFFFFE000  }
0x30: {  	[spmem:s17] =	stream.linear.scatter [tilespmem:s28], [sflag:$0x1], $0x2000, $0x38;
	[tilespmem:$0x8880] =	vst v63  }
0x31: {  	_ =	swait.ge [sflag:s29], $0x2000  }
0x32: {  	[sflag:s29] =	ssyncset.done $0x0  }
0x33: {  	[sflag:s29] =	ssyncadd.s32 $0xFFFFE000  }
0x34: {  	[spmem:s18] =	stream.linear.scatter [tilespmem:s28], [sflag:$0x1], $0x2000, $0x38;
	[tilespmem:$0x8880] =	vst v63  }
0x35: {  	_ =	swait.ge [sflag:s29], $0x2000  }
0x36: {  	[sflag:s29] =	ssyncset.done $0x0  }
0x37: {  	[sflag:s29] =	ssyncadd.s32 $0xFFFFE000  }
0x38: {  	[spmem:s19] =	stream.linear.scatter [tilespmem:s28], [sflag:$0x1], $0x2000, $0x38;
	[tilespmem:$0x8880] =	vst v63  }
0x39: {  	_ =	swait.ge [sflag:s29], $0x2000  }
0x3a: {  	[sflag:s29] =	ssyncset.done $0x0  }
0x3b: {  	[sflag:s29] =	ssyncadd.s32 $0xFFFFE000  }
0x3c: {  	[spmem:s20] =	stream.linear.scatter [tilespmem:s28], [sflag:$0x1], $0x2000, $0x38;
	[tilespmem:$0x8880] =	vst v63  }
0x3d: {  	_ =	swait.ge [sflag:s29], $0x2000  }
0x3e: {  	[sflag:s29] =	ssyncset.done $0x0  }
0x3f: {  	[sflag:s29] =	ssyncadd.s32 $0xFFFFE000  }
0x40: {  	[spmem:s21] =	stream.linear.scatter [tilespmem:s28], [sflag:$0x1], $0x2000, $0x38;
	[tilespmem:$0x8880] =	vst v63  }
0x41: {  	_ =	swait.ge [sflag:s29], $0x2000  }
0x42: {  	[sflag:s29] =	ssyncset.done $0x0  }
0x43: {  	[sflag:s29] =	ssyncadd.s32 $0xFFFFE000  }
0x44: {  	[spmem:s22] =	stream.linear.scatter [tilespmem:s28], [sflag:$0x1], $0x2000, $0x38;
	[tilespmem:$0x8880] =	vst v63  }
0x45: {  	_ =	swait.ge [sflag:s29], $0x2000  }
0x46: {  	[sflag:s29] =	ssyncset.done $0x0  }
0x47: {  	[sflag:s29] =	ssyncadd.s32 $0xFFFFE000  }
0x48: {  	[spmem:s23] =	stream.linear.scatter [tilespmem:s28], [sflag:$0x1], $0x2000, $0x38;
	[tilespmem:$0x8880] =	vst v63  }
0x49: {  	_ =	swait.ge [sflag:s29], $0x2000  }
0x4a: {  	[sflag:s29] =	ssyncset.done $0x0  }
0x4b: {  	[sflag:s29] =	ssyncadd.s32 $0xFFFFE000  }
0x4c: {  	s0 =	sadd.s32 $0x0, s26;
	[bflag:$0x0] =	sbarrier.arrive $0xFFFF  }
0x4d: {  	[tilespmem:s1], [sflag:$0x1] =	stream.linear.gather [hbm4b:s0+s1], $0x80, $0x38;
	[tilespmem:$0x8880] =	vst v63  }
0x4e: {  	_ =	swait.ge [sflag:s29], $0x80  }
0x4f: {  	[sflag:s29] =	ssyncset.done $0x0  }
0x50: {  	[sflag:s29] =	ssyncadd.s32 $0xFFFFFF80  }
0x51: {  	[tilespmem:s30], [sflag:$0x1] =	stream.linear.gather [hbm4b:s25+s1], $0x4000, $0x38;
	[tilespmem:$0x8880] =	vst v63  }
0x52: {  	_ =	swait.ge [sflag:s29], $0x4000  }
0x53: {  	[sflag:s29] =	ssyncset.done $0x0  }
0x54: {  	[sflag:s29] =	ssyncadd.s32 $0xFFFFC000  }
0x55: {  	[spmem:s13] =	stream.indirect.scatter.add.f32 [tilespmem:s30], [sflag:$0x1], $0x10, s1, s30, $0xb8;
	[tilespmem:$0x8880] =	vst v63  }
0x56: {  	s2 =	simm.s32 $0x20;
	_ =	swait.ge [sflag:s29], $0x800  }
0x57: {  	s10 =	sadd.s32 $0x800, s25;
	s0 =	simm.s32 $0x10;
	[sflag:s29] =	ssyncset.done $0x0  }
.LBB2_4:
0x58: {  	s3 =	sadd.s32 s0, s26  }
0x59: {  	[sflag:s29] =	ssyncadd.s32 $0xFFFFF800;
	s0 =	smov.u32 s2;
	s4 =	sadd.s32 $0x10, s2  }
0x5a: {  	[tilespmem:s1], [sflag:$0x1] =	stream.linear.gather [hbm4b:s3+s1], $0x80, $0x38;
	[tilespmem:$0x8880] =	vst v63  }
0x5b: {  	p0 =	sne.s32 s2, $0x500;
	_ =	swait.ge [sflag:s29], $0x80  }
0x5c: {  	[sflag:s29] =	ssyncset.done $0x0  }
0x5d: {  	[sflag:s29] =	ssyncadd.s32 $0xFFFFFF80  }
0x5e: {  	[tilespmem:s30], [sflag:$0x1] =	stream.linear.gather [hbm4b:s10+s1], $0x4000, $0x38;
	[tilespmem:$0x8880] =	vst v63  }
0x5f: {  	_ =	swait.ge [sflag:s29], $0x4000  }
.Ltmp1:
0x60: {  	[sflag:s29] =	ssyncset.done $0x0;
	(pc) =	sbr.rel @p0 .LBB2_4-.Ltmp1, $4  }
0x61: {  	[sflag:s29] =	ssyncadd.s32 $0xFFFFC000  }
0x62: {  	[spmem:s13] =	stream.indirect.scatter.add.f32 [tilespmem:s30], [sflag:$0x1], $0x10, s1, s30, $0xb8;
	[tilespmem:$0x8880] =	vst v63  }
0x63: {  	_ =	swait.ge [sflag:s29], $0x800  }
0x64: {  	s2 =	smov.u32 s4;
	s10 =	sadd.s32 $0x800, s10;
	[sflag:s29] =	ssyncset.done $0x0  }
0x65: {  	s0 =	sadd.s32 s0, s26;
	[sflag:s29] =	ssyncadd.s32 $0xFFFFF800  }
0x66: {  	[tilespmem:s1], [sflag:$0x1] =	stream.linear.gather [hbm4b:s0+s1], $0x80, $0x38;
	[tilespmem:$0x8880] =	vst v63  }
0x67: {  	_ =	swait.ge [sflag:s29], $0x80  }
0x68: {  	[sflag:s29] =	ssyncset.done $0x0  }
0x69: {  	[sflag:s29] =	ssyncadd.s32 $0xFFFFFF80  }
0x6a: {  	[tilespmem:s30], [sflag:$0x1] =	stream.linear.gather [hbm4b:s10+s1], $0x4000, $0x38;
	[tilespmem:$0x8880] =	vst v63  }
0x6b: {  	_ =	swait.ge [sflag:s29], $0x4000  }
0x6c: {  	[sflag:s29] =	ssyncset.done $0x0  }
0x6d: {  	[sflag:s29] =	ssyncadd.s32 $0xFFFFC000  }
0x6e: {  	[spmem:s13] =	stream.indirect.scatter.add.f32 [tilespmem:s30], [sflag:$0x1], $0x10, s1, s30, $0xb8;
	[tilespmem:$0x8880] =	vst v63  }
0x6f: {  	_ =	swait.ge [sflag:s29], $0x800  }
0x70: {  	[sflag:s29] =	ssyncset.done $0x0  }
0x71: {  	[sflag:s29] =	ssyncadd.s32 $0xFFFFF800  }
0x72: {  	[bflag:$0x0] =	sbarrier.arrive $0xFFFF  }
0x73: {  	[tilespmem:s28], [sflag:$0x1] =	stream.linear.gather [spmem:s14], $0x2000, $0x38;
	[tilespmem:$0x8880] =	vst v63  }
0x74: {  	_ =	swait.ge [sflag:s29], $0x2000  }
0x75: {  	[sflag:s29] =	ssyncset.done $0x0  }
0x76: {  	s3 =	rddreg [dreg:$0x3];
	[sflag:s29] =	ssyncadd.s32 $0xFFFFE000  }
0x77: {  	[hbm4b:s3+s1] =	stream.linear.scatter [tilespmem:s28], [sflag:$0x1], $0x2000, $0x38;
	[tilespmem:$0x8880] =	vst v63  }
0x78: {  	_ =	swait.ge [sflag:s29], $0x2000  }
0x79: {  	[sflag:s29] =	ssyncset.done $0x0  }
0x7a: {  	[sflag:s29] =	ssyncadd.s32 $0xFFFFE000  }
0x7b: {  	[tilespmem:s28], [sflag:$0x1] =	stream.linear.gather [spmem:s15], $0x2000, $0x38;
	[tilespmem:$0x8880] =	vst v63  }
0x7c: {  	_ =	swait.ge [sflag:s29], $0x2000  }
0x7d: {  	[sflag:s29] =	ssyncset.done $0x0  }
0x7e: {  	s4 =	rddreg [dreg:$0x4];
	[sflag:s29] =	ssyncadd.s32 $0xFFFFE000  }
0x7f: {  	[hbm4b:s4+s1] =	stream.linear.scatter [tilespmem:s28], [sflag:$0x1], $0x2000, $0x38;
	[tilespmem:$0x8880] =	vst v63  }
0x80: {  	_ =	swait.ge [sflag:s29], $0x2000  }
0x81: {  	[sflag:s29] =	ssyncset.done $0x0  }
0x82: {  	[sflag:s29] =	ssyncadd.s32 $0xFFFFE000  }
0x83: {  	[tilespmem:s28], [sflag:$0x1] =	stream.linear.gather [spmem:s16], $0x2000, $0x38;
	[tilespmem:$0x8880] =	vst v63  }
0x84: {  	_ =	swait.ge [sflag:s29], $0x2000  }
0x85: {  	[sflag:s29] =	ssyncset.done $0x0  }
0x86: {  	s10 =	rddreg [dreg:$0x5];
	[sflag:s29] =	ssyncadd.s32 $0xFFFFE000  }
0x87: {  	[hbm4b:s10+s1] =	stream.linear.scatter [tilespmem:s28], [sflag:$0x1], $0x2000, $0x38;
	[tilespmem:$0x8880] =	vst v63  }
0x88: {  	_ =	swait.ge [sflag:s29], $0x2000  }
0x89: {  	[sflag:s29] =	ssyncset.done $0x0  }
0x8a: {  	[sflag:s29] =	ssyncadd.s32 $0xFFFFE000  }
0x8b: {  	[tilespmem:s28], [sflag:$0x1] =	stream.linear.gather [spmem:s17], $0x2000, $0x38;
	[tilespmem:$0x8880] =	vst v63  }
0x8c: {  	_ =	swait.ge [sflag:s29], $0x2000  }
0x8d: {  	[sflag:s29] =	ssyncset.done $0x0  }
0x8e: {  	[sflag:s29] =	ssyncadd.s32 $0xFFFFE000  }
0x8f: {  	[hbm4b:s5+s1] =	stream.linear.scatter [tilespmem:s28], [sflag:$0x1], $0x2000, $0x38;
	[tilespmem:$0x8880] =	vst v63  }
0x90: {  	_ =	swait.ge [sflag:s29], $0x2000  }
0x91: {  	[sflag:s29] =	ssyncset.done $0x0  }
0x92: {  	[sflag:s29] =	ssyncadd.s32 $0xFFFFE000  }
0x93: {  	[tilespmem:s28], [sflag:$0x1] =	stream.linear.gather [spmem:s18], $0x2000, $0x38;
	[tilespmem:$0x8880] =	vst v63  }
0x94: {  	_ =	swait.ge [sflag:s29], $0x2000  }
0x95: {  	[sflag:s29] =	ssyncset.done $0x0  }
0x96: {  	[sflag:s29] =	ssyncadd.s32 $0xFFFFE000  }
0x97: {  	[hbm4b:s6+s1] =	stream.linear.scatter [tilespmem:s28], [sflag:$0x1], $0x2000, $0x38;
	[tilespmem:$0x8880] =	vst v63  }
0x98: {  	_ =	swait.ge [sflag:s29], $0x2000  }
0x99: {  	[sflag:s29] =	ssyncset.done $0x0  }
0x9a: {  	[sflag:s29] =	ssyncadd.s32 $0xFFFFE000  }
0x9b: {  	[tilespmem:s28], [sflag:$0x1] =	stream.linear.gather [spmem:s19], $0x2000, $0x38;
	[tilespmem:$0x8880] =	vst v63  }
0x9c: {  	_ =	swait.ge [sflag:s29], $0x2000  }
0x9d: {  	[sflag:s29] =	ssyncset.done $0x0  }
0x9e: {  	[sflag:s29] =	ssyncadd.s32 $0xFFFFE000  }
0x9f: {  	[hbm4b:s7+s1] =	stream.linear.scatter [tilespmem:s28], [sflag:$0x1], $0x2000, $0x38;
	[tilespmem:$0x8880] =	vst v63  }
0xa0: {  	_ =	swait.ge [sflag:s29], $0x2000  }
0xa1: {  	[sflag:s29] =	ssyncset.done $0x0  }
0xa2: {  	[sflag:s29] =	ssyncadd.s32 $0xFFFFE000  }
0xa3: {  	[tilespmem:s28], [sflag:$0x1] =	stream.linear.gather [spmem:s20], $0x2000, $0x38;
	[tilespmem:$0x8880] =	vst v63  }
0xa4: {  	_ =	swait.ge [sflag:s29], $0x2000  }
0xa5: {  	[sflag:s29] =	ssyncset.done $0x0  }
0xa6: {  	[sflag:s29] =	ssyncadd.s32 $0xFFFFE000  }
0xa7: {  	[hbm4b:s8+s1] =	stream.linear.scatter [tilespmem:s28], [sflag:$0x1], $0x2000, $0x38;
	[tilespmem:$0x8880] =	vst v63  }
0xa8: {  	_ =	swait.ge [sflag:s29], $0x2000  }
0xa9: {  	[sflag:s29] =	ssyncset.done $0x0  }
0xaa: {  	[sflag:s29] =	ssyncadd.s32 $0xFFFFE000  }
0xab: {  	[tilespmem:s28], [sflag:$0x1] =	stream.linear.gather [spmem:s21], $0x2000, $0x38;
	[tilespmem:$0x8880] =	vst v63  }
0xac: {  	_ =	swait.ge [sflag:s29], $0x2000  }
0xad: {  	[sflag:s29] =	ssyncset.done $0x0  }
0xae: {  	[sflag:s29] =	ssyncadd.s32 $0xFFFFE000  }
0xaf: {  	[hbm4b:s9+s1] =	stream.linear.scatter [tilespmem:s28], [sflag:$0x1], $0x2000, $0x38;
	[tilespmem:$0x8880] =	vst v63  }
0xb0: {  	_ =	swait.ge [sflag:s29], $0x2000  }
0xb1: {  	[sflag:s29] =	ssyncset.done $0x0  }
0xb2: {  	[sflag:s29] =	ssyncadd.s32 $0xFFFFE000  }
0xb3: {  	[tilespmem:s28], [sflag:$0x1] =	stream.linear.gather [spmem:s22], $0x2000, $0x38;
	[tilespmem:$0x8880] =	vst v63  }
0xb4: {  	_ =	swait.ge [sflag:s29], $0x2000  }
0xb5: {  	[sflag:s29] =	ssyncset.done $0x0  }
0xb6: {  	[sflag:s29] =	ssyncadd.s32 $0xFFFFE000  }
0xb7: {  	[hbm4b:s11+s1] =	stream.linear.scatter [tilespmem:s28], [sflag:$0x1], $0x2000, $0x38;
	[tilespmem:$0x8880] =	vst v63  }
0xb8: {  	_ =	swait.ge [sflag:s29], $0x2000  }
0xb9: {  	[sflag:s29] =	ssyncset.done $0x0  }
0xba: {  	[sflag:s29] =	ssyncadd.s32 $0xFFFFE000  }
0xbb: {  	[tilespmem:s28], [sflag:$0x1] =	stream.linear.gather [spmem:s23], $0x2000, $0x38;
	[tilespmem:$0x8880] =	vst v63  }
0xbc: {  	s31 =	sadd.s32 $0x1, s31;
	_ =	swait.ge [sflag:s29], $0x2000  }
0xbd: {  	p0 =	sne.s32 s31, s24;
	[sflag:s29] =	ssyncset.done $0x0  }
.Ltmp2:
0xbe: {  	[sflag:s29] =	ssyncadd.s32 $0xFFFFE000;
	(pc) =	sbr.rel @p0 .LBB2_1-.Ltmp2, $4  }
0xbf: {  	[hbm4b:s12+s1] =	stream.linear.scatter [tilespmem:s28], [sflag:$0x1], $0x2000, $0x38;
	[tilespmem:$0x8880] =	vst v63  }
0xc0: {  	_ =	swait.ge [sflag:s29], $0x2000  }
0xc1: {  	[sflag:s29] =	ssyncset.done $0x0  }
0xc2: {  	[sflag:s29] =	ssyncadd.s32 $0xFFFFE000  }
0xc3: {  	_ =	sfence.sel $0x180000  }
0xc4: {  	[bflag:$0x0] =	sbarrier.arrive $0xFFFF  }
0xc5: {  	_ =	strace $0x9000004A  }
0xc6: {  	s0 =	stileid.u32;
	[bflag:$0x2] =	sbarrier.arrive $0xFFFF  }
0xc7: {  	p0 =	sne.s32 s0, $0x0;
	s0 =	rddreg [dreg:$0x2]  }
0xc8: {  	s0 =	sadd.s32 @!p0 $0x100000, s0  }
0xc9: {  	[sflag:s0] =	ssyncadd.tile.s32 @!p0 $0x1;
	_ =	shalt  }
.Lfunc_end2:
_tile_overlayer_lowered:
.L_overlay_start_2:
0xca: {  	(tag) =	ssettag $0x2  }
0xcb: {  	s0 =	rddreg [dreg:$0x0];
	s2 =	stileid.u32  }
0xcc: {  	s1 =	rddreg [dreg:$0x1];
	p0 =	sne.s32 s2, $0x0  }
0xcd: {  	s3 =	rddreg [dreg:$0x2];
	[bflag:$0x3] =	sbarrier.arrive $0xFFFF;
	s2 =	simm.s32 @!p0 $0x1C01  }
0xce: {  	[timem:s3], [sflag:s2] =	dma.local @!p0 [hbm:s0], s1  }
0xcf: {  	s0 =	simm.s32 @!p0 $0x1  }
0xd0: {  	_ =	swait.ge @!p0 [sflag:s0], s1  }
0xd1: {  	s1 =	ssub.s32 @!p0 $0x0, s1;
	[sflag:s0] =	ssyncset.done @!p0 $0x0  }
0xd2: {  	[sflag:s0] =	ssyncadd.s32 @!p0 s1  }
0xd3: {  	[bflag:$0x3] =	sbarrier.arrive $0xFFFF  }
0xd4: {  	_ =	shalt  }

// kernel: kernel.9.cloned.1.call-start
scs
__scs_entry_jumppad:
0x0: {  	(pc) =	sbr.rel $0x88, $3  }
0x1: {  	(tag) =	ssettag $0x0;
	lr =	simm.s32 $0x1  }
0x2: {  	[smem:$0x3F97] =	sst lr;
	_ =	strace $0xD0000000  }
0x3: {  	_ = 	snop  }
0x4: {  	_ = 	snop  }
0x5: {  	_ = 	snop  }
0x6: {  	_ = 	snop  }
0x7: {  	_ = 	snop  }
__scs_overlays_trampoline_lowered:
0x8: {  	[smem:$0x3FA6] =	sst s0  }
0x9: {  	[smem:$0x3FA7] =	sst s1  }
0xa: {  	[smem:$0x3FA8] =	sst s2  }
0xb: {  	[smem:$0x3FA9] =	sst s3  }
0xc: {  	[smem:$0x3FAA] =	sst s4  }
0xd: {  	[smem:$0x3FAB] =	sst s5  }
0xe: {  	[smem:$0x3FAC] =	sst s6  }
0xf: {  	[smem:$0x3FAD] =	sst s7  }
0x10: {  	[smem:$0x3FAE] =	sst s8  }
0x11: {  	[smem:$0x3FAF] =	sst s9;
	s0 =	simm.s32 @!p0 $0x0  }
0x12: {  	s1 =	sld [smem:$0x3F95];
	s0 =	simm.s32 @p0 $0x1  }
0x13: {  	[smem:$0x3FB0] =	sst s0;
	s0 =	simm.s32 @!p1 $0x0  }
0x14: {  	s2 =	sld [smem:$0x3F94];
	s0 =	simm.s32 @p1 $0x1  }
0x15: {  	[smem:$0x3FB1] =	sst s0;
	s0 =	simm.s32 @!p2 $0x0  }
0x16: {  	s3 =	sld [smem:$0x3FDB];
	s0 =	simm.s32 @p2 $0x1  }
0x17: {  	s4 =	simm.s32 $0x1BF5;
	[smem:$0x3FB3] =	sst s0  }
0x18: {  	s0 =	sld [smem:$0x3F96];
	_ =	swait.ge [sflag:s4], $0x0  }
0x19: {  	s7 =	sld [smem:$0x3F97]  }
0x1a: {  	s8 =	sadd.s32 $0xFFFFE003, lr  }
0x1b: {  	s9 =	sadd.s32 $0xFFFFFEF7, lr;
	s5 =	simm.s32 $0xFFFFFFFF;
	p2 =	slt.u32 s8, $0xFFFFF086  }
0x1c: {  	p1 =	slt.u32 s9, $0xF7A;
	s5 =	simm.s32 @!p2 $0x0  }
0x1d: {  	s5 =	simm.s32 @p1 $0x1;
	p0 =	seq.s32 s7, s2  }
0x1e: {  	s7 =	smul.u32 @!p0 $0xF7A, s2;
	p2 =	seq.s32 @!p0 s5, $0x0  }
0x1f: {  	s9 =	smul.u32 $0xF7A, s1;
	s8 =	simm.s32 @!p0 $0x1BF5;
	p2 =	por !p2, p0  }
0x20: {  	[sflag:s8] =	ssyncset.s32 @!p0 $0xFFFFF086;
	s6 =	sadd.s32 @!p0 s3, s7;
	s7 =	simm.s32 @!p0 $0x108  }
0x21: {  	s3 =	sadd.s32 s3, s9;
	s6 =	sadd.s32 @!p0 $0x88, s6;
	s7 =	simm.s32 @p2 $0x1082  }
0x22: {  	[simem:s7], [sflag:s8] =	dma.local @!p0 [hbm:s6], $0xF7A  }
0x23: {  	s9 =	sor.u32 $0xD0000000, s2;
	s6 =	simm.s32 $0x108;
	_ =	swait.ge @!p0 [sflag:s8], $0x0  }
0x24: {  	s3 =	sadd.s32 $0x88, s3;
	s6 =	simm.s32 @!p1 $0x1082;
	[sflag:s4] =	ssyncset.s32 $0xFFFFF086  }
0x25: {  	[simem:s6], [sflag:s4] =	dma.local [hbm:s3], $0xF7A  }
0x26: {  	[smem:$0x3F97] =	sst s1;
	(tag) =	ssettag s2;
	_ =	strace s9  }
0x27: {  	s1 =	sld [smem:$0x3FA7]  }
0x28: {  	s2 =	sld [smem:$0x3FA8]  }
0x29: {  	s4 =	sld [smem:$0x3FAA]  }
0x2a: {  	p0 =	seq.s32 s5, $0x0;
	s5 =	sld [smem:$0x3FAB]  }
0x2b: {  	s6 =	sld [smem:$0x3FAC]  }
0x2c: {  	s7 =	sld [smem:$0x3FAD]  }
0x2d: {  	s3 =	simm.s32 $0x108;
	s8 =	sld [smem:$0x3FAE]  }
0x2e: {  	s3 =	simm.s32 @!p0 $0x1082;
	s9 =	sld [smem:$0x3FAF]  }
0x2f: {  	lr =	sadd.s32 s0, s3;
	s0 =	sld [smem:$0x3FA6]  }
0x30: {  	s3 =	sld [smem:$0x3FA9]  }
0x31: {  	[smem:$0x3FB2] =	sst s10  }
0x32: {  	s10 =	sld [smem:$0x3FB0];
	_ =	sdelay $0x3  }
0x33: {  	p0 =	seq.s32 s10, $0x1;
	s10 =	sld [smem:$0x3FB2];
	_ =	sdelay $0x3  }
0x34: {  	[smem:$0x3FB2] =	sst s10  }
0x35: {  	s10 =	sld [smem:$0x3FB1];
	_ =	sdelay $0x3  }
0x36: {  	p1 =	seq.s32 s10, $0x1;
	s10 =	sld [smem:$0x3FB2];
	_ =	sdelay $0x3  }
0x37: {  	[smem:$0x3FB2] =	sst s10  }
0x38: {  	s10 =	sld [smem:$0x3FB3]  }
0x39: {  	_ = 	snop;
	(pc) =	sbr.ind lr, $3  }
0x3a: {  	_ = 	snop  }
0x3b: {  	_ = 	snop  }
0x3c: {  	p2 =	seq.s32 s10, $0x1;
	s10 =	sld [smem:$0x3FB2]  }
0x3d: {  	_ =	shalt  }
0x3e: {  	_ =	shalt  }
0x3f: {  	_ =	shalt  }
0x40: {  	_ =	shalt  }
0x41: {  	_ =	shalt  }
0x42: {  	_ =	shalt  }
0x43: {  	_ =	shalt  }
0x44: {  	_ =	shalt  }
0x45: {  	_ =	shalt  }
0x46: {  	_ =	shalt  }
0x47: {  	_ =	shalt  }
0x48: {  	_ =	shalt  }
0x49: {  	_ =	shalt  }
0x4a: {  	_ =	shalt  }
0x4b: {  	_ =	shalt  }
0x4c: {  	_ =	shalt  }
0x4d: {  	_ =	shalt  }
0x4e: {  	_ =	shalt  }
0x4f: {  	_ =	shalt  }
0x50: {  	_ =	shalt  }
0x51: {  	_ =	shalt  }
0x52: {  	_ =	shalt  }
0x53: {  	_ =	shalt  }
0x54: {  	_ =	shalt  }
0x55: {  	_ =	shalt  }
0x56: {  	_ =	shalt  }
0x57: {  	_ =	shalt  }
0x58: {  	_ =	shalt  }
0x59: {  	_ =	shalt  }
0x5a: {  	_ =	shalt  }
0x5b: {  	_ =	shalt  }
0x5c: {  	_ =	shalt  }
0x5d: {  	_ =	shalt  }
0x5e: {  	_ =	shalt  }
0x5f: {  	_ =	shalt  }
0x60: {  	_ =	shalt  }
0x61: {  	_ =	shalt  }
0x62: {  	_ =	shalt  }
0x63: {  	_ =	shalt  }
0x64: {  	_ =	shalt  }
0x65: {  	_ =	shalt  }
0x66: {  	_ =	shalt  }
0x67: {  	_ =	shalt  }
0x68: {  	_ =	shalt  }
0x69: {  	_ =	shalt  }
0x6a: {  	_ =	shalt  }
0x6b: {  	_ =	shalt  }
0x6c: {  	_ =	shalt  }
0x6d: {  	_ =	shalt  }
0x6e: {  	_ =	shalt  }
0x6f: {  	_ =	shalt  }
0x70: {  	_ =	shalt  }
0x71: {  	_ =	shalt  }
0x72: {  	_ =	shalt  }
0x73: {  	_ =	shalt  }
0x74: {  	_ =	shalt  }
0x75: {  	_ =	shalt  }
0x76: {  	_ =	shalt  }
0x77: {  	_ =	shalt  }
0x78: {  	_ =	shalt  }
0x79: {  	_ =	shalt  }
0x7a: {  	_ =	shalt  }
0x7b: {  	_ =	shalt  }
0x7c: {  	_ =	shalt  }
0x7d: {  	_ =	shalt  }
0x7e: {  	_ =	shalt  }
0x7f: {  	_ =	shalt  }
0x80: {  	_ =	shalt  }
0x81: {  	_ =	shalt  }
0x82: {  	_ =	shalt  }
0x83: {  	_ =	shalt  }
0x84: {  	_ =	shalt  }
0x85: {  	_ =	shalt  }
0x86: {  	_ =	shalt  }
0x87: {  	_ =	shalt  }
.Lfunc_end0:
.L_simem_size_0:
called_computation_lowered:
.L_overlay_start_0:
0x88: {  	s2 =	sld [smem:$0x3FD9]  }
0x89: {  	s3 =	sld [smem:$0x3FFE];
	_ =	sdelay $0x1  }
0x8a: {  	s1 =	srdreg.scid  }
0x8b: {  	s0 =	sand.u32 $0x1, s1  }
0x8c: {  	s16 =	sshll.u32 s0, $0xA;
	s2 =	sadd.s32 s3, s2  }
0x8d: {  	s2 =	sadd.s32 s2, s16  }
0x8e: {  	[smem:$0x3FBE] =	sst s2  }
0x8f: {  	_ = 	snop  }
0x90: {  	(tm) =	ssettm $0x1  }
0x91: {  	s17 =	sld [smem:$0x3FFB];
	_ =	sdelay $0x3  }
0x92: {  	_ =	strace s17  }
0x93: {  	s2 =	sld [smem:$0x3FFC];
	_ =	sdelay $0x3  }
0x94: {  	_ =	strace s2  }
0x95: {  	s2 =	sld [smem:$0x3FFD];
	_ =	sdelay $0x3  }
0x96: {  	_ =	strace s2  }
0x97: {  	_ =	strace $0x8FFFFFFF  }
0x98: {  	s18 =	sld [smem:$0x3FDB];
	_ =	sdelay $0x1  }
0x99: {  	s19 =	simm.s32 $_scs_section_size  }
0x9a: {  	s4 =	simm.s32 $_size__tile_overlayer_lowered;
	s5 =	simm.s32 $_tile_overlayer_lowered  }
0x9b: {  	s22 =	simm.s32 $0x1BFF;
	s21 =	sshll.u32 s5, $0x1;
	s2 =	sadd.s32 s19, s18  }
0x9c: {  	s6 =	simm.s32 $0x0;
	s20 =	sshll.u32 s4, $0x1;
	s4 =	sadd.s32 s21, s2  }
0x9d: {  	[timem:s6], [sflag:s22] =	dma.local [hbm:s4], s20  }
0x9e: {  	_ =	swait.ge [sflag:s22], s20  }
0x9f: {  	s3 =	ssub.s32 $0x0, s20;
	[sflag:s22] =	ssyncset.done $0x0  }
0xa0: {  	[sflag:s22] =	ssyncadd.s32 s3;
	_ =	sdelay $0x1  }
0xa1: {  	s23 =	simm.s32 $0x1B8B  }
0xa2: {  	_ =	swait.ge [sflag:s23], $0x1  }
0xa3: {  	[sflag:s23] =	ssyncset.done $0x0  }
0xa4: {  	s25 =	simm.s32 $0x1B8E;
	s24 =	sld [smem:$0x3FFE];
	[sflag:s23] =	ssyncadd.s32 $0xFFFFFFFF  }
0xa5: {  	s26 =	simm.s32 $execute0_lowered;
	[smem:$0x3FD2] =	sst s25  }
0xa6: {  	s4 =	sshll.u32 s26, $0x1;
	_ =	strace $0x80000046;
	[dreg:$0x1] =	wrdreg $0xFFFFFFFF  }
0xa7: {  	s28 =	simm.s32 $_size_execute0_lowered;
	s2 =	sadd.s32 s2, s4;
	[dreg:$0x0] =	wrdreg $0x0  }
0xa8: {  	s4 =	sshll.u32 s28, $0x1;
	[dreg:$0x2] =	wrdreg s2  }
0xa9: {  	[dreg:$0x3] =	wrdreg s4  }
0xaa: {  	[dreg:$0x4] =	wrdreg $0xC0  }
0xab: {  	_ =	task [dreg:s6], $0x5FFFF  }
0xac: {  	[dreg:$0x1] =	wrdreg $0xFFFFFFFF  }
0xad: {  	[dreg:$0x0] =	wrdreg $0x60  }
0xae: {  	[dreg:$0x2] =	wrdreg s24  }
0xaf: {  	[dreg:$0x3] =	wrdreg $0x60800  }
0xb0: {  	[dreg:$0x4] =	wrdreg $0x9  }
0xb1: {  	_ =	task.clear_ibuf [dreg:s6], $0x5FFFF;
	_ =	strace $0x90000046  }
0xb2: {  	s29 =	simm.s32 $0x9;
	_ =	strace $0x80000048  }
0xb3: {  	_ =	swait.ge [sflag:s29], $0x1  }
0xb4: {  	[sflag:s29] =	ssyncadd.s32 $0xFFFFFFFF  }
0xb5: {  	_ =	strace $0x90000048  }
0xb6: {  	_ =	sfence  }
0xb7: {  	s30 =	sld [smem:$0x0];
	_ =	sdelay $0x2  }
0xb8: {  	s31 =	sshll.u32 s1, $0xD;
	s1 =	sshrl.u32 s1, $0x2  }
0xb9: {  	s3 =	sand.u32 $0x4000, s31;
	s1 =	sadd.s32 s1, s30  }
0xba: {  	s0 =	sor.u32 s3, s0;
	s1 =	sshll.u32 s1, $0x11  }
0xbb: {  	s0 =	sor.u32 s1, s0  }
0xbc: {  	s0 =	sadd.s32 $0x8F2B, s0  }
0xbd: {  	[sflag:s0] =	ssyncadd.remote.s32 $0x1  }
0xbe: {  	_ =	sfence.sel $0xFFFF  }
0xbf: {  	[dreg:$0x0] =	wrdreg $0xFFFFFFFF;
	(pc) =	sbr.abs _section_cstart, $3  }
0xc0: {  	[dreg:$0x1] =	wrdreg $0xFFFFFFFF  }
0xc1: {  	_ =	task.clear_ibuf [dreg:s6], $0x2FFFF;
	_ =	strace $0x9FFFFFFF  }
0xc2: {  	(tm) =	ssettm $0x7FFFFFFF  }
0xc3: {  	_ =	shalt  }
tec
execute0_lowered:
.L_overlay_start_1:
0x0: {  	(tag) =	ssettag $0x1  }
0x1: {  	s13 =	stileid.u32  }
0x2: {  	s0 =	srdreg.scid;
	s3 =	smul.u32 $0x2880, s13  }
0x3: {  	s4 =	rddreg [dreg:$0x0];
	s1 =	simm.s32 $0x0;
	s6 =	smul.u32 $0x14000, s13  }
0x4: {  	s28 =	simm.s32 $0x4080;
	s0 =	sand.u32 $0x1, s0;
	s14 =	smul.u32 $0x50000, s13  }
0x5: {  	s29 =	simm.s32 $0x1;
	s30 =	simm.s32 $0x80;
	s2 =	smul.u32 $0x28800, s0  }
0x6: {  	s31 =	simm.s32 $0x0;
	[smem:$0x7FF] =	sst s1;
	s5 =	smul.u32 $0x288000, s0  }
0x7: {  	s12 =	sadd.s32 $0x28E00, s4;
	s25 =	ssub.s32 $0x2, s0;
	s0 =	smul.u32 $0x140000, s0  }
0x8: {  	s15 =	sor.u32 $0x2000, s6;
	s16 =	sadd.s32 $0x4000, s6;
	s17 =	sadd.s32 $0x6000, s6  }
0x9: {  	s18 =	sadd.s32 $0x8000, s6;
	s19 =	sadd.s32 $0xA000, s6;
	s20 =	sadd.s32 $0xC000, s6  }
0xa: {  	s21 =	sadd.s32 $0xE000, s6;
	s22 =	sadd.s32 $0x10000, s6;
	s23 =	sadd.s32 $0x12000, s6  }
0xb: {  	s2 =	sadd.s32 s3, s2;
	s10 =	sadd.s32 s5, s4;
	s5 =	sshrl.u32 s25, $0x1  }
0xc: {  	s7 =	sadd.s32 s6, s0;
	s8 =	sadd.s32 s0, s15;
	s11 =	sadd.s32 s0, s16  }
0xd: {  	s24 =	sadd.s32 s0, s17;
	s6 =	sadd.s32 s0, s18;
	s2 =	sshrl.u32 s2, $0x3  }
0xe: {  	s3 =	sshrl.u32 s7, $0x3;
	s9 =	sshrl.u32 s8, $0x3;
	s6 =	sshrl.u32 s6, $0x3  }
0xf: {  	s7 =	sadd.s32 s0, s19;
	s8 =	sadd.s32 s0, s20;
	s26 =	sadd.s32 s2, s4  }
0x10: {  	s2 =	ssub.s32 s25, s5;
	s3 =	sadd.s32 s12, s3;
	s4 =	sshrl.u32 s11, $0x3  }
0x11: {  	s5 =	sshrl.u32 s24, $0x3;
	s6 =	sadd.s32 s12, s6;
	s7 =	sshrl.u32 s7, $0x3  }
0x12: {  	s8 =	sshrl.u32 s8, $0x3;
	s24 =	smul.u32 $0x28800, s13;
	s13 =	rddreg [dreg:$0x1]  }
0x13: {  	s11 =	sadd.s32 s0, s22;
	[dreg:$0x3] =	wrdreg s3;
	s3 =	sadd.s32 s12, s9  }
0x14: {  	s25 =	sadd.s32 s12, s4;
	s5 =	sadd.s32 s12, s5;
	s9 =	sadd.s32 s0, s21  }
0x15: {  	s7 =	sadd.s32 s12, s7;
	s8 =	sadd.s32 s12, s8;
	s0 =	sadd.s32 s0, s23  }
0x16: {  	s11 =	sshrl.u32 s11, $0x3;
	s15 =	sadd.s32 s15, s13;
	s16 =	sadd.s32 s16, s13  }
0x17: {  	s17 =	sadd.s32 s17, s13;
	s18 =	sadd.s32 s18, s13;
	s19 =	sadd.s32 s19, s13  }
0x18: {  	s20 =	sadd.s32 s20, s13;
	s21 =	sadd.s32 s21, s13;
	s22 =	sadd.s32 s22, s13  }
0x19: {  	s23 =	sadd.s32 s23, s13;
	s26 =	sadd.s32 $0x5400, s26;
	[dreg:$0x4] =	wrdreg s3  }
0x1a: {  	[dreg:$0x5] =	wrdreg s25;
	s9 =	sshrl.u32 s9, $0x3;
	s0 =	sshrl.u32 s0, $0x3  }
0x1b: {  	s11 =	sadd.s32 s12, s11;
	s4 =	sadd.s32 s24, s10;
	s25 =	sshrl.u32 s14, $0x2  }
0x1c: {  	s24 =	smax.u32 s2, $0x1;
	s9 =	sadd.s32 s12, s9;
	s12 =	sadd.s32 s12, s0  }
0x1d: {  	v0 =	vimm.f32 $0.0e+00;
	_ =	strace $0x80000047;
	s14 =	sadd.s32 s25, s13;
	s25 =	sadd.s32 $0xFB3200, s4  }
.LBB2_1:
0x1e: {  	s10 =	simm.s32 $0x200;
	s0 =	simm.s32 $0x0  }
.LBB2_2:
0x1f: {  	p0 =	sne.s32 s10, $0x7E00;
	[tilespmem:s0+$0x40C0] =	vst v0;
	s2 =	smov.u32 s10;
	s10 =	sadd.s32 $0x200, s10  }
.Ltmp0:
0x20: {  	[tilespmem:s0+$0x40B0] =	vst v0;
	(pc) =	sbr.rel @p0 .LBB2_2-.Ltmp0, $4  }
0x21: {  	[tilespmem:s0+$0x40A0] =	vst v0  }
0x22: {  	[tilespmem:s0+$0x4080] =	vst v0  }
0x23: {  	[tilespmem:s0+$0x4090] =	vst v0  }
0x24: {  	s0 =	sshra.s32 s2, $0x2  }
0x25: {  	[tilespmem:s0+$0x40C0] =	vst v0  }
0x26: {  	[tilespmem:s0+$0x40B0] =	vst v0  }
0x27: {  	[tilespmem:s0+$0x40A0] =	vst v0  }
0x28: {  	[tilespmem:s0+$0x4080] =	vst v0  }
0x29: {  	[tilespmem:s0+$0x4090] =	vst v0  }
0x2a: {  	[spmem:s14] =	stream.linear.scatter [tilespmem:s28], [sflag:$0x1], $0x2000, $0x38;
	[tilespmem:$0x12880] =	vst v63  }
0x2b: {  	_ =	swait.ge [sflag:s29], $0x2000  }
0x2c: {  	[sflag:s29] =	ssyncset.done $0x0  }
0x2d: {  	[sflag:s29] =	ssyncadd.s32 $0xFFFFE000  }
0x2e: {  	[spmem:s15] =	stream.linear.scatter [tilespmem:s28], [sflag:$0x1], $0x2000, $0x38;
	[tilespmem:$0x12880] =	vst v63  }
0x2f: {  	_ =	swait.ge [sflag:s29], $0x2000  }
0x30: {  	[sflag:s29] =	ssyncset.done $0x0  }
0x31: {  	[sflag:s29] =	ssyncadd.s32 $0xFFFFE000  }
0x32: {  	[spmem:s16] =	stream.linear.scatter [tilespmem:s28], [sflag:$0x1], $0x2000, $0x38;
	[tilespmem:$0x12880] =	vst v63  }
0x33: {  	_ =	swait.ge [sflag:s29], $0x2000  }
0x34: {  	[sflag:s29] =	ssyncset.done $0x0  }
0x35: {  	[sflag:s29] =	ssyncadd.s32 $0xFFFFE000  }
0x36: {  	[spmem:s17] =	stream.linear.scatter [tilespmem:s28], [sflag:$0x1], $0x2000, $0x38;
	[tilespmem:$0x12880] =	vst v63  }
0x37: {  	_ =	swait.ge [sflag:s29], $0x2000  }
0x38: {  	[sflag:s29] =	ssyncset.done $0x0  }
0x39: {  	[sflag:s29] =	ssyncadd.s32 $0xFFFFE000  }
0x3a: {  	[spmem:s18] =	stream.linear.scatter [tilespmem:s28], [sflag:$0x1], $0x2000, $0x38;
	[tilespmem:$0x12880] =	vst v63  }
0x3b: {  	_ =	swait.ge [sflag:s29], $0x2000  }
0x3c: {  	[sflag:s29] =	ssyncset.done $0x0  }
0x3d: {  	[sflag:s29] =	ssyncadd.s32 $0xFFFFE000  }
0x3e: {  	[spmem:s19] =	stream.linear.scatter [tilespmem:s28], [sflag:$0x1], $0x2000, $0x38;
	[tilespmem:$0x12880] =	vst v63  }
0x3f: {  	_ =	swait.ge [sflag:s29], $0x2000  }
0x40: {  	[sflag:s29] =	ssyncset.done $0x0  }
0x41: {  	[sflag:s29] =	ssyncadd.s32 $0xFFFFE000  }
0x42: {  	[spmem:s20] =	stream.linear.scatter [tilespmem:s28], [sflag:$0x1], $0x2000, $0x38;
	[tilespmem:$0x12880] =	vst v63  }
0x43: {  	_ =	swait.ge [sflag:s29], $0x2000  }
0x44: {  	[sflag:s29] =	ssyncset.done $0x0  }
0x45: {  	[sflag:s29] =	ssyncadd.s32 $0xFFFFE000  }
0x46: {  	[spmem:s21] =	stream.linear.scatter [tilespmem:s28], [sflag:$0x1], $0x2000, $0x38;
	[tilespmem:$0x12880] =	vst v63  }
0x47: {  	_ =	swait.ge [sflag:s29], $0x2000  }
0x48: {  	[sflag:s29] =	ssyncset.done $0x0  }
0x49: {  	[sflag:s29] =	ssyncadd.s32 $0xFFFFE000  }
0x4a: {  	[spmem:s22] =	stream.linear.scatter [tilespmem:s28], [sflag:$0x1], $0x2000, $0x38;
	[tilespmem:$0x12880] =	vst v63  }
0x4b: {  	_ =	swait.ge [sflag:s29], $0x2000  }
0x4c: {  	[sflag:s29] =	ssyncset.done $0x0  }
0x4d: {  	[sflag:s29] =	ssyncadd.s32 $0xFFFFE000  }
0x4e: {  	[spmem:s23] =	stream.linear.scatter [tilespmem:s28], [sflag:$0x1], $0x2000, $0x38;
	[tilespmem:$0x12880] =	vst v63  }
0x4f: {  	_ =	swait.ge [sflag:s29], $0x2000  }
0x50: {  	[sflag:s29] =	ssyncset.done $0x0  }
0x51: {  	[sflag:s29] =	ssyncadd.s32 $0xFFFFE000  }
0x52: {  	s10 =	sadd.s32 $0x0, s26;
	[bflag:$0x0] =	sbarrier.arrive $0xFFFF  }
0x53: {  	[tilespmem:s1], [sflag:$0x1] =	stream.linear.gather [hbm4b:s10+s1], $0x80, $0x38;
	[tilespmem:$0x12880] =	vst v63  }
0x54: {  	_ =	swait.ge [sflag:s29], $0x80  }
0x55: {  	[sflag:s29] =	ssyncset.done $0x0  }
0x56: {  	[sflag:s29] =	ssyncadd.s32 $0xFFFFFF80  }
0x57: {  	[tilespmem:s30], [sflag:$0x1] =	stream.linear.gather [hbm4b:s25+s1], $0x4000, $0x38;
	[tilespmem:$0x12880] =	vst v63  }
0x58: {  	_ =	swait.ge [sflag:s29], $0x4000  }
0x59: {  	[sflag:s29] =	ssyncset.done $0x0  }
0x5a: {  	[sflag:s29] =	ssyncadd.s32 $0xFFFFC000  }
0x5b: {  	[spmem:s13] =	stream.indirect.scatter.add.f32 [tilespmem:s30], [sflag:$0x1], $0x50, s1, s30, $0xb8;
	[tilespmem:$0x12880] =	vst v63  }
0x5c: {  	s0 =	simm.s32 $0x10;
	_ =	swait.ge [sflag:s29], $0x2800  }
0x5d: {  	s2 =	simm.s32 $0x20;
	s10 =	sadd.s32 $0x800, s25;
	[sflag:s29] =	ssyncset.done $0x0  }
.LBB2_4:
0x5e: {  	s3 =	sadd.s32 s0, s26  }
0x5f: {  	[sflag:s29] =	ssyncadd.s32 $0xFFFFD800;
	s0 =	smov.u32 s2;
	s4 =	sadd.s32 $0x10, s2  }
0x60: {  	[tilespmem:s1], [sflag:$0x1] =	stream.linear.gather [hbm4b:s3+s1], $0x80, $0x38;
	[tilespmem:$0x12880] =	vst v63  }
0x61: {  	p0 =	sne.s32 s2, $0x500;
	_ =	swait.ge [sflag:s29], $0x80  }
0x62: {  	[sflag:s29] =	ssyncset.done $0x0  }
0x63: {  	[sflag:s29] =	ssyncadd.s32 $0xFFFFFF80  }
0x64: {  	[tilespmem:s30], [sflag:$0x1] =	stream.linear.gather [hbm4b:s10+s1], $0x4000, $0x38;
	[tilespmem:$0x12880] =	vst v63  }
0x65: {  	_ =	swait.ge [sflag:s29], $0x4000  }
.Ltmp1:
0x66: {  	[sflag:s29] =	ssyncset.done $0x0;
	(pc) =	sbr.rel @p0 .LBB2_4-.Ltmp1, $4  }
0x67: {  	[sflag:s29] =	ssyncadd.s32 $0xFFFFC000  }
0x68: {  	[spmem:s13] =	stream.indirect.scatter.add.f32 [tilespmem:s30], [sflag:$0x1], $0x50, s1, s30, $0xb8;
	[tilespmem:$0x12880] =	vst v63  }
0x69: {  	_ =	swait.ge [sflag:s29], $0x2800  }
0x6a: {  	s2 =	smov.u32 s4;
	s10 =	sadd.s32 $0x800, s10;
	[sflag:s29] =	ssyncset.done $0x0  }
0x6b: {  	s0 =	sadd.s32 s0, s26;
	[sflag:s29] =	ssyncadd.s32 $0xFFFFD800  }
0x6c: {  	[tilespmem:s1], [sflag:$0x1] =	stream.linear.gather [hbm4b:s0+s1], $0x80, $0x38;
	[tilespmem:$0x12880] =	vst v63  }
0x6d: {  	_ =	swait.ge [sflag:s29], $0x80  }
0x6e: {  	[sflag:s29] =	ssyncset.done $0x0  }
0x6f: {  	[sflag:s29] =	ssyncadd.s32 $0xFFFFFF80  }
0x70: {  	[tilespmem:s30], [sflag:$0x1] =	stream.linear.gather [hbm4b:s10+s1], $0x4000, $0x38;
	[tilespmem:$0x12880] =	vst v63  }
0x71: {  	_ =	swait.ge [sflag:s29], $0x4000  }
0x72: {  	[sflag:s29] =	ssyncset.done $0x0  }
0x73: {  	[sflag:s29] =	ssyncadd.s32 $0xFFFFC000  }
0x74: {  	[spmem:s13] =	stream.indirect.scatter.add.f32 [tilespmem:s30], [sflag:$0x1], $0x50, s1, s30, $0xb8;
	[tilespmem:$0x12880] =	vst v63  }
0x75: {  	_ =	swait.ge [sflag:s29], $0x2800  }
0x76: {  	[sflag:s29] =	ssyncset.done $0x0  }
0x77: {  	[sflag:s29] =	ssyncadd.s32 $0xFFFFD800  }
0x78: {  	[bflag:$0x0] =	sbarrier.arrive $0xFFFF  }
0x79: {  	[tilespmem:s28], [sflag:$0x1] =	stream.linear.gather [spmem:s14], $0x2000, $0x38;
	[tilespmem:$0x12880] =	vst v63  }
0x7a: {  	_ =	swait.ge [sflag:s29], $0x2000  }
0x7b: {  	[sflag:s29] =	ssyncset.done $0x0  }
0x7c: {  	s3 =	rddreg [dreg:$0x3];
	[sflag:s29] =	ssyncadd.s32 $0xFFFFE000  }
0x7d: {  	[hbm4b:s3+s1] =	stream.linear.scatter [tilespmem:s28], [sflag:$0x1], $0x2000, $0x38;
	[tilespmem:$0x12880] =	vst v63  }
0x7e: {  	_ =	swait.ge [sflag:s29], $0x2000  }
0x7f: {  	[sflag:s29] =	ssyncset.done $0x0  }
0x80: {  	[sflag:s29] =	ssyncadd.s32 $0xFFFFE000  }
0x81: {  	[tilespmem:s28], [sflag:$0x1] =	stream.linear.gather [spmem:s15], $0x2000, $0x38;
	[tilespmem:$0x12880] =	vst v63  }
0x82: {  	_ =	swait.ge [sflag:s29], $0x2000  }
0x83: {  	[sflag:s29] =	ssyncset.done $0x0  }
0x84: {  	s4 =	rddreg [dreg:$0x4];
	[sflag:s29] =	ssyncadd.s32 $0xFFFFE000  }
0x85: {  	[hbm4b:s4+s1] =	stream.linear.scatter [tilespmem:s28], [sflag:$0x1], $0x2000, $0x38;
	[tilespmem:$0x12880] =	vst v63  }
0x86: {  	_ =	swait.ge [sflag:s29], $0x2000  }
0x87: {  	[sflag:s29] =	ssyncset.done $0x0  }
0x88: {  	[sflag:s29] =	ssyncadd.s32 $0xFFFFE000  }
0x89: {  	[tilespmem:s28], [sflag:$0x1] =	stream.linear.gather [spmem:s16], $0x2000, $0x38;
	[tilespmem:$0x12880] =	vst v63  }
0x8a: {  	_ =	swait.ge [sflag:s29], $0x2000  }
0x8b: {  	[sflag:s29] =	ssyncset.done $0x0  }
0x8c: {  	s10 =	rddreg [dreg:$0x5];
	[sflag:s29] =	ssyncadd.s32 $0xFFFFE000  }
0x8d: {  	[hbm4b:s10+s1] =	stream.linear.scatter [tilespmem:s28], [sflag:$0x1], $0x2000, $0x38;
	[tilespmem:$0x12880] =	vst v63  }
0x8e: {  	_ =	swait.ge [sflag:s29], $0x2000  }
0x8f: {  	[sflag:s29] =	ssyncset.done $0x0  }
0x90: {  	[sflag:s29] =	ssyncadd.s32 $0xFFFFE000  }
0x91: {  	[tilespmem:s28], [sflag:$0x1] =	stream.linear.gather [spmem:s17], $0x2000, $0x38;
	[tilespmem:$0x12880] =	vst v63  }
0x92: {  	_ =	swait.ge [sflag:s29], $0x2000  }
0x93: {  	[sflag:s29] =	ssyncset.done $0x0  }
0x94: {  	[sflag:s29] =	ssyncadd.s32 $0xFFFFE000  }
0x95: {  	[hbm4b:s5+s1] =	stream.linear.scatter [tilespmem:s28], [sflag:$0x1], $0x2000, $0x38;
	[tilespmem:$0x12880] =	vst v63  }
0x96: {  	_ =	swait.ge [sflag:s29], $0x2000  }
0x97: {  	[sflag:s29] =	ssyncset.done $0x0  }
0x98: {  	[sflag:s29] =	ssyncadd.s32 $0xFFFFE000  }
0x99: {  	[tilespmem:s28], [sflag:$0x1] =	stream.linear.gather [spmem:s18], $0x2000, $0x38;
	[tilespmem:$0x12880] =	vst v63  }
0x9a: {  	_ =	swait.ge [sflag:s29], $0x2000  }
0x9b: {  	[sflag:s29] =	ssyncset.done $0x0  }
0x9c: {  	[sflag:s29] =	ssyncadd.s32 $0xFFFFE000  }
0x9d: {  	[hbm4b:s6+s1] =	stream.linear.scatter [tilespmem:s28], [sflag:$0x1], $0x2000, $0x38;
	[tilespmem:$0x12880] =	vst v63  }
0x9e: {  	_ =	swait.ge [sflag:s29], $0x2000  }
0x9f: {  	[sflag:s29] =	ssyncset.done $0x0  }
0xa0: {  	[sflag:s29] =	ssyncadd.s32 $0xFFFFE000  }
0xa1: {  	[tilespmem:s28], [sflag:$0x1] =	stream.linear.gather [spmem:s19], $0x2000, $0x38;
	[tilespmem:$0x12880] =	vst v63  }
0xa2: {  	_ =	swait.ge [sflag:s29], $0x2000  }
0xa3: {  	[sflag:s29] =	ssyncset.done $0x0  }
0xa4: {  	[sflag:s29] =	ssyncadd.s32 $0xFFFFE000  }
0xa5: {  	[hbm4b:s7+s1] =	stream.linear.scatter [tilespmem:s28], [sflag:$0x1], $0x2000, $0x38;
	[tilespmem:$0x12880] =	vst v63  }
0xa6: {  	_ =	swait.ge [sflag:s29], $0x2000  }
0xa7: {  	[sflag:s29] =	ssyncset.done $0x0  }
0xa8: {  	[sflag:s29] =	ssyncadd.s32 $0xFFFFE000  }
0xa9: {  	[tilespmem:s28], [sflag:$0x1] =	stream.linear.gather [spmem:s20], $0x2000, $0x38;
	[tilespmem:$0x12880] =	vst v63  }
0xaa: {  	_ =	swait.ge [sflag:s29], $0x2000  }
0xab: {  	[sflag:s29] =	ssyncset.done $0x0  }
0xac: {  	[sflag:s29] =	ssyncadd.s32 $0xFFFFE000  }
0xad: {  	[hbm4b:s8+s1] =	stream.linear.scatter [tilespmem:s28], [sflag:$0x1], $0x2000, $0x38;
	[tilespmem:$0x12880] =	vst v63  }
0xae: {  	_ =	swait.ge [sflag:s29], $0x2000  }
0xaf: {  	[sflag:s29] =	ssyncset.done $0x0  }
0xb0: {  	[sflag:s29] =	ssyncadd.s32 $0xFFFFE000  }
0xb1: {  	[tilespmem:s28], [sflag:$0x1] =	stream.linear.gather [spmem:s21], $0x2000, $0x38;
	[tilespmem:$0x12880] =	vst v63  }
0xb2: {  	_ =	swait.ge [sflag:s29], $0x2000  }
0xb3: {  	[sflag:s29] =	ssyncset.done $0x0  }
0xb4: {  	[sflag:s29] =	ssyncadd.s32 $0xFFFFE000  }
0xb5: {  	[hbm4b:s9+s1] =	stream.linear.scatter [tilespmem:s28], [sflag:$0x1], $0x2000, $0x38;
	[tilespmem:$0x12880] =	vst v63  }
0xb6: {  	_ =	swait.ge [sflag:s29], $0x2000  }
0xb7: {  	[sflag:s29] =	ssyncset.done $0x0  }
0xb8: {  	[sflag:s29] =	ssyncadd.s32 $0xFFFFE000  }
0xb9: {  	[tilespmem:s28], [sflag:$0x1] =	stream.linear.gather [spmem:s22], $0x2000, $0x38;
	[tilespmem:$0x12880] =	vst v63  }
0xba: {  	_ =	swait.ge [sflag:s29], $0x2000  }
0xbb: {  	[sflag:s29] =	ssyncset.done $0x0  }
0xbc: {  	[sflag:s29] =	ssyncadd.s32 $0xFFFFE000  }
0xbd: {  	[hbm4b:s11+s1] =	stream.linear.scatter [tilespmem:s28], [sflag:$0x1], $0x2000, $0x38;
	[tilespmem:$0x12880] =	vst v63  }
0xbe: {  	_ =	swait.ge [sflag:s29], $0x2000  }
0xbf: {  	[sflag:s29] =	ssyncset.done $0x0  }
0xc0: {  	[sflag:s29] =	ssyncadd.s32 $0xFFFFE000  }
0xc1: {  	[tilespmem:s28], [sflag:$0x1] =	stream.linear.gather [spmem:s23], $0x2000, $0x38;
	[tilespmem:$0x12880] =	vst v63  }
0xc2: {  	s31 =	sadd.s32 $0x1, s31;
	_ =	swait.ge [sflag:s29], $0x2000  }
0xc3: {  	p0 =	sne.s32 s31, s24;
	[sflag:s29] =	ssyncset.done $0x0  }
.Ltmp2:
0xc4: {  	[sflag:s29] =	ssyncadd.s32 $0xFFFFE000;
	(pc) =	sbr.rel @p0 .LBB2_1-.Ltmp2, $4  }
0xc5: {  	[hbm4b:s12+s1] =	stream.linear.scatter [tilespmem:s28], [sflag:$0x1], $0x2000, $0x38;
	[tilespmem:$0x12880] =	vst v63  }
0xc6: {  	_ =	swait.ge [sflag:s29], $0x2000  }
0xc7: {  	[sflag:s29] =	ssyncset.done $0x0  }
0xc8: {  	[sflag:s29] =	ssyncadd.s32 $0xFFFFE000  }
0xc9: {  	_ =	sfence.sel $0x180000  }
0xca: {  	[bflag:$0x0] =	sbarrier.arrive $0xFFFF  }
0xcb: {  	_ =	strace $0x90000047  }
0xcc: {  	s0 =	stileid.u32;
	[bflag:$0x2] =	sbarrier.arrive $0xFFFF  }
0xcd: {  	p0 =	sne.s32 s0, $0x0;
	s0 =	rddreg [dreg:$0x2]  }
0xce: {  	s0 =	sadd.s32 @!p0 $0x100000, s0  }
0xcf: {  	[sflag:s0] =	ssyncadd.tile.s32 @!p0 $0x1;
	_ =	shalt  }
.Lfunc_end2:
_tile_overlayer_lowered:
.L_overlay_start_2:
0xd0: {  	(tag) =	ssettag $0x2  }
0xd1: {  	s0 =	rddreg [dreg:$0x0];
	s2 =	stileid.u32  }
0xd2: {  	s1 =	rddreg [dreg:$0x1];
	p0 =	sne.s32 s2, $0x0  }
0xd3: {  	s3 =	rddreg [dreg:$0x2];
	[bflag:$0x3] =	sbarrier.arrive $0xFFFF;
	s2 =	simm.s32 @!p0 $0x1C01  }
0xd4: {  	[timem:s3], [sflag:s2] =	dma.local @!p0 [hbm:s0], s1  }
0xd5: {  	s0 =	simm.s32 @!p0 $0x1  }
0xd6: {  	_ =	swait.ge @!p0 [sflag:s0], s1  }
0xd7: {  	s1 =	ssub.s32 @!p0 $0x0, s1;
	[sflag:s0] =	ssyncset.done @!p0 $0x0  }
0xd8: {  	[sflag:s0] =	ssyncadd.s32 @!p0 s1  }
0xd9: {  	[bflag:$0x3] =	sbarrier.arrive $0xFFFF  }
0xda: {  	_ =	shalt  }

</sc_bundles>
